<compile_context>
chip_gen: v7x
topology: tpu7x:2x2x1
jax: 0.10.2.dev20260603
libtpu: 0.0.44.dev20260713+nightly
codegen_flags: <defaults>
</compile_context>

<pallas_src>
import functools

import jax
import jax.numpy as jnp
from jax import lax
from jax.experimental import pallas as pl
from jax.experimental.pallas import tpu as pltpu
from jax.experimental.pallas import tpu_sc as plsc

B, N, S = 4, 8192, 2048
D1, D2 = 16, 32
H1, H2 = 64, 64

NB1 = 512
NB2 = 2048
NH = N // 2
NSELH = 3 * B * NH
DPAD = 128
SC_CHUNK = 128


def _k1sel_body(dist_ref, wout_ref, iout_ref):
    d = dist_ref[0]
    iota = lax.broadcasted_iota(jnp.int32, (NB1, S), 1).astype(jnp.float32)
    base = (pl.program_id(0) * S).astype(jnp.int32)
    recips = []
    idxs = []
    for k in range(3):
        vmin = jnp.min(d, axis=1, keepdims=True)
        t = jnp.where(d == vmin, iota, float(S))
        imin = jnp.min(t, axis=1, keepdims=True)
        recips.append(1.0 / (vmin + 1e-8))
        idxs.append(imin + base.astype(jnp.float32))
        if k < 2:
            d = jnp.where(t == imin, jnp.inf, d)
    norm = (recips[0] + recips[1]) + recips[2]
    z = jnp.zeros((NB1, 5), jnp.float32)
    wout_ref[0, 0] = jnp.concatenate(
        [recips[0] / norm, recips[1] / norm, recips[2] / norm, z], axis=1).T
    iout_ref[0, 0] = jnp.concatenate(idxs + [z], axis=1).T


_SC_INFO = plsc.get_sparse_core_info()
_NW = _SC_INFO.num_cores * _SC_INFO.num_subcores


def _sc_gather_body(table_hbm, idx_hbm, out_hbm, idx_v, rows_v, sem):
    wid = lax.axis_index("s") * _SC_INFO.num_cores + lax.axis_index("c")
    per_w = NSELH // _NW
    n_chunks = per_w // SC_CHUNK
    for j in range(n_chunks):
        base = wid * per_w + j * SC_CHUNK
        pltpu.sync_copy(idx_hbm.at[pl.ds(base, SC_CHUNK)], idx_v)
        pltpu.async_copy(table_hbm.at[idx_v], rows_v, sem).wait()
        pltpu.sync_copy(rows_v, out_hbm.at[pl.ds(base, SC_CHUNK)])


_sc_gather = functools.partial(
    pl.kernel,
    mesh=plsc.VectorSubcoreMesh(core_axis_name="c", subcore_axis_name="s"),
    out_type=jax.ShapeDtypeStruct((NSELH, DPAD), jnp.float32),
    scratch_types=[
        pltpu.VMEM((SC_CHUNK,), jnp.int32),
        pltpu.VMEM((SC_CHUNK, DPAD), jnp.float32),
        pltpu.SemaphoreType.DMA,
    ],
)(_sc_gather_body)


def _k1b_body(f0_ref, f1_ref, f2_ref, w0_ref, w1_ref, w2_ref, p1_ref,
              w1a_ref, w1b_ref, b1_ref, y1_ref, sums_ref):
    f0 = f0_ref[0, 0][:, :D2]
    f1 = f1_ref[0, 0][:, :D2]
    f2 = f2_ref[0, 0][:, :D2]
    interp = ((w0_ref[0] * f0 + w1_ref[0] * f1)
              + w2_ref[0] * f2)
    y1 = (lax.dot_general(p1_ref[0], w1a_ref[...], (((1,), (1,)), ((), ())),
                          preferred_element_type=jnp.float32)
          + lax.dot_general(interp, w1b_ref[...], (((1,), (1,)), ((), ())),
                            preferred_element_type=jnp.float32)
          + b1_ref[...])
    y1_ref[0] = y1
    s1 = jnp.sum(y1, axis=0, keepdims=True)
    s2 = jnp.sum(y1 * y1, axis=0, keepdims=True)
    sums_ref[0, 0] = jnp.concatenate(
        [s1, s2, jnp.zeros((6, H1), jnp.float32)], axis=0)


def _k2_body(y1_ref, sc_ref, sh_ref, w2_ref, b2_ref, y2_ref, sums_ref):
    h = jnp.maximum(y1_ref[0] * sc_ref[...] + sh_ref[...], 0.0)
    y2 = lax.dot_general(h, w2_ref[...], (((1,), (1,)), ((), ())),
                         preferred_element_type=jnp.float32) + b2_ref[...]
    y2_ref[0] = y2
    s1 = jnp.sum(y2, axis=0, keepdims=True)
    s2 = jnp.sum(y2 * y2, axis=0, keepdims=True)
    sums_ref[0, 0] = jnp.concatenate(
        [s1, s2, jnp.zeros((6, H2), jnp.float32)], axis=0)


def _k3_body(y2_ref, sc_ref, sh_ref, out_ref):
    out_ref[0] = jnp.maximum(y2_ref[0] * sc_ref[...] + sh_ref[...], 0.0)


@jax.jit
def kernel(xyz1, xyz2, points1, points2, W1, b1, g1, be1, W2, b2, g2, be2):
    nblk2 = N // NB2

    dist = -2.0 * jnp.einsum('bnc,bmc->bnm', xyz1, xyz2)
    dist = dist + jnp.sum(xyz1 ** 2, axis=-1)[:, :, None]
    dist = dist + jnp.sum(xyz2 ** 2, axis=-1)[:, None, :]

    W1a = W1[:, :D1]
    W1b = W1[:, D1:]

    nblkh = NH // NB1
    table = jnp.pad(points2.reshape(B * S, D2), ((0, 0), (0, DPAD - D2)))

    sel = []
    for h in range(2):
        off = h * nblkh
        sel.append(pl.pallas_call(
            _k1sel_body,
            grid=(B, nblkh),
            in_specs=[pl.BlockSpec((1, NB1, S),
                                   lambda b, i, off=off: (b, i + off, 0))],
            out_specs=[
                pl.BlockSpec((1, 1, 8, NB1), lambda b, i: (b, i, 0, 0)),
                pl.BlockSpec((1, 1, 8, NB1), lambda b, i: (b, i, 0, 0)),
            ],
            out_shape=[
                jax.ShapeDtypeStruct((B, nblkh, 8, NB1), jnp.float32),
                jax.ShapeDtypeStruct((B, nblkh, 8, NB1), jnp.float32),
            ],
        )(dist))

    halves = []
    for h, (wsel, isel) in enumerate(sel):
        idx = jnp.concatenate(
            [isel[:, :, k, :].reshape(B * NH) for k in range(3)]
        ).astype(jnp.int32)
        rows = _sc_gather(table, idx)
        feats = rows.reshape(3, B, NH, DPAD)
        wq = [wsel[:, :, k, :].reshape(B, NH, 1) for k in range(3)]
        off = h * nblkh
        halves.append(pl.pallas_call(
            _k1b_body,
            grid=(B, nblkh),
            in_specs=[
                pl.BlockSpec((1, 1, NB1, DPAD), lambda b, i: (0, b, i, 0)),
                pl.BlockSpec((1, 1, NB1, DPAD), lambda b, i: (1, b, i, 0)),
                pl.BlockSpec((1, 1, NB1, DPAD), lambda b, i: (2, b, i, 0)),
                pl.BlockSpec((1, NB1, 1), lambda b, i: (b, i, 0)),
                pl.BlockSpec((1, NB1, 1), lambda b, i: (b, i, 0)),
                pl.BlockSpec((1, NB1, 1), lambda b, i: (b, i, 0)),
                pl.BlockSpec((1, NB1, D1),
                             lambda b, i, off=off: (b, i + off, 0)),
                pl.BlockSpec((H1, D1), lambda b, i: (0, 0)),
                pl.BlockSpec((H1, D2), lambda b, i: (0, 0)),
                pl.BlockSpec((1, H1), lambda b, i: (0, 0)),
            ],
            out_specs=[
                pl.BlockSpec((1, NB1, H1), lambda b, i: (b, i, 0)),
                pl.BlockSpec((1, 1, 8, H1), lambda b, i: (b, i, 0, 0)),
            ],
            out_shape=[
                jax.ShapeDtypeStruct((B, NH, H1), jnp.float32),
                jax.ShapeDtypeStruct((B, nblkh, 8, H1), jnp.float32),
            ],
        )(feats, feats, feats, wq[0], wq[1], wq[2], points1,
          W1a, W1b, b1.reshape(1, H1)))

    y1 = jnp.concatenate([halves[0][0], halves[1][0]], axis=1)

    cnt = float(B * N)
    t = jnp.sum(halves[0][1], axis=(0, 1)) + jnp.sum(halves[1][1], axis=(0, 1))
    mean1, ex2 = t[0] / cnt, t[1] / cnt
    var1 = ex2 - mean1 * mean1
    sc1 = g1 / jnp.sqrt(var1 + 1e-5)
    sh1 = be1 - mean1 * sc1

    y2, sums2 = pl.pallas_call(
        _k2_body,
        grid=(B, nblk2),
        in_specs=[
            pl.BlockSpec((1, NB2, H1), lambda b, i: (b, i, 0)),
            pl.BlockSpec((1, H1), lambda b, i: (0, 0)),
            pl.BlockSpec((1, H1), lambda b, i: (0, 0)),
            pl.BlockSpec((H2, H1), lambda b, i: (0, 0)),
            pl.BlockSpec((1, H2), lambda b, i: (0, 0)),
        ],
        out_specs=[
            pl.BlockSpec((1, NB2, H2), lambda b, i: (b, i, 0)),
            pl.BlockSpec((1, 1, 8, H2), lambda b, i: (b, i, 0, 0)),
        ],
        out_shape=[
            jax.ShapeDtypeStruct((B, N, H2), jnp.float32),
            jax.ShapeDtypeStruct((B, nblk2, 8, H2), jnp.float32),
        ],
    )(y1, sc1.reshape(1, H1), sh1.reshape(1, H1), W2, b2.reshape(1, H2))

    t = jnp.sum(sums2, axis=(0, 1))
    mean2, ex2 = t[0] / cnt, t[1] / cnt
    var2 = ex2 - mean2 * mean2
    sc2 = g2 / jnp.sqrt(var2 + 1e-5)
    sh2 = be2 - mean2 * sc2

    out = pl.pallas_call(
        _k3_body,
        grid=(B, nblk2),
        in_specs=[
            pl.BlockSpec((1, NB2, H2), lambda b, i: (b, i, 0)),
            pl.BlockSpec((1, H2), lambda b, i: (0, 0)),
            pl.BlockSpec((1, H2), lambda b, i: (0, 0)),
        ],
        out_specs=pl.BlockSpec((1, NB2, H2), lambda b, i: (b, i, 0)),
        out_shape=jax.ShapeDtypeStruct((B, N, H2), jnp.float32),
    )(y2, sc2.reshape(1, H2), sh2.reshape(1, H2))

    return out

# --- scband reference (transcript-rebuilt; emitter-appended) ---
"""Pipeline reference for scband-feature-propagation-86165633892449 (READ-ONLY COPY).

The authoritative reference and input builder live on the scoring server;
editing this copy changes nothing except your own understanding.
"""

import jax, jax.numpy as jnp
import numpy as np

B, N, S = 4, 8192, 2048
D1, D2 = 16, 32
C_IN = D1 + D2
MLP = [64, 64]


def setup_inputs(seed: int = 0) -> dict:
    key = jax.random.key(seed)
    ks = jax.random.split(key, 8)
    inp = {
        "xyz1": jax.random.normal(ks[0], (B, N, 3), dtype=jnp.float32),
        "xyz2": jax.random.normal(ks[1], (B, S, 3), dtype=jnp.float32),
        "points1": jax.random.normal(ks[2], (B, N, D1), dtype=jnp.float32),
        "points2": jax.random.normal(ks[3], (B, S, D2), dtype=jnp.float32),
    }
    # learned params: conv1d(kernel=1) == linear, plus batchnorm affine
    last = C_IN
    for li, out_ch in enumerate(MLP, start=1):
        kw = jax.random.fold_in(key, 100 + li)
        inp[f"W{li}"] = jax.random.normal(kw, (out_ch, last), dtype=jnp.float32) * (1.0 / np.sqrt(last))
        inp[f"b{li}"] = jnp.zeros((out_ch,), dtype=jnp.float32)
        inp[f"g{li}"] = jnp.ones((out_ch,), dtype=jnp.float32)
        inp[f"be{li}"] = jnp.zeros((out_ch,), dtype=jnp.float32)
        last = out_ch
    return inp


def _square_distance(src, dst):
    d = -2.0 * jnp.einsum('bnc,bmc->bnm', src, dst)
    d = d + jnp.sum(src ** 2, axis=-1)[:, :, None]
    d = d + jnp.sum(dst ** 2, axis=-1)[:, None, :]
    return d


def reference(xyz1, xyz2, points1, points2, W1, b1, g1, be1, W2, b2, g2, be2):
    dist = _square_distance(xyz1, xyz2)                      # [B,N,S]
    order = jnp.argsort(dist, axis=-1)                        # [B,N,S]
    dist_sorted = jnp.take_along_axis(dist, order, axis=-1)
    d3 = dist_sorted[:, :, :3]                                # [B,N,3]
    idx = order[:, :, :3]                                     # [B,N,3]
    dist_recip = 1.0 / (d3 + 1e-8)
    norm = jnp.sum(dist_recip, axis=-1, keepdims=True)
    weight = dist_recip / norm                                # [B,N,3]
    gathered = jax.vmap(lambda p, i: p[i])(points2, idx)      # [B,N,3,D2]
    interpolated = jnp.sum(gathered * weight[..., None], axis=-2)  # [B,N,D2]
    x = jnp.concatenate([points1, interpolated], axis=-1)     # [B,N,C_IN]
    for (W, b, g, be) in ((W1, b1, g1, be1), (W2, b2, g2, be2)):
        x = jnp.einsum('bnc,oc->bno', x, W) + b
        mean = jnp.mean(x, axis=(0, 1))
        var = jnp.var(x, axis=(0, 1))
        x = (x - mean) / jnp.sqrt(var + 1e-5) * g + be
        x = jax.nn.relu(x)
    return x

if __name__ == "__main__":
    import jax
    _d = setup_inputs()
    print(jax.jit(kernel)(*tuple(_d.values())))

</pallas_src>

<mosaic_0001>
#map = affine_map<(d0, d1) -> (0, 0)>
#map1 = affine_map<(d0, d1) -> (0)>
module attributes {stable_mosaic.version = 14 : i64} {
  func.func @_sc_gather_body(%arg0: i32, %arg1: i32, %arg2: memref<8192x128xf32, #tpu.memory_space<hbm>>, %arg3: memref<49152xi32, #tpu.memory_space<hbm>>, %arg4: memref<49152x128xf32, #tpu.memory_space<hbm>>, %arg5: memref<128xi32, #tpu.memory_space<vmem>>, %arg6: memref<128x128xf32, #tpu.memory_space<vmem>>, %arg7: memref<!tpu.dma_semaphore, #tpu.memory_space<semaphore_mem>>) attributes {dimension_semantics = [#tpu.dimension_semantics<core_parallel>, #tpu.dimension_semantics<subcore_parallel>], iteration_bounds = array<i64: 2, 16>, scalar_prefetch = 0 : i64, scratch_operands = 3 : i64, tpu.core_type = #tpu.core_type<sc_vector_subcore>, window_params = [{transform_indices = #map}, {transform_indices = #map1}, {transform_indices = #map}]} {
    %mul3A = arith.constant 2 : i32
    %mul3A_0 = arith.muli %arg1, %mul3A : i32
    %add3A = arith.addi %mul3A_0, %arg0 : i32
    %mul3A_1 = arith.constant 1536 : i32
    %mul3A_2 = arith.muli %add3A, %mul3A_1 : i32
    %add3A_3 = arith.constant 0 : i32
    %add3A_4 = arith.addi %mul3A_2, %add3A_3 : i32
    "tpu.region"() ({
      %run_scoped3A = tpu.sem_alloc : memref<!tpu.dma_semaphore, #tpu.memory_space<semaphore_mem>>
      %dma_start3A_119 = tpu.memref_slice %arg3[%add3A_4] : memref<49152xi32, #tpu.memory_space<hbm>> -> memref<128xi32, #tpu.memory_space<hbm>>
      %dma_start3A_120 = tpu.memref_slice %arg3[%add3A_4] : memref<49152xi32, #tpu.memory_space<hbm>> -> memref<128xi32, #tpu.memory_space<hbm>>
      tpu.enqueue_dma source(%dma_start3A_120 : memref<128xi32, #tpu.memory_space<hbm>>) target(%arg5 : memref<128xi32, #tpu.memory_space<vmem>>) target_semaphore(%run_scoped3A : memref<!tpu.dma_semaphore, #tpu.memory_space<semaphore_mem>>)
      %dma_wait3A_121 = tpu.memref_slice %arg3[%add3A_4] : memref<49152xi32, #tpu.memory_space<hbm>> -> memref<128xi32, #tpu.memory_space<hbm>>
      %dma_wait3A_122 = tpu.memref_slice %arg3[%add3A_4] : memref<49152xi32, #tpu.memory_space<hbm>> -> memref<128xi32, #tpu.memory_space<hbm>>
      tpu.wait_dma2 semaphore(%run_scoped3A : memref<!tpu.dma_semaphore, #tpu.memory_space<semaphore_mem>>) src(%dma_wait3A_122 : memref<128xi32, #tpu.memory_space<hbm>>) dst(%arg5 : memref<128xi32, #tpu.memory_space<vmem>>)
      tpu.yield
    }) : () -> ()
    %dma_start3A = arith.constant 0 : i32
    %dma_start3A_5 = arith.constant 0 : i32
    %dma_start3A_6 = tpu.memref_slice %arg2[%dma_start3A, %dma_start3A_5] : memref<8192x128xf32, #tpu.memory_space<hbm>> -> memref<8192x128xf32, #tpu.memory_space<hbm>>
    tpu.enqueue_indirect_dma source(%dma_start3A_6 : memref<8192x128xf32, #tpu.memory_space<hbm>>) target(%arg6 : memref<128x128xf32, #tpu.memory_space<vmem>>) offsets(%arg5 : memref<128xi32, #tpu.memory_space<vmem>>) semaphore(%arg7 : memref<!tpu.dma_semaphore, #tpu.memory_space<semaphore_mem>>)
    %dma_wait3A = arith.constant 0 : i32
    %dma_wait3A_7 = arith.constant 0 : i32
    %dma_wait3A_8 = tpu.memref_slice %arg2[%dma_wait3A, %dma_wait3A_7] : memref<8192x128xf32, #tpu.memory_space<hbm>> -> memref<8192x128xf32, #tpu.memory_space<hbm>>
    tpu.wait_indirect_dma semaphore(%arg7 : memref<!tpu.dma_semaphore, #tpu.memory_space<semaphore_mem>>) src(%dma_wait3A_8 : memref<8192x128xf32, #tpu.memory_space<hbm>>) dst(%arg6 : memref<128x128xf32, #tpu.memory_space<vmem>>)
    "tpu.region"() ({
      %run_scoped3A = tpu.sem_alloc : memref<!tpu.dma_semaphore, #tpu.memory_space<semaphore_mem>>
      %dma_start3A_119 = arith.constant 0 : i32
      %dma_start3A_120 = tpu.memref_slice %arg4[%add3A_4, %dma_start3A_119] : memref<49152x128xf32, #tpu.memory_space<hbm>> -> memref<128x128xf32, #tpu.memory_space<hbm>>
      %dma_start3A_121 = arith.constant 0 : i32
      %dma_start3A_122 = tpu.memref_slice %arg4[%add3A_4, %dma_start3A_121] : memref<49152x128xf32, #tpu.memory_space<hbm>> -> memref<128x128xf32, #tpu.memory_space<hbm>>
      tpu.enqueue_dma source(%arg6 : memref<128x128xf32, #tpu.memory_space<vmem>>) target(%dma_start3A_122 : memref<128x128xf32, #tpu.memory_space<hbm>>) target_semaphore(%run_scoped3A : memref<!tpu.dma_semaphore, #tpu.memory_space<semaphore_mem>>)
      %dma_wait3A_123 = arith.constant 0 : i32
      %dma_wait3A_124 = tpu.memref_slice %arg4[%add3A_4, %dma_wait3A_123] : memref<49152x128xf32, #tpu.memory_space<hbm>> -> memref<128x128xf32, #tpu.memory_space<hbm>>
      %dma_wait3A_125 = arith.constant 0 : i32
      %dma_wait3A_126 = tpu.memref_slice %arg4[%add3A_4, %dma_wait3A_125] : memref<49152x128xf32, #tpu.memory_space<hbm>> -> memref<128x128xf32, #tpu.memory_space<hbm>>
      tpu.wait_dma2 semaphore(%run_scoped3A : memref<!tpu.dma_semaphore, #tpu.memory_space<semaphore_mem>>) src(%arg6 : memref<128x128xf32, #tpu.memory_space<vmem>>) dst(%dma_wait3A_126 : memref<128x128xf32, #tpu.memory_space<hbm>>)
      tpu.yield
    }) : () -> ()
    %mul3A_9 = arith.constant 1536 : i32
    %mul3A_10 = arith.muli %add3A, %mul3A_9 : i32
    %add3A_11 = arith.constant 128 : i32
    %add3A_12 = arith.addi %mul3A_10, %add3A_11 : i32
    "tpu.region"() ({
      %run_scoped3A = tpu.sem_alloc : memref<!tpu.dma_semaphore, #tpu.memory_space<semaphore_mem>>
      %dma_start3A_119 = tpu.memref_slice %arg3[%add3A_12] : memref<49152xi32, #tpu.memory_space<hbm>> -> memref<128xi32, #tpu.memory_space<hbm>>
      %dma_start3A_120 = tpu.memref_slice %arg3[%add3A_12] : memref<49152xi32, #tpu.memory_space<hbm>> -> memref<128xi32, #tpu.memory_space<hbm>>
      tpu.enqueue_dma source(%dma_start3A_120 : memref<128xi32, #tpu.memory_space<hbm>>) target(%arg5 : memref<128xi32, #tpu.memory_space<vmem>>) target_semaphore(%run_scoped3A : memref<!tpu.dma_semaphore, #tpu.memory_space<semaphore_mem>>)
      %dma_wait3A_121 = tpu.memref_slice %arg3[%add3A_12] : memref<49152xi32, #tpu.memory_space<hbm>> -> memref<128xi32, #tpu.memory_space<hbm>>
      %dma_wait3A_122 = tpu.memref_slice %arg3[%add3A_12] : memref<49152xi32, #tpu.memory_space<hbm>> -> memref<128xi32, #tpu.memory_space<hbm>>
      tpu.wait_dma2 semaphore(%run_scoped3A : memref<!tpu.dma_semaphore, #tpu.memory_space<semaphore_mem>>) src(%dma_wait3A_122 : memref<128xi32, #tpu.memory_space<hbm>>) dst(%arg5 : memref<128xi32, #tpu.memory_space<vmem>>)
      tpu.yield
    }) : () -> ()
    %dma_start3A_13 = arith.constant 0 : i32
    %dma_start3A_14 = arith.constant 0 : i32
    %dma_start3A_15 = tpu.memref_slice %arg2[%dma_start3A_13, %dma_start3A_14] : memref<8192x128xf32, #tpu.memory_space<hbm>> -> memref<8192x128xf32, #tpu.memory_space<hbm>>
    tpu.enqueue_indirect_dma source(%dma_start3A_15 : memref<8192x128xf32, #tpu.memory_space<hbm>>) target(%arg6 : memref<128x128xf32, #tpu.memory_space<vmem>>) offsets(%arg5 : memref<128xi32, #tpu.memory_space<vmem>>) semaphore(%arg7 : memref<!tpu.dma_semaphore, #tpu.memory_space<semaphore_mem>>)
    %dma_wait3A_16 = arith.constant 0 : i32
    %dma_wait3A_17 = arith.constant 0 : i32
    %dma_wait3A_18 = tpu.memref_slice %arg2[%dma_wait3A_16, %dma_wait3A_17] : memref<8192x128xf32, #tpu.memory_space<hbm>> -> memref<8192x128xf32, #tpu.memory_space<hbm>>
    tpu.wait_indirect_dma semaphore(%arg7 : memref<!tpu.dma_semaphore, #tpu.memory_space<semaphore_mem>>) src(%dma_wait3A_18 : memref<8192x128xf32, #tpu.memory_space<hbm>>) dst(%arg6 : memref<128x128xf32, #tpu.memory_space<vmem>>)
    "tpu.region"() ({
      %run_scoped3A = tpu.sem_alloc : memref<!tpu.dma_semaphore, #tpu.memory_space<semaphore_mem>>
      %dma_start3A_119 = arith.constant 0 : i32
      %dma_start3A_120 = tpu.memref_slice %arg4[%add3A_12, %dma_start3A_119] : memref<49152x128xf32, #tpu.memory_space<hbm>> -> memref<128x128xf32, #tpu.memory_space<hbm>>
      %dma_start3A_121 = arith.constant 0 : i32
      %dma_start3A_122 = tpu.memref_slice %arg4[%add3A_12, %dma_start3A_121] : memref<49152x128xf32, #tpu.memory_space<hbm>> -> memref<128x128xf32, #tpu.memory_space<hbm>>
      tpu.enqueue_dma source(%arg6 : memref<128x128xf32, #tpu.memory_space<vmem>>) target(%dma_start3A_122 : memref<128x128xf32, #tpu.memory_space<hbm>>) target_semaphore(%run_scoped3A : memref<!tpu.dma_semaphore, #tpu.memory_space<semaphore_mem>>)
      %dma_wait3A_123 = arith.constant 0 : i32
      %dma_wait3A_124 = tpu.memref_slice %arg4[%add3A_12, %dma_wait3A_123] : memref<49152x128xf32, #tpu.memory_space<hbm>> -> memref<128x128xf32, #tpu.memory_space<hbm>>
      %dma_wait3A_125 = arith.constant 0 : i32
      %dma_wait3A_126 = tpu.memref_slice %arg4[%add3A_12, %dma_wait3A_125] : memref<49152x128xf32, #tpu.memory_space<hbm>> -> memref<128x128xf32, #tpu.memory_space<hbm>>
      tpu.wait_dma2 semaphore(%run_scoped3A : memref<!tpu.dma_semaphore, #tpu.memory_space<semaphore_mem>>) src(%arg6 : memref<128x128xf32, #tpu.memory_space<vmem>>) dst(%dma_wait3A_126 : memref<128x128xf32, #tpu.memory_space<hbm>>)
      tpu.yield
    }) : () -> ()
    %mul3A_19 = arith.constant 1536 : i32
    %mul3A_20 = arith.muli %add3A, %mul3A_19 : i32
    %add3A_21 = arith.constant 256 : i32
    %add3A_22 = arith.addi %mul3A_20, %add3A_21 : i32
    "tpu.region"() ({
      %run_scoped3A = tpu.sem_alloc : memref<!tpu.dma_semaphore, #tpu.memory_space<semaphore_mem>>
      %dma_start3A_119 = tpu.memref_slice %arg3[%add3A_22] : memref<49152xi32, #tpu.memory_space<hbm>> -> memref<128xi32, #tpu.memory_space<hbm>>
      %dma_start3A_120 = tpu.memref_slice %arg3[%add3A_22] : memref<49152xi32, #tpu.memory_space<hbm>> -> memref<128xi32, #tpu.memory_space<hbm>>
      tpu.enqueue_dma source(%dma_start3A_120 : memref<128xi32, #tpu.memory_space<hbm>>) target(%arg5 : memref<128xi32, #tpu.memory_space<vmem>>) target_semaphore(%run_scoped3A : memref<!tpu.dma_semaphore, #tpu.memory_space<semaphore_mem>>)
      %dma_wait3A_121 = tpu.memref_slice %arg3[%add3A_22] : memref<49152xi32, #tpu.memory_space<hbm>> -> memref<128xi32, #tpu.memory_space<hbm>>
      %dma_wait3A_122 = tpu.memref_slice %arg3[%add3A_22] : memref<49152xi32, #tpu.memory_space<hbm>> -> memref<128xi32, #tpu.memory_space<hbm>>
      tpu.wait_dma2 semaphore(%run_scoped3A : memref<!tpu.dma_semaphore, #tpu.memory_space<semaphore_mem>>) src(%dma_wait3A_122 : memref<128xi32, #tpu.memory_space<hbm>>) dst(%arg5 : memref<128xi32, #tpu.memory_space<vmem>>)
      tpu.yield
    }) : () -> ()
    %dma_start3A_23 = arith.constant 0 : i32
    %dma_start3A_24 = arith.constant 0 : i32
    %dma_start3A_25 = tpu.memref_slice %arg2[%dma_start3A_23, %dma_start3A_24] : memref<8192x128xf32, #tpu.memory_space<hbm>> -> memref<8192x128xf32, #tpu.memory_space<hbm>>
    tpu.enqueue_indirect_dma source(%dma_start3A_25 : memref<8192x128xf32, #tpu.memory_space<hbm>>) target(%arg6 : memref<128x128xf32, #tpu.memory_space<vmem>>) offsets(%arg5 : memref<128xi32, #tpu.memory_space<vmem>>) semaphore(%arg7 : memref<!tpu.dma_semaphore, #tpu.memory_space<semaphore_mem>>)
    %dma_wait3A_26 = arith.constant 0 : i32
    %dma_wait3A_27 = arith.constant 0 : i32
    %dma_wait3A_28 = tpu.memref_slice %arg2[%dma_wait3A_26, %dma_wait3A_27] : memref<8192x128xf32, #tpu.memory_space<hbm>> -> memref<8192x128xf32, #tpu.memory_space<hbm>>
    tpu.wait_indirect_dma semaphore(%arg7 : memref<!tpu.dma_semaphore, #tpu.memory_space<semaphore_mem>>) src(%dma_wait3A_28 : memref<8192x128xf32, #tpu.memory_space<hbm>>) dst(%arg6 : memref<128x128xf32, #tpu.memory_space<vmem>>)
    "tpu.region"() ({
      %run_scoped3A = tpu.sem_alloc : memref<!tpu.dma_semaphore, #tpu.memory_space<semaphore_mem>>
      %dma_start3A_119 = arith.constant 0 : i32
      %dma_start3A_120 = tpu.memref_slice %arg4[%add3A_22, %dma_start3A_119] : memref<49152x128xf32, #tpu.memory_space<hbm>> -> memref<128x128xf32, #tpu.memory_space<hbm>>
      %dma_start3A_121 = arith.constant 0 : i32
      %dma_start3A_122 = tpu.memref_slice %arg4[%add3A_22, %dma_start3A_121] : memref<49152x128xf32, #tpu.memory_space<hbm>> -> memref<128x128xf32, #tpu.memory_space<hbm>>
      tpu.enqueue_dma source(%arg6 : memref<128x128xf32, #tpu.memory_space<vmem>>) target(%dma_start3A_122 : memref<128x128xf32, #tpu.memory_space<hbm>>) target_semaphore(%run_scoped3A : memref<!tpu.dma_semaphore, #tpu.memory_space<semaphore_mem>>)
      %dma_wait3A_123 = arith.constant 0 : i32
      %dma_wait3A_124 = tpu.memref_slice %arg4[%add3A_22, %dma_wait3A_123] : memref<49152x128xf32, #tpu.memory_space<hbm>> -> memref<128x128xf32, #tpu.memory_space<hbm>>
      %dma_wait3A_125 = arith.constant 0 : i32
      %dma_wait3A_126 = tpu.memref_slice %arg4[%add3A_22, %dma_wait3A_125] : memref<49152x128xf32, #tpu.memory_space<hbm>> -> memref<128x128xf32, #tpu.memory_space<hbm>>
      tpu.wait_dma2 semaphore(%run_scoped3A : memref<!tpu.dma_semaphore, #tpu.memory_space<semaphore_mem>>) src(%arg6 : memref<128x128xf32, #tpu.memory_space<vmem>>) dst(%dma_wait3A_126 : memref<128x128xf32, #tpu.memory_space<hbm>>)
      tpu.yield
    }) : () -> ()
    %mul3A_29 = arith.constant 1536 : i32
    %mul3A_30 = arith.muli %add3A, %mul3A_29 : i32
    %add3A_31 = arith.constant 384 : i32
    %add3A_32 = arith.addi %mul3A_30, %add3A_31 : i32
    "tpu.region"() ({
      %run_scoped3A = tpu.sem_alloc : memref<!tpu.dma_semaphore, #tpu.memory_space<semaphore_mem>>
      %dma_start3A_119 = tpu.memref_slice %arg3[%add3A_32] : memref<49152xi32, #tpu.memory_space<hbm>> -> memref<128xi32, #tpu.memory_space<hbm>>
      %dma_start3A_120 = tpu.memref_slice %arg3[%add3A_32] : memref<49152xi32, #tpu.memory_space<hbm>> -> memref<128xi32, #tpu.memory_space<hbm>>
      tpu.enqueue_dma source(%dma_start3A_120 : memref<128xi32, #tpu.memory_space<hbm>>) target(%arg5 : memref<128xi32, #tpu.memory_space<vmem>>) target_semaphore(%run_scoped3A : memref<!tpu.dma_semaphore, #tpu.memory_space<semaphore_mem>>)
      %dma_wait3A_121 = tpu.memref_slice %arg3[%add3A_32] : memref<49152xi32, #tpu.memory_space<hbm>> -> memref<128xi32, #tpu.memory_space<hbm>>
      %dma_wait3A_122 = tpu.memref_slice %arg3[%add3A_32] : memref<49152xi32, #tpu.memory_space<hbm>> -> memref<128xi32, #tpu.memory_space<hbm>>
      tpu.wait_dma2 semaphore(%run_scoped3A : memref<!tpu.dma_semaphore, #tpu.memory_space<semaphore_mem>>) src(%dma_wait3A_122 : memref<128xi32, #tpu.memory_space<hbm>>) dst(%arg5 : memref<128xi32, #tpu.memory_space<vmem>>)
      tpu.yield
    }) : () -> ()
    %dma_start3A_33 = arith.constant 0 : i32
    %dma_start3A_34 = arith.constant 0 : i32
    %dma_start3A_35 = tpu.memref_slice %arg2[%dma_start3A_33, %dma_start3A_34] : memref<8192x128xf32, #tpu.memory_space<hbm>> -> memref<8192x128xf32, #tpu.memory_space<hbm>>
    tpu.enqueue_indirect_dma source(%dma_start3A_35 : memref<8192x128xf32, #tpu.memory_space<hbm>>) target(%arg6 : memref<128x128xf32, #tpu.memory_space<vmem>>) offsets(%arg5 : memref<128xi32, #tpu.memory_space<vmem>>) semaphore(%arg7 : memref<!tpu.dma_semaphore, #tpu.memory_space<semaphore_mem>>)
    %dma_wait3A_36 = arith.constant 0 : i32
    %dma_wait3A_37 = arith.constant 0 : i32
    %dma_wait3A_38 = tpu.memref_slice %arg2[%dma_wait3A_36, %dma_wait3A_37] : memref<8192x128xf32, #tpu.memory_space<hbm>> -> memref<8192x128xf32, #tpu.memory_space<hbm>>
    tpu.wait_indirect_dma semaphore(%arg7 : memref<!tpu.dma_semaphore, #tpu.memory_space<semaphore_mem>>) src(%dma_wait3A_38 : memref<8192x128xf32, #tpu.memory_space<hbm>>) dst(%arg6 : memref<128x128xf32, #tpu.memory_space<vmem>>)
    "tpu.region"() ({
      %run_scoped3A = tpu.sem_alloc : memref<!tpu.dma_semaphore, #tpu.memory_space<semaphore_mem>>
      %dma_start3A_119 = arith.constant 0 : i32
      %dma_start3A_120 = tpu.memref_slice %arg4[%add3A_32, %dma_start3A_119] : memref<49152x128xf32, #tpu.memory_space<hbm>> -> memref<128x128xf32, #tpu.memory_space<hbm>>
      %dma_start3A_121 = arith.constant 0 : i32
      %dma_start3A_122 = tpu.memref_slice %arg4[%add3A_32, %dma_start3A_121] : memref<49152x128xf32, #tpu.memory_space<hbm>> -> memref<128x128xf32, #tpu.memory_space<hbm>>
      tpu.enqueue_dma source(%arg6 : memref<128x128xf32, #tpu.memory_space<vmem>>) target(%dma_start3A_122 : memref<128x128xf32, #tpu.memory_space<hbm>>) target_semaphore(%run_scoped3A : memref<!tpu.dma_semaphore, #tpu.memory_space<semaphore_mem>>)
      %dma_wait3A_123 = arith.constant 0 : i32
      %dma_wait3A_124 = tpu.memref_slice %arg4[%add3A_32, %dma_wait3A_123] : memref<49152x128xf32, #tpu.memory_space<hbm>> -> memref<128x128xf32, #tpu.memory_space<hbm>>
      %dma_wait3A_125 = arith.constant 0 : i32
      %dma_wait3A_126 = tpu.memref_slice %arg4[%add3A_32, %dma_wait3A_125] : memref<49152x128xf32, #tpu.memory_space<hbm>> -> memref<128x128xf32, #tpu.memory_space<hbm>>
      tpu.wait_dma2 semaphore(%run_scoped3A : memref<!tpu.dma_semaphore, #tpu.memory_space<semaphore_mem>>) src(%arg6 : memref<128x128xf32, #tpu.memory_space<vmem>>) dst(%dma_wait3A_126 : memref<128x128xf32, #tpu.memory_space<hbm>>)
      tpu.yield
    }) : () -> ()
    %mul3A_39 = arith.constant 1536 : i32
    %mul3A_40 = arith.muli %add3A, %mul3A_39 : i32
    %add3A_41 = arith.constant 512 : i32
    %add3A_42 = arith.addi %mul3A_40, %add3A_41 : i32
    "tpu.region"() ({
      %run_scoped3A = tpu.sem_alloc : memref<!tpu.dma_semaphore, #tpu.memory_space<semaphore_mem>>
      %dma_start3A_119 = tpu.memref_slice %arg3[%add3A_42] : memref<49152xi32, #tpu.memory_space<hbm>> -> memref<128xi32, #tpu.memory_space<hbm>>
      %dma_start3A_120 = tpu.memref_slice %arg3[%add3A_42] : memref<49152xi32, #tpu.memory_space<hbm>> -> memref<128xi32, #tpu.memory_space<hbm>>
      tpu.enqueue_dma source(%dma_start3A_120 : memref<128xi32, #tpu.memory_space<hbm>>) target(%arg5 : memref<128xi32, #tpu.memory_space<vmem>>) target_semaphore(%run_scoped3A : memref<!tpu.dma_semaphore, #tpu.memory_space<semaphore_mem>>)
      %dma_wait3A_121 = tpu.memref_slice %arg3[%add3A_42] : memref<49152xi32, #tpu.memory_space<hbm>> -> memref<128xi32, #tpu.memory_space<hbm>>
      %dma_wait3A_122 = tpu.memref_slice %arg3[%add3A_42] : memref<49152xi32, #tpu.memory_space<hbm>> -> memref<128xi32, #tpu.memory_space<hbm>>
      tpu.wait_dma2 semaphore(%run_scoped3A : memref<!tpu.dma_semaphore, #tpu.memory_space<semaphore_mem>>) src(%dma_wait3A_122 : memref<128xi32, #tpu.memory_space<hbm>>) dst(%arg5 : memref<128xi32, #tpu.memory_space<vmem>>)
      tpu.yield
    }) : () -> ()
    %dma_start3A_43 = arith.constant 0 : i32
    %dma_start3A_44 = arith.constant 0 : i32
    %dma_start3A_45 = tpu.memref_slice %arg2[%dma_start3A_43, %dma_start3A_44] : memref<8192x128xf32, #tpu.memory_space<hbm>> -> memref<8192x128xf32, #tpu.memory_space<hbm>>
    tpu.enqueue_indirect_dma source(%dma_start3A_45 : memref<8192x128xf32, #tpu.memory_space<hbm>>) target(%arg6 : memref<128x128xf32, #tpu.memory_space<vmem>>) offsets(%arg5 : memref<128xi32, #tpu.memory_space<vmem>>) semaphore(%arg7 : memref<!tpu.dma_semaphore, #tpu.memory_space<semaphore_mem>>)
    %dma_wait3A_46 = arith.constant 0 : i32
    %dma_wait3A_47 = arith.constant 0 : i32
    %dma_wait3A_48 = tpu.memref_slice %arg2[%dma_wait3A_46, %dma_wait3A_47] : memref<8192x128xf32, #tpu.memory_space<hbm>> -> memref<8192x128xf32, #tpu.memory_space<hbm>>
    tpu.wait_indirect_dma semaphore(%arg7 : memref<!tpu.dma_semaphore, #tpu.memory_space<semaphore_mem>>) src(%dma_wait3A_48 : memref<8192x128xf32, #tpu.memory_space<hbm>>) dst(%arg6 : memref<128x128xf32, #tpu.memory_space<vmem>>)
    "tpu.region"() ({
      %run_scoped3A = tpu.sem_alloc : memref<!tpu.dma_semaphore, #tpu.memory_space<semaphore_mem>>
      %dma_start3A_119 = arith.constant 0 : i32
      %dma_start3A_120 = tpu.memref_slice %arg4[%add3A_42, %dma_start3A_119] : memref<49152x128xf32, #tpu.memory_space<hbm>> -> memref<128x128xf32, #tpu.memory_space<hbm>>
      %dma_start3A_121 = arith.constant 0 : i32
      %dma_start3A_122 = tpu.memref_slice %arg4[%add3A_42, %dma_start3A_121] : memref<49152x128xf32, #tpu.memory_space<hbm>> -> memref<128x128xf32, #tpu.memory_space<hbm>>
      tpu.enqueue_dma source(%arg6 : memref<128x128xf32, #tpu.memory_space<vmem>>) target(%dma_start3A_122 : memref<128x128xf32, #tpu.memory_space<hbm>>) target_semaphore(%run_scoped3A : memref<!tpu.dma_semaphore, #tpu.memory_space<semaphore_mem>>)
      %dma_wait3A_123 = arith.constant 0 : i32
      %dma_wait3A_124 = tpu.memref_slice %arg4[%add3A_42, %dma_wait3A_123] : memref<49152x128xf32, #tpu.memory_space<hbm>> -> memref<128x128xf32, #tpu.memory_space<hbm>>
      %dma_wait3A_125 = arith.constant 0 : i32
      %dma_wait3A_126 = tpu.memref_slice %arg4[%add3A_42, %dma_wait3A_125] : memref<49152x128xf32, #tpu.memory_space<hbm>> -> memref<128x128xf32, #tpu.memory_space<hbm>>
      tpu.wait_dma2 semaphore(%run_scoped3A : memref<!tpu.dma_semaphore, #tpu.memory_space<semaphore_mem>>) src(%arg6 : memref<128x128xf32, #tpu.memory_space<vmem>>) dst(%dma_wait3A_126 : memref<128x128xf32, #tpu.memory_space<hbm>>)
      tpu.yield
    }) : () -> ()
    %mul3A_49 = arith.constant 1536 : i32
    %mul3A_50 = arith.muli %add3A, %mul3A_49 : i32
    %add3A_51 = arith.constant 640 : i32
    %add3A_52 = arith.addi %mul3A_50, %add3A_51 : i32
    "tpu.region"() ({
      %run_scoped3A = tpu.sem_alloc : memref<!tpu.dma_semaphore, #tpu.memory_space<semaphore_mem>>
      %dma_start3A_119 = tpu.memref_slice %arg3[%add3A_52] : memref<49152xi32, #tpu.memory_space<hbm>> -> memref<128xi32, #tpu.memory_space<hbm>>
      %dma_start3A_120 = tpu.memref_slice %arg3[%add3A_52] : memref<49152xi32, #tpu.memory_space<hbm>> -> memref<128xi32, #tpu.memory_space<hbm>>
      tpu.enqueue_dma source(%dma_start3A_120 : memref<128xi32, #tpu.memory_space<hbm>>) target(%arg5 : memref<128xi32, #tpu.memory_space<vmem>>) target_semaphore(%run_scoped3A : memref<!tpu.dma_semaphore, #tpu.memory_space<semaphore_mem>>)
      %dma_wait3A_121 = tpu.memref_slice %arg3[%add3A_52] : memref<49152xi32, #tpu.memory_space<hbm>> -> memref<128xi32, #tpu.memory_space<hbm>>
      %dma_wait3A_122 = tpu.memref_slice %arg3[%add3A_52] : memref<49152xi32, #tpu.memory_space<hbm>> -> memref<128xi32, #tpu.memory_space<hbm>>
      tpu.wait_dma2 semaphore(%run_scoped3A : memref<!tpu.dma_semaphore, #tpu.memory_space<semaphore_mem>>) src(%dma_wait3A_122 : memref<128xi32, #tpu.memory_space<hbm>>) dst(%arg5 : memref<128xi32, #tpu.memory_space<vmem>>)
      tpu.yield
    }) : () -> ()
    %dma_start3A_53 = arith.constant 0 : i32
    %dma_start3A_54 = arith.constant 0 : i32
    %dma_start3A_55 = tpu.memref_slice %arg2[%dma_start3A_53, %dma_start3A_54] : memref<8192x128xf32, #tpu.memory_space<hbm>> -> memref<8192x128xf32, #tpu.memory_space<hbm>>
    tpu.enqueue_indirect_dma source(%dma_start3A_55 : memref<8192x128xf32, #tpu.memory_space<hbm>>) target(%arg6 : memref<128x128xf32, #tpu.memory_space<vmem>>) offsets(%arg5 : memref<128xi32, #tpu.memory_space<vmem>>) semaphore(%arg7 : memref<!tpu.dma_semaphore, #tpu.memory_space<semaphore_mem>>)
    %dma_wait3A_56 = arith.constant 0 : i32
    %dma_wait3A_57 = arith.constant 0 : i32
    %dma_wait3A_58 = tpu.memref_slice %arg2[%dma_wait3A_56, %dma_wait3A_57] : memref<8192x128xf32, #tpu.memory_space<hbm>> -> memref<8192x128xf32, #tpu.memory_space<hbm>>
    tpu.wait_indirect_dma semaphore(%arg7 : memref<!tpu.dma_semaphore, #tpu.memory_space<semaphore_mem>>) src(%dma_wait3A_58 : memref<8192x128xf32, #tpu.memory_space<hbm>>) dst(%arg6 : memref<128x128xf32, #tpu.memory_space<vmem>>)
    "tpu.region"() ({
      %run_scoped3A = tpu.sem_alloc : memref<!tpu.dma_semaphore, #tpu.memory_space<semaphore_mem>>
      %dma_start3A_119 = arith.constant 0 : i32
      %dma_start3A_120 = tpu.memref_slice %arg4[%add3A_52, %dma_start3A_119] : memref<49152x128xf32, #tpu.memory_space<hbm>> -> memref<128x128xf32, #tpu.memory_space<hbm>>
      %dma_start3A_121 = arith.constant 0 : i32
      %dma_start3A_122 = tpu.memref_slice %arg4[%add3A_52, %dma_start3A_121] : memref<49152x128xf32, #tpu.memory_space<hbm>> -> memref<128x128xf32, #tpu.memory_space<hbm>>
      tpu.enqueue_dma source(%arg6 : memref<128x128xf32, #tpu.memory_space<vmem>>) target(%dma_start3A_122 : memref<128x128xf32, #tpu.memory_space<hbm>>) target_semaphore(%run_scoped3A : memref<!tpu.dma_semaphore, #tpu.memory_space<semaphore_mem>>)
      %dma_wait3A_123 = arith.constant 0 : i32
      %dma_wait3A_124 = tpu.memref_slice %arg4[%add3A_52, %dma_wait3A_123] : memref<49152x128xf32, #tpu.memory_space<hbm>> -> memref<128x128xf32, #tpu.memory_space<hbm>>
      %dma_wait3A_125 = arith.constant 0 : i32
      %dma_wait3A_126 = tpu.memref_slice %arg4[%add3A_52, %dma_wait3A_125] : memref<49152x128xf32, #tpu.memory_space<hbm>> -> memref<128x128xf32, #tpu.memory_space<hbm>>
      tpu.wait_dma2 semaphore(%run_scoped3A : memref<!tpu.dma_semaphore, #tpu.memory_space<semaphore_mem>>) src(%arg6 : memref<128x128xf32, #tpu.memory_space<vmem>>) dst(%dma_wait3A_126 : memref<128x128xf32, #tpu.memory_space<hbm>>)
      tpu.yield
    }) : () -> ()
    %mul3A_59 = arith.constant 1536 : i32
    %mul3A_60 = arith.muli %add3A, %mul3A_59 : i32
    %add3A_61 = arith.constant 768 : i32
    %add3A_62 = arith.addi %mul3A_60, %add3A_61 : i32
    "tpu.region"() ({
      %run_scoped3A = tpu.sem_alloc : memref<!tpu.dma_semaphore, #tpu.memory_space<semaphore_mem>>
      %dma_start3A_119 = tpu.memref_slice %arg3[%add3A_62] : memref<49152xi32, #tpu.memory_space<hbm>> -> memref<128xi32, #tpu.memory_space<hbm>>
      %dma_start3A_120 = tpu.memref_slice %arg3[%add3A_62] : memref<49152xi32, #tpu.memory_space<hbm>> -> memref<128xi32, #tpu.memory_space<hbm>>
      tpu.enqueue_dma source(%dma_start3A_120 : memref<128xi32, #tpu.memory_space<hbm>>) target(%arg5 : memref<128xi32, #tpu.memory_space<vmem>>) target_semaphore(%run_scoped3A : memref<!tpu.dma_semaphore, #tpu.memory_space<semaphore_mem>>)
      %dma_wait3A_121 = tpu.memref_slice %arg3[%add3A_62] : memref<49152xi32, #tpu.memory_space<hbm>> -> memref<128xi32, #tpu.memory_space<hbm>>
      %dma_wait3A_122 = tpu.memref_slice %arg3[%add3A_62] : memref<49152xi32, #tpu.memory_space<hbm>> -> memref<128xi32, #tpu.memory_space<hbm>>
      tpu.wait_dma2 semaphore(%run_scoped3A : memref<!tpu.dma_semaphore, #tpu.memory_space<semaphore_mem>>) src(%dma_wait3A_122 : memref<128xi32, #tpu.memory_space<hbm>>) dst(%arg5 : memref<128xi32, #tpu.memory_space<vmem>>)
      tpu.yield
    }) : () -> ()
    %dma_start3A_63 = arith.constant 0 : i32
    %dma_start3A_64 = arith.constant 0 : i32
    %dma_start3A_65 = tpu.memref_slice %arg2[%dma_start3A_63, %dma_start3A_64] : memref<8192x128xf32, #tpu.memory_space<hbm>> -> memref<8192x128xf32, #tpu.memory_space<hbm>>
    tpu.enqueue_indirect_dma source(%dma_start3A_65 : memref<8192x128xf32, #tpu.memory_space<hbm>>) target(%arg6 : memref<128x128xf32, #tpu.memory_space<vmem>>) offsets(%arg5 : memref<128xi32, #tpu.memory_space<vmem>>) semaphore(%arg7 : memref<!tpu.dma_semaphore, #tpu.memory_space<semaphore_mem>>)
    %dma_wait3A_66 = arith.constant 0 : i32
    %dma_wait3A_67 = arith.constant 0 : i32
    %dma_wait3A_68 = tpu.memref_slice %arg2[%dma_wait3A_66, %dma_wait3A_67] : memref<8192x128xf32, #tpu.memory_space<hbm>> -> memref<8192x128xf32, #tpu.memory_space<hbm>>
    tpu.wait_indirect_dma semaphore(%arg7 : memref<!tpu.dma_semaphore, #tpu.memory_space<semaphore_mem>>) src(%dma_wait3A_68 : memref<8192x128xf32, #tpu.memory_space<hbm>>) dst(%arg6 : memref<128x128xf32, #tpu.memory_space<vmem>>)
    "tpu.region"() ({
      %run_scoped3A = tpu.sem_alloc : memref<!tpu.dma_semaphore, #tpu.memory_space<semaphore_mem>>
      %dma_start3A_119 = arith.constant 0 : i32
      %dma_start3A_120 = tpu.memref_slice %arg4[%add3A_62, %dma_start3A_119] : memref<49152x128xf32, #tpu.memory_space<hbm>> -> memref<128x128xf32, #tpu.memory_space<hbm>>
      %dma_start3A_121 = arith.constant 0 : i32
      %dma_start3A_122 = tpu.memref_slice %arg4[%add3A_62, %dma_start3A_121] : memref<49152x128xf32, #tpu.memory_space<hbm>> -> memref<128x128xf32, #tpu.memory_space<hbm>>
      tpu.enqueue_dma source(%arg6 : memref<128x128xf32, #tpu.memory_space<vmem>>) target(%dma_start3A_122 : memref<128x128xf32, #tpu.memory_space<hbm>>) target_semaphore(%run_scoped3A : memref<!tpu.dma_semaphore, #tpu.memory_space<semaphore_mem>>)
      %dma_wait3A_123 = arith.constant 0 : i32
      %dma_wait3A_124 = tpu.memref_slice %arg4[%add3A_62, %dma_wait3A_123] : memref<49152x128xf32, #tpu.memory_space<hbm>> -> memref<128x128xf32, #tpu.memory_space<hbm>>
      %dma_wait3A_125 = arith.constant 0 : i32
      %dma_wait3A_126 = tpu.memref_slice %arg4[%add3A_62, %dma_wait3A_125] : memref<49152x128xf32, #tpu.memory_space<hbm>> -> memref<128x128xf32, #tpu.memory_space<hbm>>
      tpu.wait_dma2 semaphore(%run_scoped3A : memref<!tpu.dma_semaphore, #tpu.memory_space<semaphore_mem>>) src(%arg6 : memref<128x128xf32, #tpu.memory_space<vmem>>) dst(%dma_wait3A_126 : memref<128x128xf32, #tpu.memory_space<hbm>>)
      tpu.yield
    }) : () -> ()
    %mul3A_69 = arith.constant 1536 : i32
    %mul3A_70 = arith.muli %add3A, %mul3A_69 : i32
    %add3A_71 = arith.constant 896 : i32
    %add3A_72 = arith.addi %mul3A_70, %add3A_71 : i32
    "tpu.region"() ({
      %run_scoped3A = tpu.sem_alloc : memref<!tpu.dma_semaphore, #tpu.memory_space<semaphore_mem>>
      %dma_start3A_119 = tpu.memref_slice %arg3[%add3A_72] : memref<49152xi32, #tpu.memory_space<hbm>> -> memref<128xi32, #tpu.memory_space<hbm>>
      %dma_start3A_120 = tpu.memref_slice %arg3[%add3A_72] : memref<49152xi32, #tpu.memory_space<hbm>> -> memref<128xi32, #tpu.memory_space<hbm>>
      tpu.enqueue_dma source(%dma_start3A_120 : memref<128xi32, #tpu.memory_space<hbm>>) target(%arg5 : memref<128xi32, #tpu.memory_space<vmem>>) target_semaphore(%run_scoped3A : memref<!tpu.dma_semaphore, #tpu.memory_space<semaphore_mem>>)
      %dma_wait3A_121 = tpu.memref_slice %arg3[%add3A_72] : memref<49152xi32, #tpu.memory_space<hbm>> -> memref<128xi32, #tpu.memory_space<hbm>>
      %dma_wait3A_122 = tpu.memref_slice %arg3[%add3A_72] : memref<49152xi32, #tpu.memory_space<hbm>> -> memref<128xi32, #tpu.memory_space<hbm>>
      tpu.wait_dma2 semaphore(%run_scoped3A : memref<!tpu.dma_semaphore, #tpu.memory_space<semaphore_mem>>) src(%dma_wait3A_122 : memref<128xi32, #tpu.memory_space<hbm>>) dst(%arg5 : memref<128xi32, #tpu.memory_space<vmem>>)
      tpu.yield
    }) : () -> ()
    %dma_start3A_73 = arith.constant 0 : i32
    %dma_start3A_74 = arith.constant 0 : i32
    %dma_start3A_75 = tpu.memref_slice %arg2[%dma_start3A_73, %dma_start3A_74] : memref<8192x128xf32, #tpu.memory_space<hbm>> -> memref<8192x128xf32, #tpu.memory_space<hbm>>
    tpu.enqueue_indirect_dma source(%dma_start3A_75 : memref<8192x128xf32, #tpu.memory_space<hbm>>) target(%arg6 : memref<128x128xf32, #tpu.memory_space<vmem>>) offsets(%arg5 : memref<128xi32, #tpu.memory_space<vmem>>) semaphore(%arg7 : memref<!tpu.dma_semaphore, #tpu.memory_space<semaphore_mem>>)
    %dma_wait3A_76 = arith.constant 0 : i32
    %dma_wait3A_77 = arith.constant 0 : i32
    %dma_wait3A_78 = tpu.memref_slice %arg2[%dma_wait3A_76, %dma_wait3A_77] : memref<8192x128xf32, #tpu.memory_space<hbm>> -> memref<8192x128xf32, #tpu.memory_space<hbm>>
    tpu.wait_indirect_dma semaphore(%arg7 : memref<!tpu.dma_semaphore, #tpu.memory_space<semaphore_mem>>) src(%dma_wait3A_78 : memref<8192x128xf32, #tpu.memory_space<hbm>>) dst(%arg6 : memref<128x128xf32, #tpu.memory_space<vmem>>)
    "tpu.region"() ({
      %run_scoped3A = tpu.sem_alloc : memref<!tpu.dma_semaphore, #tpu.memory_space<semaphore_mem>>
      %dma_start3A_119 = arith.constant 0 : i32
      %dma_start3A_120 = tpu.memref_slice %arg4[%add3A_72, %dma_start3A_119] : memref<49152x128xf32, #tpu.memory_space<hbm>> -> memref<128x128xf32, #tpu.memory_space<hbm>>
      %dma_start3A_121 = arith.constant 0 : i32
      %dma_start3A_122 = tpu.memref_slice %arg4[%add3A_72, %dma_start3A_121] : memref<49152x128xf32, #tpu.memory_space<hbm>> -> memref<128x128xf32, #tpu.memory_space<hbm>>
      tpu.enqueue_dma source(%arg6 : memref<128x128xf32, #tpu.memory_space<vmem>>) target(%dma_start3A_122 : memref<128x128xf32, #tpu.memory_space<hbm>>) target_semaphore(%run_scoped3A : memref<!tpu.dma_semaphore, #tpu.memory_space<semaphore_mem>>)
      %dma_wait3A_123 = arith.constant 0 : i32
      %dma_wait3A_124 = tpu.memref_slice %arg4[%add3A_72, %dma_wait3A_123] : memref<49152x128xf32, #tpu.memory_space<hbm>> -> memref<128x128xf32, #tpu.memory_space<hbm>>
      %dma_wait3A_125 = arith.constant 0 : i32
      %dma_wait3A_126 = tpu.memref_slice %arg4[%add3A_72, %dma_wait3A_125] : memref<49152x128xf32, #tpu.memory_space<hbm>> -> memref<128x128xf32, #tpu.memory_space<hbm>>
      tpu.wait_dma2 semaphore(%run_scoped3A : memref<!tpu.dma_semaphore, #tpu.memory_space<semaphore_mem>>) src(%arg6 : memref<128x128xf32, #tpu.memory_space<vmem>>) dst(%dma_wait3A_126 : memref<128x128xf32, #tpu.memory_space<hbm>>)
      tpu.yield
    }) : () -> ()
    %mul3A_79 = arith.constant 1536 : i32
    %mul3A_80 = arith.muli %add3A, %mul3A_79 : i32
    %add3A_81 = arith.constant 1024 : i32
    %add3A_82 = arith.addi %mul3A_80, %add3A_81 : i32
    "tpu.region"() ({
      %run_scoped3A = tpu.sem_alloc : memref<!tpu.dma_semaphore, #tpu.memory_space<semaphore_mem>>
      %dma_start3A_119 = tpu.memref_slice %arg3[%add3A_82] : memref<49152xi32, #tpu.memory_space<hbm>> -> memref<128xi32, #tpu.memory_space<hbm>>
      %dma_start3A_120 = tpu.memref_slice %arg3[%add3A_82] : memref<49152xi32, #tpu.memory_space<hbm>> -> memref<128xi32, #tpu.memory_space<hbm>>
      tpu.enqueue_dma source(%dma_start3A_120 : memref<128xi32, #tpu.memory_space<hbm>>) target(%arg5 : memref<128xi32, #tpu.memory_space<vmem>>) target_semaphore(%run_scoped3A : memref<!tpu.dma_semaphore, #tpu.memory_space<semaphore_mem>>)
      %dma_wait3A_121 = tpu.memref_slice %arg3[%add3A_82] : memref<49152xi32, #tpu.memory_space<hbm>> -> memref<128xi32, #tpu.memory_space<hbm>>
      %dma_wait3A_122 = tpu.memref_slice %arg3[%add3A_82] : memref<49152xi32, #tpu.memory_space<hbm>> -> memref<128xi32, #tpu.memory_space<hbm>>
      tpu.wait_dma2 semaphore(%run_scoped3A : memref<!tpu.dma_semaphore, #tpu.memory_space<semaphore_mem>>) src(%dma_wait3A_122 : memref<128xi32, #tpu.memory_space<hbm>>) dst(%arg5 : memref<128xi32, #tpu.memory_space<vmem>>)
      tpu.yield
    }) : () -> ()
    %dma_start3A_83 = arith.constant 0 : i32
    %dma_start3A_84 = arith.constant 0 : i32
    %dma_start3A_85 = tpu.memref_slice %arg2[%dma_start3A_83, %dma_start3A_84] : memref<8192x128xf32, #tpu.memory_space<hbm>> -> memref<8192x128xf32, #tpu.memory_space<hbm>>
    tpu.enqueue_indirect_dma source(%dma_start3A_85 : memref<8192x128xf32, #tpu.memory_space<hbm>>) target(%arg6 : memref<128x128xf32, #tpu.memory_space<vmem>>) offsets(%arg5 : memref<128xi32, #tpu.memory_space<vmem>>) semaphore(%arg7 : memref<!tpu.dma_semaphore, #tpu.memory_space<semaphore_mem>>)
    %dma_wait3A_86 = arith.constant 0 : i32
    %dma_wait3A_87 = arith.constant 0 : i32
    %dma_wait3A_88 = tpu.memref_slice %arg2[%dma_wait3A_86, %dma_wait3A_87] : memref<8192x128xf32, #tpu.memory_space<hbm>> -> memref<8192x128xf32, #tpu.memory_space<hbm>>
    tpu.wait_indirect_dma semaphore(%arg7 : memref<!tpu.dma_semaphore, #tpu.memory_space<semaphore_mem>>) src(%dma_wait3A_88 : memref<8192x128xf32, #tpu.memory_space<hbm>>) dst(%arg6 : memref<128x128xf32, #tpu.memory_space<vmem>>)
    "tpu.region"() ({
      %run_scoped3A = tpu.sem_alloc : memref<!tpu.dma_semaphore, #tpu.memory_space<semaphore_mem>>
      %dma_start3A_119 = arith.constant 0 : i32
      %dma_start3A_120 = tpu.memref_slice %arg4[%add3A_82, %dma_start3A_119] : memref<49152x128xf32, #tpu.memory_space<hbm>> -> memref<128x128xf32, #tpu.memory_space<hbm>>
      %dma_start3A_121 = arith.constant 0 : i32
      %dma_start3A_122 = tpu.memref_slice %arg4[%add3A_82, %dma_start3A_121] : memref<49152x128xf32, #tpu.memory_space<hbm>> -> memref<128x128xf32, #tpu.memory_space<hbm>>
      tpu.enqueue_dma source(%arg6 : memref<128x128xf32, #tpu.memory_space<vmem>>) target(%dma_start3A_122 : memref<128x128xf32, #tpu.memory_space<hbm>>) target_semaphore(%run_scoped3A : memref<!tpu.dma_semaphore, #tpu.memory_space<semaphore_mem>>)
      %dma_wait3A_123 = arith.constant 0 : i32
      %dma_wait3A_124 = tpu.memref_slice %arg4[%add3A_82, %dma_wait3A_123] : memref<49152x128xf32, #tpu.memory_space<hbm>> -> memref<128x128xf32, #tpu.memory_space<hbm>>
      %dma_wait3A_125 = arith.constant 0 : i32
      %dma_wait3A_126 = tpu.memref_slice %arg4[%add3A_82, %dma_wait3A_125] : memref<49152x128xf32, #tpu.memory_space<hbm>> -> memref<128x128xf32, #tpu.memory_space<hbm>>
      tpu.wait_dma2 semaphore(%run_scoped3A : memref<!tpu.dma_semaphore, #tpu.memory_space<semaphore_mem>>) src(%arg6 : memref<128x128xf32, #tpu.memory_space<vmem>>) dst(%dma_wait3A_126 : memref<128x128xf32, #tpu.memory_space<hbm>>)
      tpu.yield
    }) : () -> ()
    %mul3A_89 = arith.constant 1536 : i32
    %mul3A_90 = arith.muli %add3A, %mul3A_89 : i32
    %add3A_91 = arith.constant 1152 : i32
    %add3A_92 = arith.addi %mul3A_90, %add3A_91 : i32
    "tpu.region"() ({
      %run_scoped3A = tpu.sem_alloc : memref<!tpu.dma_semaphore, #tpu.memory_space<semaphore_mem>>
      %dma_start3A_119 = tpu.memref_slice %arg3[%add3A_92] : memref<49152xi32, #tpu.memory_space<hbm>> -> memref<128xi32, #tpu.memory_space<hbm>>
      %dma_start3A_120 = tpu.memref_slice %arg3[%add3A_92] : memref<49152xi32, #tpu.memory_space<hbm>> -> memref<128xi32, #tpu.memory_space<hbm>>
      tpu.enqueue_dma source(%dma_start3A_120 : memref<128xi32, #tpu.memory_space<hbm>>) target(%arg5 : memref<128xi32, #tpu.memory_space<vmem>>) target_semaphore(%run_scoped3A : memref<!tpu.dma_semaphore, #tpu.memory_space<semaphore_mem>>)
      %dma_wait3A_121 = tpu.memref_slice %arg3[%add3A_92] : memref<49152xi32, #tpu.memory_space<hbm>> -> memref<128xi32, #tpu.memory_space<hbm>>
      %dma_wait3A_122 = tpu.memref_slice %arg3[%add3A_92] : memref<49152xi32, #tpu.memory_space<hbm>> -> memref<128xi32, #tpu.memory_space<hbm>>
      tpu.wait_dma2 semaphore(%run_scoped3A : memref<!tpu.dma_semaphore, #tpu.memory_space<semaphore_mem>>) src(%dma_wait3A_122 : memref<128xi32, #tpu.memory_space<hbm>>) dst(%arg5 : memref<128xi32, #tpu.memory_space<vmem>>)
      tpu.yield
    }) : () -> ()
    %dma_start3A_93 = arith.constant 0 : i32
    %dma_start3A_94 = arith.constant 0 : i32
    %dma_start3A_95 = tpu.memref_slice %arg2[%dma_start3A_93, %dma_start3A_94] : memref<8192x128xf32, #tpu.memory_space<hbm>> -> memref<8192x128xf32, #tpu.memory_space<hbm>>
    tpu.enqueue_indirect_dma source(%dma_start3A_95 : memref<8192x128xf32, #tpu.memory_space<hbm>>) target(%arg6 : memref<128x128xf32, #tpu.memory_space<vmem>>) offsets(%arg5 : memref<128xi32, #tpu.memory_space<vmem>>) semaphore(%arg7 : memref<!tpu.dma_semaphore, #tpu.memory_space<semaphore_mem>>)
    %dma_wait3A_96 = arith.constant 0 : i32
    %dma_wait3A_97 = arith.constant 0 : i32
    %dma_wait3A_98 = tpu.memref_slice %arg2[%dma_wait3A_96, %dma_wait3A_97] : memref<8192x128xf32, #tpu.memory_space<hbm>> -> memref<8192x128xf32, #tpu.memory_space<hbm>>
    tpu.wait_indirect_dma semaphore(%arg7 : memref<!tpu.dma_semaphore, #tpu.memory_space<semaphore_mem>>) src(%dma_wait3A_98 : memref<8192x128xf32, #tpu.memory_space<hbm>>) dst(%arg6 : memref<128x128xf32, #tpu.memory_space<vmem>>)
    "tpu.region"() ({
      %run_scoped3A = tpu.sem_alloc : memref<!tpu.dma_semaphore, #tpu.memory_space<semaphore_mem>>
      %dma_start3A_119 = arith.constant 0 : i32
      %dma_start3A_120 = tpu.memref_slice %arg4[%add3A_92, %dma_start3A_119] : memref<49152x128xf32, #tpu.memory_space<hbm>> -> memref<128x128xf32, #tpu.memory_space<hbm>>
      %dma_start3A_121 = arith.constant 0 : i32
      %dma_start3A_122 = tpu.memref_slice %arg4[%add3A_92, %dma_start3A_121] : memref<49152x128xf32, #tpu.memory_space<hbm>> -> memref<128x128xf32, #tpu.memory_space<hbm>>
      tpu.enqueue_dma source(%arg6 : memref<128x128xf32, #tpu.memory_space<vmem>>) target(%dma_start3A_122 : memref<128x128xf32, #tpu.memory_space<hbm>>) target_semaphore(%run_scoped3A : memref<!tpu.dma_semaphore, #tpu.memory_space<semaphore_mem>>)
      %dma_wait3A_123 = arith.constant 0 : i32
      %dma_wait3A_124 = tpu.memref_slice %arg4[%add3A_92, %dma_wait3A_123] : memref<49152x128xf32, #tpu.memory_space<hbm>> -> memref<128x128xf32, #tpu.memory_space<hbm>>
      %dma_wait3A_125 = arith.constant 0 : i32
      %dma_wait3A_126 = tpu.memref_slice %arg4[%add3A_92, %dma_wait3A_125] : memref<49152x128xf32, #tpu.memory_space<hbm>> -> memref<128x128xf32, #tpu.memory_space<hbm>>
      tpu.wait_dma2 semaphore(%run_scoped3A : memref<!tpu.dma_semaphore, #tpu.memory_space<semaphore_mem>>) src(%arg6 : memref<128x128xf32, #tpu.memory_space<vmem>>) dst(%dma_wait3A_126 : memref<128x128xf32, #tpu.memory_space<hbm>>)
      tpu.yield
    }) : () -> ()
    %mul3A_99 = arith.constant 1536 : i32
    %mul3A_100 = arith.muli %add3A, %mul3A_99 : i32
    %add3A_101 = arith.constant 1280 : i32
    %add3A_102 = arith.addi %mul3A_100, %add3A_101 : i32
    "tpu.region"() ({
      %run_scoped3A = tpu.sem_alloc : memref<!tpu.dma_semaphore, #tpu.memory_space<semaphore_mem>>
      %dma_start3A_119 = tpu.memref_slice %arg3[%add3A_102] : memref<49152xi32, #tpu.memory_space<hbm>> -> memref<128xi32, #tpu.memory_space<hbm>>
      %dma_start3A_120 = tpu.memref_slice %arg3[%add3A_102] : memref<49152xi32, #tpu.memory_space<hbm>> -> memref<128xi32, #tpu.memory_space<hbm>>
      tpu.enqueue_dma source(%dma_start3A_120 : memref<128xi32, #tpu.memory_space<hbm>>) target(%arg5 : memref<128xi32, #tpu.memory_space<vmem>>) target_semaphore(%run_scoped3A : memref<!tpu.dma_semaphore, #tpu.memory_space<semaphore_mem>>)
      %dma_wait3A_121 = tpu.memref_slice %arg3[%add3A_102] : memref<49152xi32, #tpu.memory_space<hbm>> -> memref<128xi32, #tpu.memory_space<hbm>>
      %dma_wait3A_122 = tpu.memref_slice %arg3[%add3A_102] : memref<49152xi32, #tpu.memory_space<hbm>> -> memref<128xi32, #tpu.memory_space<hbm>>
      tpu.wait_dma2 semaphore(%run_scoped3A : memref<!tpu.dma_semaphore, #tpu.memory_space<semaphore_mem>>) src(%dma_wait3A_122 : memref<128xi32, #tpu.memory_space<hbm>>) dst(%arg5 : memref<128xi32, #tpu.memory_space<vmem>>)
      tpu.yield
    }) : () -> ()
    %dma_start3A_103 = arith.constant 0 : i32
    %dma_start3A_104 = arith.constant 0 : i32
    %dma_start3A_105 = tpu.memref_slice %arg2[%dma_start3A_103, %dma_start3A_104] : memref<8192x128xf32, #tpu.memory_space<hbm>> -> memref<8192x128xf32, #tpu.memory_space<hbm>>
    tpu.enqueue_indirect_dma source(%dma_start3A_105 : memref<8192x128xf32, #tpu.memory_space<hbm>>) target(%arg6 : memref<128x128xf32, #tpu.memory_space<vmem>>) offsets(%arg5 : memref<128xi32, #tpu.memory_space<vmem>>) semaphore(%arg7 : memref<!tpu.dma_semaphore, #tpu.memory_space<semaphore_mem>>)
    %dma_wait3A_106 = arith.constant 0 : i32
    %dma_wait3A_107 = arith.constant 0 : i32
    %dma_wait3A_108 = tpu.memref_slice %arg2[%dma_wait3A_106, %dma_wait3A_107] : memref<8192x128xf32, #tpu.memory_space<hbm>> -> memref<8192x128xf32, #tpu.memory_space<hbm>>
    tpu.wait_indirect_dma semaphore(%arg7 : memref<!tpu.dma_semaphore, #tpu.memory_space<semaphore_mem>>) src(%dma_wait3A_108 : memref<8192x128xf32, #tpu.memory_space<hbm>>) dst(%arg6 : memref<128x128xf32, #tpu.memory_space<vmem>>)
    "tpu.region"() ({
      %run_scoped3A = tpu.sem_alloc : memref<!tpu.dma_semaphore, #tpu.memory_space<semaphore_mem>>
      %dma_start3A_119 = arith.constant 0 : i32
      %dma_start3A_120 = tpu.memref_slice %arg4[%add3A_102, %dma_start3A_119] : memref<49152x128xf32, #tpu.memory_space<hbm>> -> memref<128x128xf32, #tpu.memory_space<hbm>>
      %dma_start3A_121 = arith.constant 0 : i32
      %dma_start3A_122 = tpu.memref_slice %arg4[%add3A_102, %dma_start3A_121] : memref<49152x128xf32, #tpu.memory_space<hbm>> -> memref<128x128xf32, #tpu.memory_space<hbm>>
      tpu.enqueue_dma source(%arg6 : memref<128x128xf32, #tpu.memory_space<vmem>>) target(%dma_start3A_122 : memref<128x128xf32, #tpu.memory_space<hbm>>) target_semaphore(%run_scoped3A : memref<!tpu.dma_semaphore, #tpu.memory_space<semaphore_mem>>)
      %dma_wait3A_123 = arith.constant 0 : i32
      %dma_wait3A_124 = tpu.memref_slice %arg4[%add3A_102, %dma_wait3A_123] : memref<49152x128xf32, #tpu.memory_space<hbm>> -> memref<128x128xf32, #tpu.memory_space<hbm>>
      %dma_wait3A_125 = arith.constant 0 : i32
      %dma_wait3A_126 = tpu.memref_slice %arg4[%add3A_102, %dma_wait3A_125] : memref<49152x128xf32, #tpu.memory_space<hbm>> -> memref<128x128xf32, #tpu.memory_space<hbm>>
      tpu.wait_dma2 semaphore(%run_scoped3A : memref<!tpu.dma_semaphore, #tpu.memory_space<semaphore_mem>>) src(%arg6 : memref<128x128xf32, #tpu.memory_space<vmem>>) dst(%dma_wait3A_126 : memref<128x128xf32, #tpu.memory_space<hbm>>)
      tpu.yield
    }) : () -> ()
    %mul3A_109 = arith.constant 1536 : i32
    %mul3A_110 = arith.muli %add3A, %mul3A_109 : i32
    %add3A_111 = arith.constant 1408 : i32
    %add3A_112 = arith.addi %mul3A_110, %add3A_111 : i32
    "tpu.region"() ({
      %run_scoped3A = tpu.sem_alloc : memref<!tpu.dma_semaphore, #tpu.memory_space<semaphore_mem>>
      %dma_start3A_119 = tpu.memref_slice %arg3[%add3A_112] : memref<49152xi32, #tpu.memory_space<hbm>> -> memref<128xi32, #tpu.memory_space<hbm>>
      %dma_start3A_120 = tpu.memref_slice %arg3[%add3A_112] : memref<49152xi32, #tpu.memory_space<hbm>> -> memref<128xi32, #tpu.memory_space<hbm>>
      tpu.enqueue_dma source(%dma_start3A_120 : memref<128xi32, #tpu.memory_space<hbm>>) target(%arg5 : memref<128xi32, #tpu.memory_space<vmem>>) target_semaphore(%run_scoped3A : memref<!tpu.dma_semaphore, #tpu.memory_space<semaphore_mem>>)
      %dma_wait3A_121 = tpu.memref_slice %arg3[%add3A_112] : memref<49152xi32, #tpu.memory_space<hbm>> -> memref<128xi32, #tpu.memory_space<hbm>>
      %dma_wait3A_122 = tpu.memref_slice %arg3[%add3A_112] : memref<49152xi32, #tpu.memory_space<hbm>> -> memref<128xi32, #tpu.memory_space<hbm>>
      tpu.wait_dma2 semaphore(%run_scoped3A : memref<!tpu.dma_semaphore, #tpu.memory_space<semaphore_mem>>) src(%dma_wait3A_122 : memref<128xi32, #tpu.memory_space<hbm>>) dst(%arg5 : memref<128xi32, #tpu.memory_space<vmem>>)
      tpu.yield
    }) : () -> ()
    %dma_start3A_113 = arith.constant 0 : i32
    %dma_start3A_114 = arith.constant 0 : i32
    %dma_start3A_115 = tpu.memref_slice %arg2[%dma_start3A_113, %dma_start3A_114] : memref<8192x128xf32, #tpu.memory_space<hbm>> -> memref<8192x128xf32, #tpu.memory_space<hbm>>
    tpu.enqueue_indirect_dma source(%dma_start3A_115 : memref<8192x128xf32, #tpu.memory_space<hbm>>) target(%arg6 : memref<128x128xf32, #tpu.memory_space<vmem>>) offsets(%arg5 : memref<128xi32, #tpu.memory_space<vmem>>) semaphore(%arg7 : memref<!tpu.dma_semaphore, #tpu.memory_space<semaphore_mem>>)
    %dma_wait3A_116 = arith.constant 0 : i32
    %dma_wait3A_117 = arith.constant 0 : i32
    %dma_wait3A_118 = tpu.memref_slice %arg2[%dma_wait3A_116, %dma_wait3A_117] : memref<8192x128xf32, #tpu.memory_space<hbm>> -> memref<8192x128xf32, #tpu.memory_space<hbm>>
    tpu.wait_indirect_dma semaphore(%arg7 : memref<!tpu.dma_semaphore, #tpu.memory_space<semaphore_mem>>) src(%dma_wait3A_118 : memref<8192x128xf32, #tpu.memory_space<hbm>>) dst(%arg6 : memref<128x128xf32, #tpu.memory_space<vmem>>)
    "tpu.region"() ({
      %run_scoped3A = tpu.sem_alloc : memref<!tpu.dma_semaphore, #tpu.memory_space<semaphore_mem>>
      %dma_start3A_119 = arith.constant 0 : i32
      %dma_start3A_120 = tpu.memref_slice %arg4[%add3A_112, %dma_start3A_119] : memref<49152x128xf32, #tpu.memory_space<hbm>> -> memref<128x128xf32, #tpu.memory_space<hbm>>
      %dma_start3A_121 = arith.constant 0 : i32
      %dma_start3A_122 = tpu.memref_slice %arg4[%add3A_112, %dma_start3A_121] : memref<49152x128xf32, #tpu.memory_space<hbm>> -> memref<128x128xf32, #tpu.memory_space<hbm>>
      tpu.enqueue_dma source(%arg6 : memref<128x128xf32, #tpu.memory_space<vmem>>) target(%dma_start3A_122 : memref<128x128xf32, #tpu.memory_space<hbm>>) target_semaphore(%run_scoped3A : memref<!tpu.dma_semaphore, #tpu.memory_space<semaphore_mem>>)
      %dma_wait3A_123 = arith.constant 0 : i32
      %dma_wait3A_124 = tpu.memref_slice %arg4[%add3A_112, %dma_wait3A_123] : memref<49152x128xf32, #tpu.memory_space<hbm>> -> memref<128x128xf32, #tpu.memory_space<hbm>>
      %dma_wait3A_125 = arith.constant 0 : i32
      %dma_wait3A_126 = tpu.memref_slice %arg4[%add3A_112, %dma_wait3A_125] : memref<49152x128xf32, #tpu.memory_space<hbm>> -> memref<128x128xf32, #tpu.memory_space<hbm>>
      tpu.wait_dma2 semaphore(%run_scoped3A : memref<!tpu.dma_semaphore, #tpu.memory_space<semaphore_mem>>) src(%arg6 : memref<128x128xf32, #tpu.memory_space<vmem>>) dst(%dma_wait3A_126 : memref<128x128xf32, #tpu.memory_space<hbm>>)
      tpu.yield
    }) : () -> ()
    return
  }
}

#map = affine_map<(d0, d1) -> (0, 0)>
#map1 = affine_map<(d0, d1) -> (0)>
module attributes {stable_mosaic.version = 14 : i64} {
  func.func @_sc_gather_body(%arg0: i32, %arg1: i32, %arg2: memref<8192x128xf32, #tpu.memory_space<hbm>>, %arg3: memref<49152xi32, #tpu.memory_space<hbm>>, %arg4: memref<49152x128xf32, #tpu.memory_space<hbm>>, %arg5: memref<128xi32, #tpu.memory_space<vmem>>, %arg6: memref<128x128xf32, #tpu.memory_space<vmem>>, %arg7: memref<!tpu.dma_semaphore, #tpu.memory_space<semaphore_mem>>) attributes {dimension_semantics = [#tpu.dimension_semantics<core_parallel>, #tpu.dimension_semantics<subcore_parallel>], iteration_bounds = array<i64: 2, 16>, scalar_prefetch = 0 : i64, scratch_operands = 3 : i64, tpu.core_type = #tpu.core_type<sc_vector_subcore>, window_params = [{transform_indices = #map}, {transform_indices = #map1}, {transform_indices = #map}]} {
    %mul3A = arith.constant 2 : i32
    %mul3A_0 = arith.muli %arg1, %mul3A : i32
    %add3A = arith.addi %mul3A_0, %arg0 : i32
    %mul3A_1 = arith.constant 1536 : i32
    %mul3A_2 = arith.muli %add3A, %mul3A_1 : i32
    %add3A_3 = arith.constant 0 : i32
    %add3A_4 = arith.addi %mul3A_2, %add3A_3 : i32
    "tpu.region"() ({
      %run_scoped3A = tpu.sem_alloc : memref<!tpu.dma_semaphore, #tpu.memory_space<semaphore_mem>>
      %dma_start3A_119 = tpu.memref_slice %arg3[%add3A_4] : memref<49152xi32, #tpu.memory_space<hbm>> -> memref<128xi32, #tpu.memory_space<hbm>>
      %dma_start3A_120 = tpu.memref_slice %arg3[%add3A_4] : memref<49152xi32, #tpu.memory_space<hbm>> -> memref<128xi32, #tpu.memory_space<hbm>>
      tpu.enqueue_dma source(%dma_start3A_120 : memref<128xi32, #tpu.memory_space<hbm>>) target(%arg5 : memref<128xi32, #tpu.memory_space<vmem>>) target_semaphore(%run_scoped3A : memref<!tpu.dma_semaphore, #tpu.memory_space<semaphore_mem>>)
      %dma_wait3A_121 = tpu.memref_slice %arg3[%add3A_4] : memref<49152xi32, #tpu.memory_space<hbm>> -> memref<128xi32, #tpu.memory_space<hbm>>
      %dma_wait3A_122 = tpu.memref_slice %arg3[%add3A_4] : memref<49152xi32, #tpu.memory_space<hbm>> -> memref<128xi32, #tpu.memory_space<hbm>>
      tpu.wait_dma2 semaphore(%run_scoped3A : memref<!tpu.dma_semaphore, #tpu.memory_space<semaphore_mem>>) src(%dma_wait3A_122 : memref<128xi32, #tpu.memory_space<hbm>>) dst(%arg5 : memref<128xi32, #tpu.memory_space<vmem>>)
      tpu.yield
    }) : () -> ()
    %dma_start3A = arith.constant 0 : i32
    %dma_start3A_5 = arith.constant 0 : i32
    %dma_start3A_6 = tpu.memref_slice %arg2[%dma_start3A, %dma_start3A_5] : memref<8192x128xf32, #tpu.memory_space<hbm>> -> memref<8192x128xf32, #tpu.memory_space<hbm>>
    tpu.enqueue_indirect_dma source(%dma_start3A_6 : memref<8192x128xf32, #tpu.memory_space<hbm>>) target(%arg6 : memref<128x128xf32, #tpu.memory_space<vmem>>) offsets(%arg5 : memref<128xi32, #tpu.memory_space<vmem>>) semaphore(%arg7 : memref<!tpu.dma_semaphore, #tpu.memory_space<semaphore_mem>>)
    %dma_wait3A = arith.constant 0 : i32
    %dma_wait3A_7 = arith.constant 0 : i32
    %dma_wait3A_8 = tpu.memref_slice %arg2[%dma_wait3A, %dma_wait3A_7] : memref<8192x128xf32, #tpu.memory_space<hbm>> -> memref<8192x128xf32, #tpu.memory_space<hbm>>
    tpu.wait_indirect_dma semaphore(%arg7 : memref<!tpu.dma_semaphore, #tpu.memory_space<semaphore_mem>>) src(%dma_wait3A_8 : memref<8192x128xf32, #tpu.memory_space<hbm>>) dst(%arg6 : memref<128x128xf32, #tpu.memory_space<vmem>>)
    "tpu.region"() ({
      %run_scoped3A = tpu.sem_alloc : memref<!tpu.dma_semaphore, #tpu.memory_space<semaphore_mem>>
      %dma_start3A_119 = arith.constant 0 : i32
      %dma_start3A_120 = tpu.memref_slice %arg4[%add3A_4, %dma_start3A_119] : memref<49152x128xf32, #tpu.memory_space<hbm>> -> memref<128x128xf32, #tpu.memory_space<hbm>>
      %dma_start3A_121 = arith.constant 0 : i32
      %dma_start3A_122 = tpu.memref_slice %arg4[%add3A_4, %dma_start3A_121] : memref<49152x128xf32, #tpu.memory_space<hbm>> -> memref<128x128xf32, #tpu.memory_space<hbm>>
      tpu.enqueue_dma source(%arg6 : memref<128x128xf32, #tpu.memory_space<vmem>>) target(%dma_start3A_122 : memref<128x128xf32, #tpu.memory_space<hbm>>) target_semaphore(%run_scoped3A : memref<!tpu.dma_semaphore, #tpu.memory_space<semaphore_mem>>)
      %dma_wait3A_123 = arith.constant 0 : i32
      %dma_wait3A_124 = tpu.memref_slice %arg4[%add3A_4, %dma_wait3A_123] : memref<49152x128xf32, #tpu.memory_space<hbm>> -> memref<128x128xf32, #tpu.memory_space<hbm>>
      %dma_wait3A_125 = arith.constant 0 : i32
      %dma_wait3A_126 = tpu.memref_slice %arg4[%add3A_4, %dma_wait3A_125] : memref<49152x128xf32, #tpu.memory_space<hbm>> -> memref<128x128xf32, #tpu.memory_space<hbm>>
      tpu.wait_dma2 semaphore(%run_scoped3A : memref<!tpu.dma_semaphore, #tpu.memory_space<semaphore_mem>>) src(%arg6 : memref<128x128xf32, #tpu.memory_space<vmem>>) dst(%dma_wait3A_126 : memref<128x128xf32, #tpu.memory_space<hbm>>)
      tpu.yield
    }) : () -> ()
    %mul3A_9 = arith.constant 1536 : i32
    %mul3A_10 = arith.muli %add3A, %mul3A_9 : i32
    %add3A_11 = arith.constant 128 : i32
    %add3A_12 = arith.addi %mul3A_10, %add3A_11 : i32
    "tpu.region"() ({
      %run_scoped3A = tpu.sem_alloc : memref<!tpu.dma_semaphore, #tpu.memory_space<semaphore_mem>>
      %dma_start3A_119 = tpu.memref_slice %arg3[%add3A_12] : memref<49152xi32, #tpu.memory_space<hbm>> -> memref<128xi32, #tpu.memory_space<hbm>>
      %dma_start3A_120 = tpu.memref_slice %arg3[%add3A_12] : memref<49152xi32, #tpu.memory_space<hbm>> -> memref<128xi32, #tpu.memory_space<hbm>>
      tpu.enqueue_dma source(%dma_start3A_120 : memref<128xi32, #tpu.memory_space<hbm>>) target(%arg5 : memref<128xi32, #tpu.memory_space<vmem>>) target_semaphore(%run_scoped3A : memref<!tpu.dma_semaphore, #tpu.memory_space<semaphore_mem>>)
      %dma_wait3A_121 = tpu.memref_slice %arg3[%add3A_12] : memref<49152xi32, #tpu.memory_space<hbm>> -> memref<128xi32, #tpu.memory_space<hbm>>
      %dma_wait3A_122 = tpu.memref_slice %arg3[%add3A_12] : memref<49152xi32, #tpu.memory_space<hbm>> -> memref<128xi32, #tpu.memory_space<hbm>>
      tpu.wait_dma2 semaphore(%run_scoped3A : memref<!tpu.dma_semaphore, #tpu.memory_space<semaphore_mem>>) src(%dma_wait3A_122 : memref<128xi32, #tpu.memory_space<hbm>>) dst(%arg5 : memref<128xi32, #tpu.memory_space<vmem>>)
      tpu.yield
    }) : () -> ()
    %dma_start3A_13 = arith.constant 0 : i32
    %dma_start3A_14 = arith.constant 0 : i32
    %dma_start3A_15 = tpu.memref_slice %arg2[%dma_start3A_13, %dma_start3A_14] : memref<8192x128xf32, #tpu.memory_space<hbm>> -> memref<8192x128xf32, #tpu.memory_space<hbm>>
    tpu.enqueue_indirect_dma source(%dma_start3A_15 : memref<8192x128xf32, #tpu.memory_space<hbm>>) target(%arg6 : memref<128x128xf32, #tpu.memory_space<vmem>>) offsets(%arg5 : memref<128xi32, #tpu.memory_space<vmem>>) semaphore(%arg7 : memref<!tpu.dma_semaphore, #tpu.memory_space<semaphore_mem>>)
    %dma_wait3A_16 = arith.constant 0 : i32
    %dma_wait3A_17 = arith.constant 0 : i32
    %dma_wait3A_18 = tpu.memref_slice %arg2[%dma_wait3A_16, %dma_wait3A_17] : memref<8192x128xf32, #tpu.memory_space<hbm>> -> memref<8192x128xf32, #tpu.memory_space<hbm>>
    tpu.wait_indirect_dma semaphore(%arg7 : memref<!tpu.dma_semaphore, #tpu.memory_space<semaphore_mem>>) src(%dma_wait3A_18 : memref<8192x128xf32, #tpu.memory_space<hbm>>) dst(%arg6 : memref<128x128xf32, #tpu.memory_space<vmem>>)
    "tpu.region"() ({
      %run_scoped3A = tpu.sem_alloc : memref<!tpu.dma_semaphore, #tpu.memory_space<semaphore_mem>>
      %dma_start3A_119 = arith.constant 0 : i32
      %dma_start3A_120 = tpu.memref_slice %arg4[%add3A_12, %dma_start3A_119] : memref<49152x128xf32, #tpu.memory_space<hbm>> -> memref<128x128xf32, #tpu.memory_space<hbm>>
      %dma_start3A_121 = arith.constant 0 : i32
      %dma_start3A_122 = tpu.memref_slice %arg4[%add3A_12, %dma_start3A_121] : memref<49152x128xf32, #tpu.memory_space<hbm>> -> memref<128x128xf32, #tpu.memory_space<hbm>>
      tpu.enqueue_dma source(%arg6 : memref<128x128xf32, #tpu.memory_space<vmem>>) target(%dma_start3A_122 : memref<128x128xf32, #tpu.memory_space<hbm>>) target_semaphore(%run_scoped3A : memref<!tpu.dma_semaphore, #tpu.memory_space<semaphore_mem>>)
      %dma_wait3A_123 = arith.constant 0 : i32
      %dma_wait3A_124 = tpu.memref_slice %arg4[%add3A_12, %dma_wait3A_123] : memref<49152x128xf32, #tpu.memory_space<hbm>> -> memref<128x128xf32, #tpu.memory_space<hbm>>
      %dma_wait3A_125 = arith.constant 0 : i32
      %dma_wait3A_126 = tpu.memref_slice %arg4[%add3A_12, %dma_wait3A_125] : memref<49152x128xf32, #tpu.memory_space<hbm>> -> memref<128x128xf32, #tpu.memory_space<hbm>>
      tpu.wait_dma2 semaphore(%run_scoped3A : memref<!tpu.dma_semaphore, #tpu.memory_space<semaphore_mem>>) src(%arg6 : memref<128x128xf32, #tpu.memory_space<vmem>>) dst(%dma_wait3A_126 : memref<128x128xf32, #tpu.memory_space<hbm>>)
      tpu.yield
    }) : () -> ()
    %mul3A_19 = arith.constant 1536 : i32
    %mul3A_20 = arith.muli %add3A, %mul3A_19 : i32
    %add3A_21 = arith.constant 256 : i32
    %add3A_22 = arith.addi %mul3A_20, %add3A_21 : i32
    "tpu.region"() ({
      %run_scoped3A = tpu.sem_alloc : memref<!tpu.dma_semaphore, #tpu.memory_space<semaphore_mem>>
      %dma_start3A_119 = tpu.memref_slice %arg3[%add3A_22] : memref<49152xi32, #tpu.memory_space<hbm>> -> memref<128xi32, #tpu.memory_space<hbm>>
      %dma_start3A_120 = tpu.memref_slice %arg3[%add3A_22] : memref<49152xi32, #tpu.memory_space<hbm>> -> memref<128xi32, #tpu.memory_space<hbm>>
      tpu.enqueue_dma source(%dma_start3A_120 : memref<128xi32, #tpu.memory_space<hbm>>) target(%arg5 : memref<128xi32, #tpu.memory_space<vmem>>) target_semaphore(%run_scoped3A : memref<!tpu.dma_semaphore, #tpu.memory_space<semaphore_mem>>)
      %dma_wait3A_121 = tpu.memref_slice %arg3[%add3A_22] : memref<49152xi32, #tpu.memory_space<hbm>> -> memref<128xi32, #tpu.memory_space<hbm>>
      %dma_wait3A_122 = tpu.memref_slice %arg3[%add3A_22] : memref<49152xi32, #tpu.memory_space<hbm>> -> memref<128xi32, #tpu.memory_space<hbm>>
      tpu.wait_dma2 semaphore(%run_scoped3A : memref<!tpu.dma_semaphore, #tpu.memory_space<semaphore_mem>>) src(%dma_wait3A_122 : memref<128xi32, #tpu.memory_space<hbm>>) dst(%arg5 : memref<128xi32, #tpu.memory_space<vmem>>)
      tpu.yield
    }) : () -> ()
    %dma_start3A_23 = arith.constant 0 : i32
    %dma_start3A_24 = arith.constant 0 : i32
    %dma_start3A_25 = tpu.memref_slice %arg2[%dma_start3A_23, %dma_start3A_24] : memref<8192x128xf32, #tpu.memory_space<hbm>> -> memref<8192x128xf32, #tpu.memory_space<hbm>>
    tpu.enqueue_indirect_dma source(%dma_start3A_25 : memref<8192x128xf32, #tpu.memory_space<hbm>>) target(%arg6 : memref<128x128xf32, #tpu.memory_space<vmem>>) offsets(%arg5 : memref<128xi32, #tpu.memory_space<vmem>>) semaphore(%arg7 : memref<!tpu.dma_semaphore, #tpu.memory_space<semaphore_mem>>)
    %dma_wait3A_26 = arith.constant 0 : i32
    %dma_wait3A_27 = arith.constant 0 : i32
    %dma_wait3A_28 = tpu.memref_slice %arg2[%dma_wait3A_26, %dma_wait3A_27] : memref<8192x128xf32, #tpu.memory_space<hbm>> -> memref<8192x128xf32, #tpu.memory_space<hbm>>
    tpu.wait_indirect_dma semaphore(%arg7 : memref<!tpu.dma_semaphore, #tpu.memory_space<semaphore_mem>>) src(%dma_wait3A_28 : memref<8192x128xf32, #tpu.memory_space<hbm>>) dst(%arg6 : memref<128x128xf32, #tpu.memory_space<vmem>>)
    "tpu.region"() ({
      %run_scoped3A = tpu.sem_alloc : memref<!tpu.dma_semaphore, #tpu.memory_space<semaphore_mem>>
      %dma_start3A_119 = arith.constant 0 : i32
      %dma_start3A_120 = tpu.memref_slice %arg4[%add3A_22, %dma_start3A_119] : memref<49152x128xf32, #tpu.memory_space<hbm>> -> memref<128x128xf32, #tpu.memory_space<hbm>>
      %dma_start3A_121 = arith.constant 0 : i32
      %dma_start3A_122 = tpu.memref_slice %arg4[%add3A_22, %dma_start3A_121] : memref<49152x128xf32, #tpu.memory_space<hbm>> -> memref<128x128xf32, #tpu.memory_space<hbm>>
      tpu.enqueue_dma source(%arg6 : memref<128x128xf32, #tpu.memory_space<vmem>>) target(%dma_start3A_122 : memref<128x128xf32, #tpu.memory_space<hbm>>) target_semaphore(%run_scoped3A : memref<!tpu.dma_semaphore, #tpu.memory_space<semaphore_mem>>)
      %dma_wait3A_123 = arith.constant 0 : i32
      %dma_wait3A_124 = tpu.memref_slice %arg4[%add3A_22, %dma_wait3A_123] : memref<49152x128xf32, #tpu.memory_space<hbm>> -> memref<128x128xf32, #tpu.memory_space<hbm>>
      %dma_wait3A_125 = arith.constant 0 : i32
      %dma_wait3A_126 = tpu.memref_slice %arg4[%add3A_22, %dma_wait3A_125] : memref<49152x128xf32, #tpu.memory_space<hbm>> -> memref<128x128xf32, #tpu.memory_space<hbm>>
      tpu.wait_dma2 semaphore(%run_scoped3A : memref<!tpu.dma_semaphore, #tpu.memory_space<semaphore_mem>>) src(%arg6 : memref<128x128xf32, #tpu.memory_space<vmem>>) dst(%dma_wait3A_126 : memref<128x128xf32, #tpu.memory_space<hbm>>)
      tpu.yield
    }) : () -> ()
    %mul3A_29 = arith.constant 1536 : i32
    %mul3A_30 = arith.muli %add3A, %mul3A_29 : i32
    %add3A_31 = arith.constant 384 : i32
    %add3A_32 = arith.addi %mul3A_30, %add3A_31 : i32
    "tpu.region"() ({
      %run_scoped3A = tpu.sem_alloc : memref<!tpu.dma_semaphore, #tpu.memory_space<semaphore_mem>>
      %dma_start3A_119 = tpu.memref_slice %arg3[%add3A_32] : memref<49152xi32, #tpu.memory_space<hbm>> -> memref<128xi32, #tpu.memory_space<hbm>>
      %dma_start3A_120 = tpu.memref_slice %arg3[%add3A_32] : memref<49152xi32, #tpu.memory_space<hbm>> -> memref<128xi32, #tpu.memory_space<hbm>>
      tpu.enqueue_dma source(%dma_start3A_120 : memref<128xi32, #tpu.memory_space<hbm>>) target(%arg5 : memref<128xi32, #tpu.memory_space<vmem>>) target_semaphore(%run_scoped3A : memref<!tpu.dma_semaphore, #tpu.memory_space<semaphore_mem>>)
      %dma_wait3A_121 = tpu.memref_slice %arg3[%add3A_32] : memref<49152xi32, #tpu.memory_space<hbm>> -> memref<128xi32, #tpu.memory_space<hbm>>
      %dma_wait3A_122 = tpu.memref_slice %arg3[%add3A_32] : memref<49152xi32, #tpu.memory_space<hbm>> -> memref<128xi32, #tpu.memory_space<hbm>>
      tpu.wait_dma2 semaphore(%run_scoped3A : memref<!tpu.dma_semaphore, #tpu.memory_space<semaphore_mem>>) src(%dma_wait3A_122 : memref<128xi32, #tpu.memory_space<hbm>>) dst(%arg5 : memref<128xi32, #tpu.memory_space<vmem>>)
      tpu.yield
    }) : () -> ()
    %dma_start3A_33 = arith.constant 0 : i32
    %dma_start3A_34 = arith.constant 0 : i32
    %dma_start3A_35 = tpu.memref_slice %arg2[%dma_start3A_33, %dma_start3A_34] : memref<8192x128xf32, #tpu.memory_space<hbm>> -> memref<8192x128xf32, #tpu.memory_space<hbm>>
    tpu.enqueue_indirect_dma source(%dma_start3A_35 : memref<8192x128xf32, #tpu.memory_space<hbm>>) target(%arg6 : memref<128x128xf32, #tpu.memory_space<vmem>>) offsets(%arg5 : memref<128xi32, #tpu.memory_space<vmem>>) semaphore(%arg7 : memref<!tpu.dma_semaphore, #tpu.memory_space<semaphore_mem>>)
    %dma_wait3A_36 = arith.constant 0 : i32
    %dma_wait3A_37 = arith.constant 0 : i32
    %dma_wait3A_38 = tpu.memref_slice %arg2[%dma_wait3A_36, %dma_wait3A_37] : memref<8192x128xf32, #tpu.memory_space<hbm>> -> memref<8192x128xf32, #tpu.memory_space<hbm>>
    tpu.wait_indirect_dma semaphore(%arg7 : memref<!tpu.dma_semaphore, #tpu.memory_space<semaphore_mem>>) src(%dma_wait3A_38 : memref<8192x128xf32, #tpu.memory_space<hbm>>) dst(%arg6 : memref<128x128xf32, #tpu.memory_space<vmem>>)
    "tpu.region"() ({
      %run_scoped3A = tpu.sem_alloc : memref<!tpu.dma_semaphore, #tpu.memory_space<semaphore_mem>>
      %dma_start3A_119 = arith.constant 0 : i32
      %dma_start3A_120 = tpu.memref_slice %arg4[%add3A_32, %dma_start3A_119] : memref<49152x128xf32, #tpu.memory_space<hbm>> -> memref<128x128xf32, #tpu.memory_space<hbm>>
      %dma_start3A_121 = arith.constant 0 : i32
      %dma_start3A_122 = tpu.memref_slice %arg4[%add3A_32, %dma_start3A_121] : memref<49152x128xf32, #tpu.memory_space<hbm>> -> memref<128x128xf32, #tpu.memory_space<hbm>>
      tpu.enqueue_dma source(%arg6 : memref<128x128xf32, #tpu.memory_space<vmem>>) target(%dma_start3A_122 : memref<128x128xf32, #tpu.memory_space<hbm>>) target_semaphore(%run_scoped3A : memref<!tpu.dma_semaphore, #tpu.memory_space<semaphore_mem>>)
      %dma_wait3A_123 = arith.constant 0 : i32
      %dma_wait3A_124 = tpu.memref_slice %arg4[%add3A_32, %dma_wait3A_123] : memref<49152x128xf32, #tpu.memory_space<hbm>> -> memref<128x128xf32, #tpu.memory_space<hbm>>
      %dma_wait3A_125 = arith.constant 0 : i32
      %dma_wait3A_126 = tpu.memref_slice %arg4[%add3A_32, %dma_wait3A_125] : memref<49152x128xf32, #tpu.memory_space<hbm>> -> memref<128x128xf32, #tpu.memory_space<hbm>>
      tpu.wait_dma2 semaphore(%run_scoped3A : memref<!tpu.dma_semaphore, #tpu.memory_space<semaphore_mem>>) src(%arg6 : memref<128x128xf32, #tpu.memory_space<vmem>>) dst(%dma_wait3A_126 : memref<128x128xf32, #tpu.memory_space<hbm>>)
      tpu.yield
    }) : () -> ()
    %mul3A_39 = arith.constant 1536 : i32
    %mul3A_40 = arith.muli %add3A, %mul3A_39 : i32
    %add3A_41 = arith.constant 512 : i32
    %add3A_42 = arith.addi %mul3A_40, %add3A_41 : i32
    "tpu.region"() ({
      %run_scoped3A = tpu.sem_alloc : memref<!tpu.dma_semaphore, #tpu.memory_space<semaphore_mem>>
      %dma_start3A_119 = tpu.memref_slice %arg3[%add3A_42] : memref<49152xi32, #tpu.memory_space<hbm>> -> memref<128xi32, #tpu.memory_space<hbm>>
      %dma_start3A_120 = tpu.memref_slice %arg3[%add3A_42] : memref<49152xi32, #tpu.memory_space<hbm>> -> memref<128xi32, #tpu.memory_space<hbm>>
      tpu.enqueue_dma source(%dma_start3A_120 : memref<128xi32, #tpu.memory_space<hbm>>) target(%arg5 : memref<128xi32, #tpu.memory_space<vmem>>) target_semaphore(%run_scoped3A : memref<!tpu.dma_semaphore, #tpu.memory_space<semaphore_mem>>)
      %dma_wait3A_121 = tpu.memref_slice %arg3[%add3A_42] : memref<49152xi32, #tpu.memory_space<hbm>> -> memref<128xi32, #tpu.memory_space<hbm>>
      %dma_wait3A_122 = tpu.memref_slice %arg3[%add3A_42] : memref<49152xi32, #tpu.memory_space<hbm>> -> memref<128xi32, #tpu.memory_space<hbm>>
      tpu.wait_dma2 semaphore(%run_scoped3A : memref<!tpu.dma_semaphore, #tpu.memory_space<semaphore_mem>>) src(%dma_wait3A_122 : memref<128xi32, #tpu.memory_space<hbm>>) dst(%arg5 : memref<128xi32, #tpu.memory_space<vmem>>)
      tpu.yield
    }) : () -> ()
    %dma_start3A_43 = arith.constant 0 : i32
    %dma_start3A_44 = arith.constant 0 : i32
    %dma_start3A_45 = tpu.memref_slice %arg2[%dma_start3A_43, %dma_start3A_44] : memref<8192x128xf32, #tpu.memory_space<hbm>> -> memref<8192x128xf32, #tpu.memory_space<hbm>>
    tpu.enqueue_indirect_dma source(%dma_start3A_45 : memref<8192x128xf32, #tpu.memory_space<hbm>>) target(%arg6 : memref<128x128xf32, #tpu.memory_space<vmem>>) offsets(%arg5 : memref<128xi32, #tpu.memory_space<vmem>>) semaphore(%arg7 : memref<!tpu.dma_semaphore, #tpu.memory_space<semaphore_mem>>)
    %dma_wait3A_46 = arith.constant 0 : i32
    %dma_wait3A_47 = arith.constant 0 : i32
    %dma_wait3A_48 = tpu.memref_slice %arg2[%dma_wait3A_46, %dma_wait3A_47] : memref<8192x128xf32, #tpu.memory_space<hbm>> -> memref<8192x128xf32, #tpu.memory_space<hbm>>
    tpu.wait_indirect_dma semaphore(%arg7 : memref<!tpu.dma_semaphore, #tpu.memory_space<semaphore_mem>>) src(%dma_wait3A_48 : memref<8192x128xf32, #tpu.memory_space<hbm>>) dst(%arg6 : memref<128x128xf32, #tpu.memory_space<vmem>>)
    "tpu.region"() ({
      %run_scoped3A = tpu.sem_alloc : memref<!tpu.dma_semaphore, #tpu.memory_space<semaphore_mem>>
      %dma_start3A_119 = arith.constant 0 : i32
      %dma_start3A_120 = tpu.memref_slice %arg4[%add3A_42, %dma_start3A_119] : memref<49152x128xf32, #tpu.memory_space<hbm>> -> memref<128x128xf32, #tpu.memory_space<hbm>>
      %dma_start3A_121 = arith.constant 0 : i32
      %dma_start3A_122 = tpu.memref_slice %arg4[%add3A_42, %dma_start3A_121] : memref<49152x128xf32, #tpu.memory_space<hbm>> -> memref<128x128xf32, #tpu.memory_space<hbm>>
      tpu.enqueue_dma source(%arg6 : memref<128x128xf32, #tpu.memory_space<vmem>>) target(%dma_start3A_122 : memref<128x128xf32, #tpu.memory_space<hbm>>) target_semaphore(%run_scoped3A : memref<!tpu.dma_semaphore, #tpu.memory_space<semaphore_mem>>)
      %dma_wait3A_123 = arith.constant 0 : i32
      %dma_wait3A_124 = tpu.memref_slice %arg4[%add3A_42, %dma_wait3A_123] : memref<49152x128xf32, #tpu.memory_space<hbm>> -> memref<128x128xf32, #tpu.memory_space<hbm>>
      %dma_wait3A_125 = arith.constant 0 : i32
      %dma_wait3A_126 = tpu.memref_slice %arg4[%add3A_42, %dma_wait3A_125] : memref<49152x128xf32, #tpu.memory_space<hbm>> -> memref<128x128xf32, #tpu.memory_space<hbm>>
      tpu.wait_dma2 semaphore(%run_scoped3A : memref<!tpu.dma_semaphore, #tpu.memory_space<semaphore_mem>>) src(%arg6 : memref<128x128xf32, #tpu.memory_space<vmem>>) dst(%dma_wait3A_126 : memref<128x128xf32, #tpu.memory_space<hbm>>)
      tpu.yield
    }) : () -> ()
    %mul3A_49 = arith.constant 1536 : i32
    %mul3A_50 = arith.muli %add3A, %mul3A_49 : i32
    %add3A_51 = arith.constant 640 : i32
    %add3A_52 = arith.addi %mul3A_50, %add3A_51 : i32
    "tpu.region"() ({
      %run_scoped3A = tpu.sem_alloc : memref<!tpu.dma_semaphore, #tpu.memory_space<semaphore_mem>>
      %dma_start3A_119 = tpu.memref_slice %arg3[%add3A_52] : memref<49152xi32, #tpu.memory_space<hbm>> -> memref<128xi32, #tpu.memory_space<hbm>>
      %dma_start3A_120 = tpu.memref_slice %arg3[%add3A_52] : memref<49152xi32, #tpu.memory_space<hbm>> -> memref<128xi32, #tpu.memory_space<hbm>>
      tpu.enqueue_dma source(%dma_start3A_120 : memref<128xi32, #tpu.memory_space<hbm>>) target(%arg5 : memref<128xi32, #tpu.memory_space<vmem>>) target_semaphore(%run_scoped3A : memref<!tpu.dma_semaphore, #tpu.memory_space<semaphore_mem>>)
      %dma_wait3A_121 = tpu.memref_slice %arg3[%add3A_52] : memref<49152xi32, #tpu.memory_space<hbm>> -> memref<128xi32, #tpu.memory_space<hbm>>
      %dma_wait3A_122 = tpu.memref_slice %arg3[%add3A_52] : memref<49152xi32, #tpu.memory_space<hbm>> -> memref<128xi32, #tpu.memory_space<hbm>>
      tpu.wait_dma2 semaphore(%run_scoped3A : memref<!tpu.dma_semaphore, #tpu.memory_space<semaphore_mem>>) src(%dma_wait3A_122 : memref<128xi32, #tpu.memory_space<hbm>>) dst(%arg5 : memref<128xi32, #tpu.memory_space<vmem>>)
      tpu.yield
    }) : () -> ()
    %dma_start3A_53 = arith.constant 0 : i32
    %dma_start3A_54 = arith.constant 0 : i32
    %dma_start3A_55 = tpu.memref_slice %arg2[%dma_start3A_53, %dma_start3A_54] : memref<8192x128xf32, #tpu.memory_space<hbm>> -> memref<8192x128xf32, #tpu.memory_space<hbm>>
    tpu.enqueue_indirect_dma source(%dma_start3A_55 : memref<8192x128xf32, #tpu.memory_space<hbm>>) target(%arg6 : memref<128x128xf32, #tpu.memory_space<vmem>>) offsets(%arg5 : memref<128xi32, #tpu.memory_space<vmem>>) semaphore(%arg7 : memref<!tpu.dma_semaphore, #tpu.memory_space<semaphore_mem>>)
    %dma_wait3A_56 = arith.constant 0 : i32
    %dma_wait3A_57 = arith.constant 0 : i32
    %dma_wait3A_58 = tpu.memref_slice %arg2[%dma_wait3A_56, %dma_wait3A_57] : memref<8192x128xf32, #tpu.memory_space<hbm>> -> memref<8192x128xf32, #tpu.memory_space<hbm>>
    tpu.wait_indirect_dma semaphore(%arg7 : memref<!tpu.dma_semaphore, #tpu.memory_space<semaphore_mem>>) src(%dma_wait3A_58 : memref<8192x128xf32, #tpu.memory_space<hbm>>) dst(%arg6 : memref<128x128xf32, #tpu.memory_space<vmem>>)
    "tpu.region"() ({
      %run_scoped3A = tpu.sem_alloc : memref<!tpu.dma_semaphore, #tpu.memory_space<semaphore_mem>>
      %dma_start3A_119 = arith.constant 0 : i32
      %dma_start3A_120 = tpu.memref_slice %arg4[%add3A_52, %dma_start3A_119] : memref<49152x128xf32, #tpu.memory_space<hbm>> -> memref<128x128xf32, #tpu.memory_space<hbm>>
      %dma_start3A_121 = arith.constant 0 : i32
      %dma_start3A_122 = tpu.memref_slice %arg4[%add3A_52, %dma_start3A_121] : memref<49152x128xf32, #tpu.memory_space<hbm>> -> memref<128x128xf32, #tpu.memory_space<hbm>>
      tpu.enqueue_dma source(%arg6 : memref<128x128xf32, #tpu.memory_space<vmem>>) target(%dma_start3A_122 : memref<128x128xf32, #tpu.memory_space<hbm>>) target_semaphore(%run_scoped3A : memref<!tpu.dma_semaphore, #tpu.memory_space<semaphore_mem>>)
      %dma_wait3A_123 = arith.constant 0 : i32
      %dma_wait3A_124 = tpu.memref_slice %arg4[%add3A_52, %dma_wait3A_123] : memref<49152x128xf32, #tpu.memory_space<hbm>> -> memref<128x128xf32, #tpu.memory_space<hbm>>
      %dma_wait3A_125 = arith.constant 0 : i32
      %dma_wait3A_126 = tpu.memref_slice %arg4[%add3A_52, %dma_wait3A_125] : memref<49152x128xf32, #tpu.memory_space<hbm>> -> memref<128x128xf32, #tpu.memory_space<hbm>>
      tpu.wait_dma2 semaphore(%run_scoped3A : memref<!tpu.dma_semaphore, #tpu.memory_space<semaphore_mem>>) src(%arg6 : memref<128x128xf32, #tpu.memory_space<vmem>>) dst(%dma_wait3A_126 : memref<128x128xf32, #tpu.memory_space<hbm>>)
      tpu.yield
    }) : () -> ()
    %mul3A_59 = arith.constant 1536 : i32
    %mul3A_60 = arith.muli %add3A, %mul3A_59 : i32
    %add3A_61 = arith.constant 768 : i32
    %add3A_62 = arith.addi %mul3A_60, %add3A_61 : i32
    "tpu.region"() ({
      %run_scoped3A = tpu.sem_alloc : memref<!tpu.dma_semaphore, #tpu.memory_space<semaphore_mem>>
      %dma_start3A_119 = tpu.memref_slice %arg3[%add3A_62] : memref<49152xi32, #tpu.memory_space<hbm>> -> memref<128xi32, #tpu.memory_space<hbm>>
      %dma_start3A_120 = tpu.memref_slice %arg3[%add3A_62] : memref<49152xi32, #tpu.memory_space<hbm>> -> memref<128xi32, #tpu.memory_space<hbm>>
      tpu.enqueue_dma source(%dma_start3A_120 : memref<128xi32, #tpu.memory_space<hbm>>) target(%arg5 : memref<128xi32, #tpu.memory_space<vmem>>) target_semaphore(%run_scoped3A : memref<!tpu.dma_semaphore, #tpu.memory_space<semaphore_mem>>)
      %dma_wait3A_121 = tpu.memref_slice %arg3[%add3A_62] : memref<49152xi32, #tpu.memory_space<hbm>> -> memref<128xi32, #tpu.memory_space<hbm>>
      %dma_wait3A_122 = tpu.memref_slice %arg3[%add3A_62] : memref<49152xi32, #tpu.memory_space<hbm>> -> memref<128xi32, #tpu.memory_space<hbm>>
      tpu.wait_dma2 semaphore(%run_scoped3A : memref<!tpu.dma_semaphore, #tpu.memory_space<semaphore_mem>>) src(%dma_wait3A_122 : memref<128xi32, #tpu.memory_space<hbm>>) dst(%arg5 : memref<128xi32, #tpu.memory_space<vmem>>)
      tpu.yield
    }) : () -> ()
    %dma_start3A_63 = arith.constant 0 : i32
    %dma_start3A_64 = arith.constant 0 : i32
    %dma_start3A_65 = tpu.memref_slice %arg2[%dma_start3A_63, %dma_start3A_64] : memref<8192x128xf32, #tpu.memory_space<hbm>> -> memref<8192x128xf32, #tpu.memory_space<hbm>>
    tpu.enqueue_indirect_dma source(%dma_start3A_65 : memref<8192x128xf32, #tpu.memory_space<hbm>>) target(%arg6 : memref<128x128xf32, #tpu.memory_space<vmem>>) offsets(%arg5 : memref<128xi32, #tpu.memory_space<vmem>>) semaphore(%arg7 : memref<!tpu.dma_semaphore, #tpu.memory_space<semaphore_mem>>)
    %dma_wait3A_66 = arith.constant 0 : i32
    %dma_wait3A_67 = arith.constant 0 : i32
    %dma_wait3A_68 = tpu.memref_slice %arg2[%dma_wait3A_66, %dma_wait3A_67] : memref<8192x128xf32, #tpu.memory_space<hbm>> -> memref<8192x128xf32, #tpu.memory_space<hbm>>
    tpu.wait_indirect_dma semaphore(%arg7 : memref<!tpu.dma_semaphore, #tpu.memory_space<semaphore_mem>>) src(%dma_wait3A_68 : memref<8192x128xf32, #tpu.memory_space<hbm>>) dst(%arg6 : memref<128x128xf32, #tpu.memory_space<vmem>>)
    "tpu.region"() ({
      %run_scoped3A = tpu.sem_alloc : memref<!tpu.dma_semaphore, #tpu.memory_space<semaphore_mem>>
      %dma_start3A_119 = arith.constant 0 : i32
      %dma_start3A_120 = tpu.memref_slice %arg4[%add3A_62, %dma_start3A_119] : memref<49152x128xf32, #tpu.memory_space<hbm>> -> memref<128x128xf32, #tpu.memory_space<hbm>>
      %dma_start3A_121 = arith.constant 0 : i32
      %dma_start3A_122 = tpu.memref_slice %arg4[%add3A_62, %dma_start3A_121] : memref<49152x128xf32, #tpu.memory_space<hbm>> -> memref<128x128xf32, #tpu.memory_space<hbm>>
      tpu.enqueue_dma source(%arg6 : memref<128x128xf32, #tpu.memory_space<vmem>>) target(%dma_start3A_122 : memref<128x128xf32, #tpu.memory_space<hbm>>) target_semaphore(%run_scoped3A : memref<!tpu.dma_semaphore, #tpu.memory_space<semaphore_mem>>)
      %dma_wait3A_123 = arith.constant 0 : i32
      %dma_wait3A_124 = tpu.memref_slice %arg4[%add3A_62, %dma_wait3A_123] : memref<49152x128xf32, #tpu.memory_space<hbm>> -> memref<128x128xf32, #tpu.memory_space<hbm>>
      %dma_wait3A_125 = arith.constant 0 : i32
      %dma_wait3A_126 = tpu.memref_slice %arg4[%add3A_62, %dma_wait3A_125] : memref<49152x128xf32, #tpu.memory_space<hbm>> -> memref<128x128xf32, #tpu.memory_space<hbm>>
      tpu.wait_dma2 semaphore(%run_scoped3A : memref<!tpu.dma_semaphore, #tpu.memory_space<semaphore_mem>>) src(%arg6 : memref<128x128xf32, #tpu.memory_space<vmem>>) dst(%dma_wait3A_126 : memref<128x128xf32, #tpu.memory_space<hbm>>)
      tpu.yield
    }) : () -> ()
    %mul3A_69 = arith.constant 1536 : i32
    %mul3A_70 = arith.muli %add3A, %mul3A_69 : i32
    %add3A_71 = arith.constant 896 : i32
    %add3A_72 = arith.addi %mul3A_70, %add3A_71 : i32
    "tpu.region"() ({
      %run_scoped3A = tpu.sem_alloc : memref<!tpu.dma_semaphore, #tpu.memory_space<semaphore_mem>>
      %dma_start3A_119 = tpu.memref_slice %arg3[%add3A_72] : memref<49152xi32, #tpu.memory_space<hbm>> -> memref<128xi32, #tpu.memory_space<hbm>>
      %dma_start3A_120 = tpu.memref_slice %arg3[%add3A_72] : memref<49152xi32, #tpu.memory_space<hbm>> -> memref<128xi32, #tpu.memory_space<hbm>>
      tpu.enqueue_dma source(%dma_start3A_120 : memref<128xi32, #tpu.memory_space<hbm>>) target(%arg5 : memref<128xi32, #tpu.memory_space<vmem>>) target_semaphore(%run_scoped3A : memref<!tpu.dma_semaphore, #tpu.memory_space<semaphore_mem>>)
      %dma_wait3A_121 = tpu.memref_slice %arg3[%add3A_72] : memref<49152xi32, #tpu.memory_space<hbm>> -> memref<128xi32, #tpu.memory_space<hbm>>
      %dma_wait3A_122 = tpu.memref_slice %arg3[%add3A_72] : memref<49152xi32, #tpu.memory_space<hbm>> -> memref<128xi32, #tpu.memory_space<hbm>>
      tpu.wait_dma2 semaphore(%run_scoped3A : memref<!tpu.dma_semaphore, #tpu.memory_space<semaphore_mem>>) src(%dma_wait3A_122 : memref<128xi32, #tpu.memory_space<hbm>>) dst(%arg5 : memref<128xi32, #tpu.memory_space<vmem>>)
      tpu.yield
    }) : () -> ()
    %dma_start3A_73 = arith.constant 0 : i32
    %dma_start3A_74 = arith.constant 0 : i32
    %dma_start3A_75 = tpu.memref_slice %arg2[%dma_start3A_73, %dma_start3A_74] : memref<8192x128xf32, #tpu.memory_space<hbm>> -> memref<8192x128xf32, #tpu.memory_space<hbm>>
    tpu.enqueue_indirect_dma source(%dma_start3A_75 : memref<8192x128xf32, #tpu.memory_space<hbm>>) target(%arg6 : memref<128x128xf32, #tpu.memory_space<vmem>>) offsets(%arg5 : memref<128xi32, #tpu.memory_space<vmem>>) semaphore(%arg7 : memref<!tpu.dma_semaphore, #tpu.memory_space<semaphore_mem>>)
    %dma_wait3A_76 = arith.constant 0 : i32
    %dma_wait3A_77 = arith.constant 0 : i32
    %dma_wait3A_78 = tpu.memref_slice %arg2[%dma_wait3A_76, %dma_wait3A_77] : memref<8192x128xf32, #tpu.memory_space<hbm>> -> memref<8192x128xf32, #tpu.memory_space<hbm>>
    tpu.wait_indirect_dma semaphore(%arg7 : memref<!tpu.dma_semaphore, #tpu.memory_space<semaphore_mem>>) src(%dma_wait3A_78 : memref<8192x128xf32, #tpu.memory_space<hbm>>) dst(%arg6 : memref<128x128xf32, #tpu.memory_space<vmem>>)
    "tpu.region"() ({
      %run_scoped3A = tpu.sem_alloc : memref<!tpu.dma_semaphore, #tpu.memory_space<semaphore_mem>>
      %dma_start3A_119 = arith.constant 0 : i32
      %dma_start3A_120 = tpu.memref_slice %arg4[%add3A_72, %dma_start3A_119] : memref<49152x128xf32, #tpu.memory_space<hbm>> -> memref<128x128xf32, #tpu.memory_space<hbm>>
      %dma_start3A_121 = arith.constant 0 : i32
      %dma_start3A_122 = tpu.memref_slice %arg4[%add3A_72, %dma_start3A_121] : memref<49152x128xf32, #tpu.memory_space<hbm>> -> memref<128x128xf32, #tpu.memory_space<hbm>>
      tpu.enqueue_dma source(%arg6 : memref<128x128xf32, #tpu.memory_space<vmem>>) target(%dma_start3A_122 : memref<128x128xf32, #tpu.memory_space<hbm>>) target_semaphore(%run_scoped3A : memref<!tpu.dma_semaphore, #tpu.memory_space<semaphore_mem>>)
      %dma_wait3A_123 = arith.constant 0 : i32
      %dma_wait3A_124 = tpu.memref_slice %arg4[%add3A_72, %dma_wait3A_123] : memref<49152x128xf32, #tpu.memory_space<hbm>> -> memref<128x128xf32, #tpu.memory_space<hbm>>
      %dma_wait3A_125 = arith.constant 0 : i32
      %dma_wait3A_126 = tpu.memref_slice %arg4[%add3A_72, %dma_wait3A_125] : memref<49152x128xf32, #tpu.memory_space<hbm>> -> memref<128x128xf32, #tpu.memory_space<hbm>>
      tpu.wait_dma2 semaphore(%run_scoped3A : memref<!tpu.dma_semaphore, #tpu.memory_space<semaphore_mem>>) src(%arg6 : memref<128x128xf32, #tpu.memory_space<vmem>>) dst(%dma_wait3A_126 : memref<128x128xf32, #tpu.memory_space<hbm>>)
      tpu.yield
    }) : () -> ()
    %mul3A_79 = arith.constant 1536 : i32
    %mul3A_80 = arith.muli %add3A, %mul3A_79 : i32
    %add3A_81 = arith.constant 1024 : i32
    %add3A_82 = arith.addi %mul3A_80, %add3A_81 : i32
    "tpu.region"() ({
      %run_scoped3A = tpu.sem_alloc : memref<!tpu.dma_semaphore, #tpu.memory_space<semaphore_mem>>
      %dma_start3A_119 = tpu.memref_slice %arg3[%add3A_82] : memref<49152xi32, #tpu.memory_space<hbm>> -> memref<128xi32, #tpu.memory_space<hbm>>
      %dma_start3A_120 = tpu.memref_slice %arg3[%add3A_82] : memref<49152xi32, #tpu.memory_space<hbm>> -> memref<128xi32, #tpu.memory_space<hbm>>
      tpu.enqueue_dma source(%dma_start3A_120 : memref<128xi32, #tpu.memory_space<hbm>>) target(%arg5 : memref<128xi32, #tpu.memory_space<vmem>>) target_semaphore(%run_scoped3A : memref<!tpu.dma_semaphore, #tpu.memory_space<semaphore_mem>>)
      %dma_wait3A_121 = tpu.memref_slice %arg3[%add3A_82] : memref<49152xi32, #tpu.memory_space<hbm>> -> memref<128xi32, #tpu.memory_space<hbm>>
      %dma_wait3A_122 = tpu.memref_slice %arg3[%add3A_82] : memref<49152xi32, #tpu.memory_space<hbm>> -> memref<128xi32, #tpu.memory_space<hbm>>
      tpu.wait_dma2 semaphore(%run_scoped3A : memref<!tpu.dma_semaphore, #tpu.memory_space<semaphore_mem>>) src(%dma_wait3A_122 : memref<128xi32, #tpu.memory_space<hbm>>) dst(%arg5 : memref<128xi32, #tpu.memory_space<vmem>>)
      tpu.yield
    }) : () -> ()
    %dma_start3A_83 = arith.constant 0 : i32
    %dma_start3A_84 = arith.constant 0 : i32
    %dma_start3A_85 = tpu.memref_slice %arg2[%dma_start3A_83, %dma_start3A_84] : memref<8192x128xf32, #tpu.memory_space<hbm>> -> memref<8192x128xf32, #tpu.memory_space<hbm>>
    tpu.enqueue_indirect_dma source(%dma_start3A_85 : memref<8192x128xf32, #tpu.memory_space<hbm>>) target(%arg6 : memref<128x128xf32, #tpu.memory_space<vmem>>) offsets(%arg5 : memref<128xi32, #tpu.memory_space<vmem>>) semaphore(%arg7 : memref<!tpu.dma_semaphore, #tpu.memory_space<semaphore_mem>>)
    %dma_wait3A_86 = arith.constant 0 : i32
    %dma_wait3A_87 = arith.constant 0 : i32
    %dma_wait3A_88 = tpu.memref_slice %arg2[%dma_wait3A_86, %dma_wait3A_87] : memref<8192x128xf32, #tpu.memory_space<hbm>> -> memref<8192x128xf32, #tpu.memory_space<hbm>>
    tpu.wait_indirect_dma semaphore(%arg7 : memref<!tpu.dma_semaphore, #tpu.memory_space<semaphore_mem>>) src(%dma_wait3A_88 : memref<8192x128xf32, #tpu.memory_space<hbm>>) dst(%arg6 : memref<128x128xf32, #tpu.memory_space<vmem>>)
    "tpu.region"() ({
      %run_scoped3A = tpu.sem_alloc : memref<!tpu.dma_semaphore, #tpu.memory_space<semaphore_mem>>
      %dma_start3A_119 = arith.constant 0 : i32
      %dma_start3A_120 = tpu.memref_slice %arg4[%add3A_82, %dma_start3A_119] : memref<49152x128xf32, #tpu.memory_space<hbm>> -> memref<128x128xf32, #tpu.memory_space<hbm>>
      %dma_start3A_121 = arith.constant 0 : i32
      %dma_start3A_122 = tpu.memref_slice %arg4[%add3A_82, %dma_start3A_121] : memref<49152x128xf32, #tpu.memory_space<hbm>> -> memref<128x128xf32, #tpu.memory_space<hbm>>
      tpu.enqueue_dma source(%arg6 : memref<128x128xf32, #tpu.memory_space<vmem>>) target(%dma_start3A_122 : memref<128x128xf32, #tpu.memory_space<hbm>>) target_semaphore(%run_scoped3A : memref<!tpu.dma_semaphore, #tpu.memory_space<semaphore_mem>>)
      %dma_wait3A_123 = arith.constant 0 : i32
      %dma_wait3A_124 = tpu.memref_slice %arg4[%add3A_82, %dma_wait3A_123] : memref<49152x128xf32, #tpu.memory_space<hbm>> -> memref<128x128xf32, #tpu.memory_space<hbm>>
      %dma_wait3A_125 = arith.constant 0 : i32
      %dma_wait3A_126 = tpu.memref_slice %arg4[%add3A_82, %dma_wait3A_125] : memref<49152x128xf32, #tpu.memory_space<hbm>> -> memref<128x128xf32, #tpu.memory_space<hbm>>
      tpu.wait_dma2 semaphore(%run_scoped3A : memref<!tpu.dma_semaphore, #tpu.memory_space<semaphore_mem>>) src(%arg6 : memref<128x128xf32, #tpu.memory_space<vmem>>) dst(%dma_wait3A_126 : memref<128x128xf32, #tpu.memory_space<hbm>>)
      tpu.yield
    }) : () -> ()
    %mul3A_89 = arith.constant 1536 : i32
    %mul3A_90 = arith.muli %add3A, %mul3A_89 : i32
    %add3A_91 = arith.constant 1152 : i32
    %add3A_92 = arith.addi %mul3A_90, %add3A_91 : i32
    "tpu.region"() ({
      %run_scoped3A = tpu.sem_alloc : memref<!tpu.dma_semaphore, #tpu.memory_space<semaphore_mem>>
      %dma_start3A_119 = tpu.memref_slice %arg3[%add3A_92] : memref<49152xi32, #tpu.memory_space<hbm>> -> memref<128xi32, #tpu.memory_space<hbm>>
      %dma_start3A_120 = tpu.memref_slice %arg3[%add3A_92] : memref<49152xi32, #tpu.memory_space<hbm>> -> memref<128xi32, #tpu.memory_space<hbm>>
      tpu.enqueue_dma source(%dma_start3A_120 : memref<128xi32, #tpu.memory_space<hbm>>) target(%arg5 : memref<128xi32, #tpu.memory_space<vmem>>) target_semaphore(%run_scoped3A : memref<!tpu.dma_semaphore, #tpu.memory_space<semaphore_mem>>)
      %dma_wait3A_121 = tpu.memref_slice %arg3[%add3A_92] : memref<49152xi32, #tpu.memory_space<hbm>> -> memref<128xi32, #tpu.memory_space<hbm>>
      %dma_wait3A_122 = tpu.memref_slice %arg3[%add3A_92] : memref<49152xi32, #tpu.memory_space<hbm>> -> memref<128xi32, #tpu.memory_space<hbm>>
      tpu.wait_dma2 semaphore(%run_scoped3A : memref<!tpu.dma_semaphore, #tpu.memory_space<semaphore_mem>>) src(%dma_wait3A_122 : memref<128xi32, #tpu.memory_space<hbm>>) dst(%arg5 : memref<128xi32, #tpu.memory_space<vmem>>)
      tpu.yield
    }) : () -> ()
    %dma_start3A_93 = arith.constant 0 : i32
    %dma_start3A_94 = arith.constant 0 : i32
    %dma_start3A_95 = tpu.memref_slice %arg2[%dma_start3A_93, %dma_start3A_94] : memref<8192x128xf32, #tpu.memory_space<hbm>> -> memref<8192x128xf32, #tpu.memory_space<hbm>>
    tpu.enqueue_indirect_dma source(%dma_start3A_95 : memref<8192x128xf32, #tpu.memory_space<hbm>>) target(%arg6 : memref<128x128xf32, #tpu.memory_space<vmem>>) offsets(%arg5 : memref<128xi32, #tpu.memory_space<vmem>>) semaphore(%arg7 : memref<!tpu.dma_semaphore, #tpu.memory_space<semaphore_mem>>)
    %dma_wait3A_96 = arith.constant 0 : i32
    %dma_wait3A_97 = arith.constant 0 : i32
    %dma_wait3A_98 = tpu.memref_slice %arg2[%dma_wait3A_96, %dma_wait3A_97] : memref<8192x128xf32, #tpu.memory_space<hbm>> -> memref<8192x128xf32, #tpu.memory_space<hbm>>
    tpu.wait_indirect_dma semaphore(%arg7 : memref<!tpu.dma_semaphore, #tpu.memory_space<semaphore_mem>>) src(%dma_wait3A_98 : memref<8192x128xf32, #tpu.memory_space<hbm>>) dst(%arg6 : memref<128x128xf32, #tpu.memory_space<vmem>>)
    "tpu.region"() ({
      %run_scoped3A = tpu.sem_alloc : memref<!tpu.dma_semaphore, #tpu.memory_space<semaphore_mem>>
      %dma_start3A_119 = arith.constant 0 : i32
      %dma_start3A_120 = tpu.memref_slice %arg4[%add3A_92, %dma_start3A_119] : memref<49152x128xf32, #tpu.memory_space<hbm>> -> memref<128x128xf32, #tpu.memory_space<hbm>>
      %dma_start3A_121 = arith.constant 0 : i32
      %dma_start3A_122 = tpu.memref_slice %arg4[%add3A_92, %dma_start3A_121] : memref<49152x128xf32, #tpu.memory_space<hbm>> -> memref<128x128xf32, #tpu.memory_space<hbm>>
      tpu.enqueue_dma source(%arg6 : memref<128x128xf32, #tpu.memory_space<vmem>>) target(%dma_start3A_122 : memref<128x128xf32, #tpu.memory_space<hbm>>) target_semaphore(%run_scoped3A : memref<!tpu.dma_semaphore, #tpu.memory_space<semaphore_mem>>)
      %dma_wait3A_123 = arith.constant 0 : i32
      %dma_wait3A_124 = tpu.memref_slice %arg4[%add3A_92, %dma_wait3A_123] : memref<49152x128xf32, #tpu.memory_space<hbm>> -> memref<128x128xf32, #tpu.memory_space<hbm>>
      %dma_wait3A_125 = arith.constant 0 : i32
      %dma_wait3A_126 = tpu.memref_slice %arg4[%add3A_92, %dma_wait3A_125] : memref<49152x128xf32, #tpu.memory_space<hbm>> -> memref<128x128xf32, #tpu.memory_space<hbm>>
      tpu.wait_dma2 semaphore(%run_scoped3A : memref<!tpu.dma_semaphore, #tpu.memory_space<semaphore_mem>>) src(%arg6 : memref<128x128xf32, #tpu.memory_space<vmem>>) dst(%dma_wait3A_126 : memref<128x128xf32, #tpu.memory_space<hbm>>)
      tpu.yield
    }) : () -> ()
    %mul3A_99 = arith.constant 1536 : i32
    %mul3A_100 = arith.muli %add3A, %mul3A_99 : i32
    %add3A_101 = arith.constant 1280 : i32
    %add3A_102 = arith.addi %mul3A_100, %add3A_101 : i32
    "tpu.region"() ({
      %run_scoped3A = tpu.sem_alloc : memref<!tpu.dma_semaphore, #tpu.memory_space<semaphore_mem>>
      %dma_start3A_119 = tpu.memref_slice %arg3[%add3A_102] : memref<49152xi32, #tpu.memory_space<hbm>> -> memref<128xi32, #tpu.memory_space<hbm>>
      %dma_start3A_120 = tpu.memref_slice %arg3[%add3A_102] : memref<49152xi32, #tpu.memory_space<hbm>> -> memref<128xi32, #tpu.memory_space<hbm>>
      tpu.enqueue_dma source(%dma_start3A_120 : memref<128xi32, #tpu.memory_space<hbm>>) target(%arg5 : memref<128xi32, #tpu.memory_space<vmem>>) target_semaphore(%run_scoped3A : memref<!tpu.dma_semaphore, #tpu.memory_space<semaphore_mem>>)
      %dma_wait3A_121 = tpu.memref_slice %arg3[%add3A_102] : memref<49152xi32, #tpu.memory_space<hbm>> -> memref<128xi32, #tpu.memory_space<hbm>>
      %dma_wait3A_122 = tpu.memref_slice %arg3[%add3A_102] : memref<49152xi32, #tpu.memory_space<hbm>> -> memref<128xi32, #tpu.memory_space<hbm>>
      tpu.wait_dma2 semaphore(%run_scoped3A : memref<!tpu.dma_semaphore, #tpu.memory_space<semaphore_mem>>) src(%dma_wait3A_122 : memref<128xi32, #tpu.memory_space<hbm>>) dst(%arg5 : memref<128xi32, #tpu.memory_space<vmem>>)
      tpu.yield
    }) : () -> ()
    %dma_start3A_103 = arith.constant 0 : i32
    %dma_start3A_104 = arith.constant 0 : i32
    %dma_start3A_105 = tpu.memref_slice %arg2[%dma_start3A_103, %dma_start3A_104] : memref<8192x128xf32, #tpu.memory_space<hbm>> -> memref<8192x128xf32, #tpu.memory_space<hbm>>
    tpu.enqueue_indirect_dma source(%dma_start3A_105 : memref<8192x128xf32, #tpu.memory_space<hbm>>) target(%arg6 : memref<128x128xf32, #tpu.memory_space<vmem>>) offsets(%arg5 : memref<128xi32, #tpu.memory_space<vmem>>) semaphore(%arg7 : memref<!tpu.dma_semaphore, #tpu.memory_space<semaphore_mem>>)
    %dma_wait3A_106 = arith.constant 0 : i32
    %dma_wait3A_107 = arith.constant 0 : i32
    %dma_wait3A_108 = tpu.memref_slice %arg2[%dma_wait3A_106, %dma_wait3A_107] : memref<8192x128xf32, #tpu.memory_space<hbm>> -> memref<8192x128xf32, #tpu.memory_space<hbm>>
    tpu.wait_indirect_dma semaphore(%arg7 : memref<!tpu.dma_semaphore, #tpu.memory_space<semaphore_mem>>) src(%dma_wait3A_108 : memref<8192x128xf32, #tpu.memory_space<hbm>>) dst(%arg6 : memref<128x128xf32, #tpu.memory_space<vmem>>)
    "tpu.region"() ({
      %run_scoped3A = tpu.sem_alloc : memref<!tpu.dma_semaphore, #tpu.memory_space<semaphore_mem>>
      %dma_start3A_119 = arith.constant 0 : i32
      %dma_start3A_120 = tpu.memref_slice %arg4[%add3A_102, %dma_start3A_119] : memref<49152x128xf32, #tpu.memory_space<hbm>> -> memref<128x128xf32, #tpu.memory_space<hbm>>
      %dma_start3A_121 = arith.constant 0 : i32
      %dma_start3A_122 = tpu.memref_slice %arg4[%add3A_102, %dma_start3A_121] : memref<49152x128xf32, #tpu.memory_space<hbm>> -> memref<128x128xf32, #tpu.memory_space<hbm>>
      tpu.enqueue_dma source(%arg6 : memref<128x128xf32, #tpu.memory_space<vmem>>) target(%dma_start3A_122 : memref<128x128xf32, #tpu.memory_space<hbm>>) target_semaphore(%run_scoped3A : memref<!tpu.dma_semaphore, #tpu.memory_space<semaphore_mem>>)
      %dma_wait3A_123 = arith.constant 0 : i32
      %dma_wait3A_124 = tpu.memref_slice %arg4[%add3A_102, %dma_wait3A_123] : memref<49152x128xf32, #tpu.memory_space<hbm>> -> memref<128x128xf32, #tpu.memory_space<hbm>>
      %dma_wait3A_125 = arith.constant 0 : i32
      %dma_wait3A_126 = tpu.memref_slice %arg4[%add3A_102, %dma_wait3A_125] : memref<49152x128xf32, #tpu.memory_space<hbm>> -> memref<128x128xf32, #tpu.memory_space<hbm>>
      tpu.wait_dma2 semaphore(%run_scoped3A : memref<!tpu.dma_semaphore, #tpu.memory_space<semaphore_mem>>) src(%arg6 : memref<128x128xf32, #tpu.memory_space<vmem>>) dst(%dma_wait3A_126 : memref<128x128xf32, #tpu.memory_space<hbm>>)
      tpu.yield
    }) : () -> ()
    %mul3A_109 = arith.constant 1536 : i32
    %mul3A_110 = arith.muli %add3A, %mul3A_109 : i32
    %add3A_111 = arith.constant 1408 : i32
    %add3A_112 = arith.addi %mul3A_110, %add3A_111 : i32
    "tpu.region"() ({
      %run_scoped3A = tpu.sem_alloc : memref<!tpu.dma_semaphore, #tpu.memory_space<semaphore_mem>>
      %dma_start3A_119 = tpu.memref_slice %arg3[%add3A_112] : memref<49152xi32, #tpu.memory_space<hbm>> -> memref<128xi32, #tpu.memory_space<hbm>>
      %dma_start3A_120 = tpu.memref_slice %arg3[%add3A_112] : memref<49152xi32, #tpu.memory_space<hbm>> -> memref<128xi32, #tpu.memory_space<hbm>>
      tpu.enqueue_dma source(%dma_start3A_120 : memref<128xi32, #tpu.memory_space<hbm>>) target(%arg5 : memref<128xi32, #tpu.memory_space<vmem>>) target_semaphore(%run_scoped3A : memref<!tpu.dma_semaphore, #tpu.memory_space<semaphore_mem>>)
      %dma_wait3A_121 = tpu.memref_slice %arg3[%add3A_112] : memref<49152xi32, #tpu.memory_space<hbm>> -> memref<128xi32, #tpu.memory_space<hbm>>
      %dma_wait3A_122 = tpu.memref_slice %arg3[%add3A_112] : memref<49152xi32, #tpu.memory_space<hbm>> -> memref<128xi32, #tpu.memory_space<hbm>>
      tpu.wait_dma2 semaphore(%run_scoped3A : memref<!tpu.dma_semaphore, #tpu.memory_space<semaphore_mem>>) src(%dma_wait3A_122 : memref<128xi32, #tpu.memory_space<hbm>>) dst(%arg5 : memref<128xi32, #tpu.memory_space<vmem>>)
      tpu.yield
    }) : () -> ()
    %dma_start3A_113 = arith.constant 0 : i32
    %dma_start3A_114 = arith.constant 0 : i32
    %dma_start3A_115 = tpu.memref_slice %arg2[%dma_start3A_113, %dma_start3A_114] : memref<8192x128xf32, #tpu.memory_space<hbm>> -> memref<8192x128xf32, #tpu.memory_space<hbm>>
    tpu.enqueue_indirect_dma source(%dma_start3A_115 : memref<8192x128xf32, #tpu.memory_space<hbm>>) target(%arg6 : memref<128x128xf32, #tpu.memory_space<vmem>>) offsets(%arg5 : memref<128xi32, #tpu.memory_space<vmem>>) semaphore(%arg7 : memref<!tpu.dma_semaphore, #tpu.memory_space<semaphore_mem>>)
    %dma_wait3A_116 = arith.constant 0 : i32
    %dma_wait3A_117 = arith.constant 0 : i32
    %dma_wait3A_118 = tpu.memref_slice %arg2[%dma_wait3A_116, %dma_wait3A_117] : memref<8192x128xf32, #tpu.memory_space<hbm>> -> memref<8192x128xf32, #tpu.memory_space<hbm>>
    tpu.wait_indirect_dma semaphore(%arg7 : memref<!tpu.dma_semaphore, #tpu.memory_space<semaphore_mem>>) src(%dma_wait3A_118 : memref<8192x128xf32, #tpu.memory_space<hbm>>) dst(%arg6 : memref<128x128xf32, #tpu.memory_space<vmem>>)
    "tpu.region"() ({
      %run_scoped3A = tpu.sem_alloc : memref<!tpu.dma_semaphore, #tpu.memory_space<semaphore_mem>>
      %dma_start3A_119 = arith.constant 0 : i32
      %dma_start3A_120 = tpu.memref_slice %arg4[%add3A_112, %dma_start3A_119] : memref<49152x128xf32, #tpu.memory_space<hbm>> -> memref<128x128xf32, #tpu.memory_space<hbm>>
      %dma_start3A_121 = arith.constant 0 : i32
      %dma_start3A_122 = tpu.memref_slice %arg4[%add3A_112, %dma_start3A_121] : memref<49152x128xf32, #tpu.memory_space<hbm>> -> memref<128x128xf32, #tpu.memory_space<hbm>>
      tpu.enqueue_dma source(%arg6 : memref<128x128xf32, #tpu.memory_space<vmem>>) target(%dma_start3A_122 : memref<128x128xf32, #tpu.memory_space<hbm>>) target_semaphore(%run_scoped3A : memref<!tpu.dma_semaphore, #tpu.memory_space<semaphore_mem>>)
      %dma_wait3A_123 = arith.constant 0 : i32
      %dma_wait3A_124 = tpu.memref_slice %arg4[%add3A_112, %dma_wait3A_123] : memref<49152x128xf32, #tpu.memory_space<hbm>> -> memref<128x128xf32, #tpu.memory_space<hbm>>
      %dma_wait3A_125 = arith.constant 0 : i32
      %dma_wait3A_126 = tpu.memref_slice %arg4[%add3A_112, %dma_wait3A_125] : memref<49152x128xf32, #tpu.memory_space<hbm>> -> memref<128x128xf32, #tpu.memory_space<hbm>>
      tpu.wait_dma2 semaphore(%run_scoped3A : memref<!tpu.dma_semaphore, #tpu.memory_space<semaphore_mem>>) src(%arg6 : memref<128x128xf32, #tpu.memory_space<vmem>>) dst(%dma_wait3A_126 : memref<128x128xf32, #tpu.memory_space<hbm>>)
      tpu.yield
    }) : () -> ()
    return
  }
}

module attributes {stable_mosaic.version = 14 : i64} {
  func.func @_k1sel_body(%arg0: i32, %arg1: i32, %arg2: memref<1x512x2048xf32, #tpu.memory_space<vmem>>, %arg3: memref<1x1x8x512xf32, #tpu.memory_space<vmem>>, %arg4: memref<1x1x8x512xf32, #tpu.memory_space<vmem>>) attributes {dimension_semantics = [#tpu.dimension_semantics<arbitrary>, #tpu.dimension_semantics<arbitrary>], iteration_bounds = array<i64: 4, 8>, scalar_prefetch = 0 : i64, scratch_operands = 0 : i64, tpu.core_type = #tpu.core_type<tc>, window_params = [{transform_indices = @transform_0, window_bounds = array<i64: 1, 512, 2048>}, {transform_indices = @transform_1, window_bounds = array<i64: 1, 1, 8, 512>}, {transform_indices = @transform_2, window_bounds = array<i64: 1, 1, 8, 512>}]} {
    %get3A = arith.constant 0 : index
    %get3A_0 = arith.constant 0 : index
    %get3A_1 = arith.constant 0 : index
    %get3A_2 = vector.load %arg2[%get3A, %get3A_0, %get3A_1] : memref<1x512x2048xf32, #tpu.memory_space<vmem>>, vector<1x512x2048xf32>
    %get3A_3 = vector.shape_cast %get3A_2 : vector<1x512x2048xf32> to vector<512x2048xf32>
    %iota3A = tpu.iota {dimensions = array<i32: 1>} : vector<512x2048xi32>
    %convert_element_type3A = arith.sitofp %iota3A : vector<512x2048xi32> to vector<512x2048xf32>
    %mul3A = arith.constant 2048 : i32
    %mul3A_4 = arith.muli %arg0, %mul3A : i32
    %reduce_min3A = arith.constant dense<0x7F800000> : vector<512xf32>
    %reduce_min3A_5 = vector.multi_reduction <minimumf>, %get3A_3, %reduce_min3A [1] : vector<512x2048xf32> to vector<512xf32>
    %broadcast_in_dim3A = vector.shape_cast %reduce_min3A_5 : vector<512xf32> to vector<512x1xf32>
    %eq3A = vector.broadcast %broadcast_in_dim3A : vector<512x1xf32> to vector<512x2048xf32>
    %eq3A_6 = arith.cmpf oeq, %get3A_3, %eq3A : vector<512x2048xf32>
    %jit3A = arith.constant 2.048000e+03 : f32
    %broadcast_in_dim3A_7 = vector.broadcast %jit3A : f32 to vector<512x2048xf32>
    %select_n3A = arith.select %eq3A_6, %convert_element_type3A, %broadcast_in_dim3A_7 : vector<512x2048xi1>, vector<512x2048xf32>
    %reduce_min3A_8 = arith.constant dense<0x7F800000> : vector<512xf32>
    %reduce_min3A_9 = vector.multi_reduction <minimumf>, %select_n3A, %reduce_min3A_8 [1] : vector<512x2048xf32> to vector<512xf32>
    %broadcast_in_dim3A_10 = vector.shape_cast %reduce_min3A_9 : vector<512xf32> to vector<512x1xf32>
    %add3A = arith.constant 9.99999993E-9 : f32
    %add3A_11 = vector.broadcast %add3A : f32 to vector<512x1xf32>
    %add3A_12 = arith.addf %broadcast_in_dim3A, %add3A_11 : vector<512x1xf32>
    %div3A = arith.constant 1.000000e+00 : f32
    %div3A_13 = vector.broadcast %div3A : f32 to vector<512x1xf32>
    %div3A_14 = arith.divf %div3A_13, %add3A_12 : vector<512x1xf32>
    %convert_element_type3A_15 = arith.sitofp %mul3A_4 : i32 to f32
    %add3A_16 = vector.broadcast %convert_element_type3A_15 : f32 to vector<512x1xf32>
    %add3A_17 = arith.addf %broadcast_in_dim3A_10, %add3A_16 : vector<512x1xf32>
    %eq3A_18 = vector.broadcast %broadcast_in_dim3A_10 : vector<512x1xf32> to vector<512x2048xf32>
    %eq3A_19 = arith.cmpf oeq, %select_n3A, %eq3A_18 : vector<512x2048xf32>
    %jit3A_20 = arith.constant 0x7F800000 : f32
    %broadcast_in_dim3A_21 = vector.broadcast %jit3A_20 : f32 to vector<512x2048xf32>
    %select_n3A_22 = arith.select %eq3A_19, %broadcast_in_dim3A_21, %get3A_3 : vector<512x2048xi1>, vector<512x2048xf32>
    %reduce_min3A_23 = arith.constant dense<0x7F800000> : vector<512xf32>
    %reduce_min3A_24 = vector.multi_reduction <minimumf>, %select_n3A_22, %reduce_min3A_23 [1] : vector<512x2048xf32> to vector<512xf32>
    %broadcast_in_dim3A_25 = vector.shape_cast %reduce_min3A_24 : vector<512xf32> to vector<512x1xf32>
    %eq3A_26 = vector.broadcast %broadcast_in_dim3A_25 : vector<512x1xf32> to vector<512x2048xf32>
    %eq3A_27 = arith.cmpf oeq, %select_n3A_22, %eq3A_26 : vector<512x2048xf32>
    %jit3A_28 = arith.constant 2.048000e+03 : f32
    %broadcast_in_dim3A_29 = vector.broadcast %jit3A_28 : f32 to vector<512x2048xf32>
    %select_n3A_30 = arith.select %eq3A_27, %convert_element_type3A, %broadcast_in_dim3A_29 : vector<512x2048xi1>, vector<512x2048xf32>
    %reduce_min3A_31 = arith.constant dense<0x7F800000> : vector<512xf32>
    %reduce_min3A_32 = vector.multi_reduction <minimumf>, %select_n3A_30, %reduce_min3A_31 [1] : vector<512x2048xf32> to vector<512xf32>
    %broadcast_in_dim3A_33 = vector.shape_cast %reduce_min3A_32 : vector<512xf32> to vector<512x1xf32>
    %add3A_34 = arith.constant 9.99999993E-9 : f32
    %add3A_35 = vector.broadcast %add3A_34 : f32 to vector<512x1xf32>
    %add3A_36 = arith.addf %broadcast_in_dim3A_25, %add3A_35 : vector<512x1xf32>
    %div3A_37 = arith.constant 1.000000e+00 : f32
    %div3A_38 = vector.broadcast %div3A_37 : f32 to vector<512x1xf32>
    %div3A_39 = arith.divf %div3A_38, %add3A_36 : vector<512x1xf32>
    %convert_element_type3A_40 = arith.sitofp %mul3A_4 : i32 to f32
    %add3A_41 = vector.broadcast %convert_element_type3A_40 : f32 to vector<512x1xf32>
    %add3A_42 = arith.addf %broadcast_in_dim3A_33, %add3A_41 : vector<512x1xf32>
    %eq3A_43 = vector.broadcast %broadcast_in_dim3A_33 : vector<512x1xf32> to vector<512x2048xf32>
    %eq3A_44 = arith.cmpf oeq, %select_n3A_30, %eq3A_43 : vector<512x2048xf32>
    %jit3A_45 = arith.constant 0x7F800000 : f32
    %broadcast_in_dim3A_46 = vector.broadcast %jit3A_45 : f32 to vector<512x2048xf32>
    %select_n3A_47 = arith.select %eq3A_44, %broadcast_in_dim3A_46, %select_n3A_22 : vector<512x2048xi1>, vector<512x2048xf32>
    %reduce_min3A_48 = arith.constant dense<0x7F800000> : vector<512xf32>
    %reduce_min3A_49 = vector.multi_reduction <minimumf>, %select_n3A_47, %reduce_min3A_48 [1] : vector<512x2048xf32> to vector<512xf32>
    %broadcast_in_dim3A_50 = vector.shape_cast %reduce_min3A_49 : vector<512xf32> to vector<512x1xf32>
    %eq3A_51 = vector.broadcast %broadcast_in_dim3A_50 : vector<512x1xf32> to vector<512x2048xf32>
    %eq3A_52 = arith.cmpf oeq, %select_n3A_47, %eq3A_51 : vector<512x2048xf32>
    %jit3A_53 = arith.constant 2.048000e+03 : f32
    %broadcast_in_dim3A_54 = vector.broadcast %jit3A_53 : f32 to vector<512x2048xf32>
    %select_n3A_55 = arith.select %eq3A_52, %convert_element_type3A, %broadcast_in_dim3A_54 : vector<512x2048xi1>, vector<512x2048xf32>
    %reduce_min3A_56 = arith.constant dense<0x7F800000> : vector<512xf32>
    %reduce_min3A_57 = vector.multi_reduction <minimumf>, %select_n3A_55, %reduce_min3A_56 [1] : vector<512x2048xf32> to vector<512xf32>
    %broadcast_in_dim3A_58 = vector.shape_cast %reduce_min3A_57 : vector<512xf32> to vector<512x1xf32>
    %add3A_59 = arith.constant 9.99999993E-9 : f32
    %add3A_60 = vector.broadcast %add3A_59 : f32 to vector<512x1xf32>
    %add3A_61 = arith.addf %broadcast_in_dim3A_50, %add3A_60 : vector<512x1xf32>
    %div3A_62 = arith.constant 1.000000e+00 : f32
    %div3A_63 = vector.broadcast %div3A_62 : f32 to vector<512x1xf32>
    %div3A_64 = arith.divf %div3A_63, %add3A_61 : vector<512x1xf32>
    %convert_element_type3A_65 = arith.sitofp %mul3A_4 : i32 to f32
    %add3A_66 = vector.broadcast %convert_element_type3A_65 : f32 to vector<512x1xf32>
    %add3A_67 = arith.addf %broadcast_in_dim3A_58, %add3A_66 : vector<512x1xf32>
    %add3A_68 = arith.addf %div3A_14, %div3A_39 : vector<512x1xf32>
    %add3A_69 = arith.addf %add3A_68, %div3A_64 : vector<512x1xf32>
    %broadcast_in_dim3A_70 = arith.constant 0.000000e+00 : f32
    %broadcast_in_dim3A_71 = vector.broadcast %broadcast_in_dim3A_70 : f32 to vector<512x5xf32>
    %div3A_72 = arith.divf %div3A_14, %add3A_69 : vector<512x1xf32>
    %div3A_73 = arith.divf %div3A_39, %add3A_69 : vector<512x1xf32>
    %div3A_74 = arith.divf %div3A_64, %add3A_69 : vector<512x1xf32>
    %concatenate3A = tpu.concatenate %div3A_72, %div3A_73, %div3A_74, %broadcast_in_dim3A_71 in 1 : vector<512x1xf32>, vector<512x1xf32>, vector<512x1xf32>, vector<512x5xf32> -> vector<512x8xf32>
    %transpose3A = tpu.transpose %concatenate3A, [1, 0] : vector<512x8xf32> -> vector<8x512xf32>
    %swap3A = arith.constant 0 : index
    %swap3A_75 = arith.constant 0 : index
    %swap3A_76 = arith.constant 0 : index
    %swap3A_77 = arith.constant 0 : index
    %swap3A_78 = vector.load %arg3[%swap3A, %swap3A_75, %swap3A_76, %swap3A_77] : memref<1x1x8x512xf32, #tpu.memory_space<vmem>>, vector<1x1x8x512xf32>
    %swap3A_79 = vector.shape_cast %swap3A_78 : vector<1x1x8x512xf32> to vector<8x512xf32>
    %swap3A_80 = vector.shape_cast %transpose3A : vector<8x512xf32> to vector<1x1x8x512xf32>
    tpu.vector_store %arg3[%swap3A, %swap3A_75, %swap3A_76, %swap3A_77], %swap3A_80 {strides = array<i32>} : memref<1x1x8x512xf32, #tpu.memory_space<vmem>>, vector<1x1x8x512xf32>,
    %concatenate3A_81 = tpu.concatenate %add3A_17, %add3A_42, %add3A_67, %broadcast_in_dim3A_71 in 1 : vector<512x1xf32>, vector<512x1xf32>, vector<512x1xf32>, vector<512x5xf32> -> vector<512x8xf32>
    %transpose3A_82 = tpu.transpose %concatenate3A_81, [1, 0] : vector<512x8xf32> -> vector<8x512xf32>
    %swap3A_83 = arith.constant 0 : index
    %swap3A_84 = arith.constant 0 : index
    %swap3A_85 = arith.constant 0 : index
    %swap3A_86 = arith.constant 0 : index
    %swap3A_87 = vector.load %arg4[%swap3A_83, %swap3A_84, %swap3A_85, %swap3A_86] : memref<1x1x8x512xf32, #tpu.memory_space<vmem>>, vector<1x1x8x512xf32>
    %swap3A_88 = vector.shape_cast %swap3A_87 : vector<1x1x8x512xf32> to vector<8x512xf32>
    %swap3A_89 = vector.shape_cast %transpose3A_82 : vector<8x512xf32> to vector<1x1x8x512xf32>
    tpu.vector_store %arg4[%swap3A_83, %swap3A_84, %swap3A_85, %swap3A_86], %swap3A_89 {strides = array<i32>} : memref<1x1x8x512xf32, #tpu.memory_space<vmem>>, vector<1x1x8x512xf32>,
    return
  }
  func.func @transform_0(%arg0: i32, %arg1: i32) -> (i32, i32, i32) {
    %add3A = arith.constant 0 : i32
    %add3A_0 = arith.addi %arg1, %add3A : i32
    %c0_i32 = arith.constant 0 : i32
    %c0_i32_1 = arith.constant 0 : i32
    return %arg0, %add3A_0, %c0_i32 : i32, i32, i32
  }
  func.func @transform_1(%arg0: i32, %arg1: i32) -> (i32, i32, i32, i32) {
    %c0_i32 = arith.constant 0 : i32
    %c0_i32_0 = arith.constant 0 : i32
    %c0_i32_1 = arith.constant 0 : i32
    return %arg0, %arg1, %c0_i32, %c0_i32_0 : i32, i32, i32, i32
  }
  func.func @transform_2(%arg0: i32, %arg1: i32) -> (i32, i32, i32, i32) {
    %c0_i32 = arith.constant 0 : i32
    %c0_i32_0 = arith.constant 0 : i32
    %c0_i32_1 = arith.constant 0 : i32
    return %arg0, %arg1, %c0_i32, %c0_i32_0 : i32, i32, i32, i32
  }
}

module attributes {stable_mosaic.version = 14 : i64} {
  func.func @_k1sel_body(%arg0: i32, %arg1: i32, %arg2: memref<1x512x2048xf32, #tpu.memory_space<vmem>>, %arg3: memref<1x1x8x512xf32, #tpu.memory_space<vmem>>, %arg4: memref<1x1x8x512xf32, #tpu.memory_space<vmem>>) attributes {dimension_semantics = [#tpu.dimension_semantics<arbitrary>, #tpu.dimension_semantics<arbitrary>], iteration_bounds = array<i64: 4, 8>, scalar_prefetch = 0 : i64, scratch_operands = 0 : i64, tpu.core_type = #tpu.core_type<tc>, window_params = [{transform_indices = @transform_0, window_bounds = array<i64: 1, 512, 2048>}, {transform_indices = @transform_1, window_bounds = array<i64: 1, 1, 8, 512>}, {transform_indices = @transform_2, window_bounds = array<i64: 1, 1, 8, 512>}]} {
    %get3A = arith.constant 0 : index
    %get3A_0 = arith.constant 0 : index
    %get3A_1 = arith.constant 0 : index
    %get3A_2 = vector.load %arg2[%get3A, %get3A_0, %get3A_1] : memref<1x512x2048xf32, #tpu.memory_space<vmem>>, vector<1x512x2048xf32>
    %get3A_3 = vector.shape_cast %get3A_2 : vector<1x512x2048xf32> to vector<512x2048xf32>
    %iota3A = tpu.iota {dimensions = array<i32: 1>} : vector<512x2048xi32>
    %convert_element_type3A = arith.sitofp %iota3A : vector<512x2048xi32> to vector<512x2048xf32>
    %mul3A = arith.constant 2048 : i32
    %mul3A_4 = arith.muli %arg0, %mul3A : i32
    %reduce_min3A = arith.constant dense<0x7F800000> : vector<512xf32>
    %reduce_min3A_5 = vector.multi_reduction <minimumf>, %get3A_3, %reduce_min3A [1] : vector<512x2048xf32> to vector<512xf32>
    %broadcast_in_dim3A = vector.shape_cast %reduce_min3A_5 : vector<512xf32> to vector<512x1xf32>
    %eq3A = vector.broadcast %broadcast_in_dim3A : vector<512x1xf32> to vector<512x2048xf32>
    %eq3A_6 = arith.cmpf oeq, %get3A_3, %eq3A : vector<512x2048xf32>
    %jit3A = arith.constant 2.048000e+03 : f32
    %broadcast_in_dim3A_7 = vector.broadcast %jit3A : f32 to vector<512x2048xf32>
    %select_n3A = arith.select %eq3A_6, %convert_element_type3A, %broadcast_in_dim3A_7 : vector<512x2048xi1>, vector<512x2048xf32>
    %reduce_min3A_8 = arith.constant dense<0x7F800000> : vector<512xf32>
    %reduce_min3A_9 = vector.multi_reduction <minimumf>, %select_n3A, %reduce_min3A_8 [1] : vector<512x2048xf32> to vector<512xf32>
    %broadcast_in_dim3A_10 = vector.shape_cast %reduce_min3A_9 : vector<512xf32> to vector<512x1xf32>
    %add3A = arith.constant 9.99999993E-9 : f32
    %add3A_11 = vector.broadcast %add3A : f32 to vector<512x1xf32>
    %add3A_12 = arith.addf %broadcast_in_dim3A, %add3A_11 : vector<512x1xf32>
    %div3A = arith.constant 1.000000e+00 : f32
    %div3A_13 = vector.broadcast %div3A : f32 to vector<512x1xf32>
    %div3A_14 = arith.divf %div3A_13, %add3A_12 : vector<512x1xf32>
    %convert_element_type3A_15 = arith.sitofp %mul3A_4 : i32 to f32
    %add3A_16 = vector.broadcast %convert_element_type3A_15 : f32 to vector<512x1xf32>
    %add3A_17 = arith.addf %broadcast_in_dim3A_10, %add3A_16 : vector<512x1xf32>
    %eq3A_18 = vector.broadcast %broadcast_in_dim3A_10 : vector<512x1xf32> to vector<512x2048xf32>
    %eq3A_19 = arith.cmpf oeq, %select_n3A, %eq3A_18 : vector<512x2048xf32>
    %jit3A_20 = arith.constant 0x7F800000 : f32
    %broadcast_in_dim3A_21 = vector.broadcast %jit3A_20 : f32 to vector<512x2048xf32>
    %select_n3A_22 = arith.select %eq3A_19, %broadcast_in_dim3A_21, %get3A_3 : vector<512x2048xi1>, vector<512x2048xf32>
    %reduce_min3A_23 = arith.constant dense<0x7F800000> : vector<512xf32>
    %reduce_min3A_24 = vector.multi_reduction <minimumf>, %select_n3A_22, %reduce_min3A_23 [1] : vector<512x2048xf32> to vector<512xf32>
    %broadcast_in_dim3A_25 = vector.shape_cast %reduce_min3A_24 : vector<512xf32> to vector<512x1xf32>
    %eq3A_26 = vector.broadcast %broadcast_in_dim3A_25 : vector<512x1xf32> to vector<512x2048xf32>
    %eq3A_27 = arith.cmpf oeq, %select_n3A_22, %eq3A_26 : vector<512x2048xf32>
    %jit3A_28 = arith.constant 2.048000e+03 : f32
    %broadcast_in_dim3A_29 = vector.broadcast %jit3A_28 : f32 to vector<512x2048xf32>
    %select_n3A_30 = arith.select %eq3A_27, %convert_element_type3A, %broadcast_in_dim3A_29 : vector<512x2048xi1>, vector<512x2048xf32>
    %reduce_min3A_31 = arith.constant dense<0x7F800000> : vector<512xf32>
    %reduce_min3A_32 = vector.multi_reduction <minimumf>, %select_n3A_30, %reduce_min3A_31 [1] : vector<512x2048xf32> to vector<512xf32>
    %broadcast_in_dim3A_33 = vector.shape_cast %reduce_min3A_32 : vector<512xf32> to vector<512x1xf32>
    %add3A_34 = arith.constant 9.99999993E-9 : f32
    %add3A_35 = vector.broadcast %add3A_34 : f32 to vector<512x1xf32>
    %add3A_36 = arith.addf %broadcast_in_dim3A_25, %add3A_35 : vector<512x1xf32>
    %div3A_37 = arith.constant 1.000000e+00 : f32
    %div3A_38 = vector.broadcast %div3A_37 : f32 to vector<512x1xf32>
    %div3A_39 = arith.divf %div3A_38, %add3A_36 : vector<512x1xf32>
    %convert_element_type3A_40 = arith.sitofp %mul3A_4 : i32 to f32
    %add3A_41 = vector.broadcast %convert_element_type3A_40 : f32 to vector<512x1xf32>
    %add3A_42 = arith.addf %broadcast_in_dim3A_33, %add3A_41 : vector<512x1xf32>
    %eq3A_43 = vector.broadcast %broadcast_in_dim3A_33 : vector<512x1xf32> to vector<512x2048xf32>
    %eq3A_44 = arith.cmpf oeq, %select_n3A_30, %eq3A_43 : vector<512x2048xf32>
    %jit3A_45 = arith.constant 0x7F800000 : f32
    %broadcast_in_dim3A_46 = vector.broadcast %jit3A_45 : f32 to vector<512x2048xf32>
    %select_n3A_47 = arith.select %eq3A_44, %broadcast_in_dim3A_46, %select_n3A_22 : vector<512x2048xi1>, vector<512x2048xf32>
    %reduce_min3A_48 = arith.constant dense<0x7F800000> : vector<512xf32>
    %reduce_min3A_49 = vector.multi_reduction <minimumf>, %select_n3A_47, %reduce_min3A_48 [1] : vector<512x2048xf32> to vector<512xf32>
    %broadcast_in_dim3A_50 = vector.shape_cast %reduce_min3A_49 : vector<512xf32> to vector<512x1xf32>
    %eq3A_51 = vector.broadcast %broadcast_in_dim3A_50 : vector<512x1xf32> to vector<512x2048xf32>
    %eq3A_52 = arith.cmpf oeq, %select_n3A_47, %eq3A_51 : vector<512x2048xf32>
    %jit3A_53 = arith.constant 2.048000e+03 : f32
    %broadcast_in_dim3A_54 = vector.broadcast %jit3A_53 : f32 to vector<512x2048xf32>
    %select_n3A_55 = arith.select %eq3A_52, %convert_element_type3A, %broadcast_in_dim3A_54 : vector<512x2048xi1>, vector<512x2048xf32>
    %reduce_min3A_56 = arith.constant dense<0x7F800000> : vector<512xf32>
    %reduce_min3A_57 = vector.multi_reduction <minimumf>, %select_n3A_55, %reduce_min3A_56 [1] : vector<512x2048xf32> to vector<512xf32>
    %broadcast_in_dim3A_58 = vector.shape_cast %reduce_min3A_57 : vector<512xf32> to vector<512x1xf32>
    %add3A_59 = arith.constant 9.99999993E-9 : f32
    %add3A_60 = vector.broadcast %add3A_59 : f32 to vector<512x1xf32>
    %add3A_61 = arith.addf %broadcast_in_dim3A_50, %add3A_60 : vector<512x1xf32>
    %div3A_62 = arith.constant 1.000000e+00 : f32
    %div3A_63 = vector.broadcast %div3A_62 : f32 to vector<512x1xf32>
    %div3A_64 = arith.divf %div3A_63, %add3A_61 : vector<512x1xf32>
    %convert_element_type3A_65 = arith.sitofp %mul3A_4 : i32 to f32
    %add3A_66 = vector.broadcast %convert_element_type3A_65 : f32 to vector<512x1xf32>
    %add3A_67 = arith.addf %broadcast_in_dim3A_58, %add3A_66 : vector<512x1xf32>
    %add3A_68 = arith.addf %div3A_14, %div3A_39 : vector<512x1xf32>
    %add3A_69 = arith.addf %add3A_68, %div3A_64 : vector<512x1xf32>
    %broadcast_in_dim3A_70 = arith.constant 0.000000e+00 : f32
    %broadcast_in_dim3A_71 = vector.broadcast %broadcast_in_dim3A_70 : f32 to vector<512x5xf32>
    %div3A_72 = arith.divf %div3A_14, %add3A_69 : vector<512x1xf32>
    %div3A_73 = arith.divf %div3A_39, %add3A_69 : vector<512x1xf32>
    %div3A_74 = arith.divf %div3A_64, %add3A_69 : vector<512x1xf32>
    %concatenate3A = tpu.concatenate %div3A_72, %div3A_73, %div3A_74, %broadcast_in_dim3A_71 in 1 : vector<512x1xf32>, vector<512x1xf32>, vector<512x1xf32>, vector<512x5xf32> -> vector<512x8xf32>
    %transpose3A = tpu.transpose %concatenate3A, [1, 0] : vector<512x8xf32> -> vector<8x512xf32>
    %swap3A = arith.constant 0 : index
    %swap3A_75 = arith.constant 0 : index
    %swap3A_76 = arith.constant 0 : index
    %swap3A_77 = arith.constant 0 : index
    %swap3A_78 = vector.load %arg3[%swap3A, %swap3A_75, %swap3A_76, %swap3A_77] : memref<1x1x8x512xf32, #tpu.memory_space<vmem>>, vector<1x1x8x512xf32>
    %swap3A_79 = vector.shape_cast %swap3A_78 : vector<1x1x8x512xf32> to vector<8x512xf32>
    %swap3A_80 = vector.shape_cast %transpose3A : vector<8x512xf32> to vector<1x1x8x512xf32>
    tpu.vector_store %arg3[%swap3A, %swap3A_75, %swap3A_76, %swap3A_77], %swap3A_80 {strides = array<i32>} : memref<1x1x8x512xf32, #tpu.memory_space<vmem>>, vector<1x1x8x512xf32>,
    %concatenate3A_81 = tpu.concatenate %add3A_17, %add3A_42, %add3A_67, %broadcast_in_dim3A_71 in 1 : vector<512x1xf32>, vector<512x1xf32>, vector<512x1xf32>, vector<512x5xf32> -> vector<512x8xf32>
    %transpose3A_82 = tpu.transpose %concatenate3A_81, [1, 0] : vector<512x8xf32> -> vector<8x512xf32>
    %swap3A_83 = arith.constant 0 : index
    %swap3A_84 = arith.constant 0 : index
    %swap3A_85 = arith.constant 0 : index
    %swap3A_86 = arith.constant 0 : index
    %swap3A_87 = vector.load %arg4[%swap3A_83, %swap3A_84, %swap3A_85, %swap3A_86] : memref<1x1x8x512xf32, #tpu.memory_space<vmem>>, vector<1x1x8x512xf32>
    %swap3A_88 = vector.shape_cast %swap3A_87 : vector<1x1x8x512xf32> to vector<8x512xf32>
    %swap3A_89 = vector.shape_cast %transpose3A_82 : vector<8x512xf32> to vector<1x1x8x512xf32>
    tpu.vector_store %arg4[%swap3A_83, %swap3A_84, %swap3A_85, %swap3A_86], %swap3A_89 {strides = array<i32>} : memref<1x1x8x512xf32, #tpu.memory_space<vmem>>, vector<1x1x8x512xf32>,
    return
  }
  func.func @transform_0(%arg0: i32, %arg1: i32) -> (i32, i32, i32) {
    %add3A = arith.constant 8 : i32
    %add3A_0 = arith.addi %arg1, %add3A : i32
    %c0_i32 = arith.constant 0 : i32
    %c0_i32_1 = arith.constant 0 : i32
    return %arg0, %add3A_0, %c0_i32 : i32, i32, i32
  }
  func.func @transform_1(%arg0: i32, %arg1: i32) -> (i32, i32, i32, i32) {
    %c0_i32 = arith.constant 0 : i32
    %c0_i32_0 = arith.constant 0 : i32
    %c0_i32_1 = arith.constant 0 : i32
    return %arg0, %arg1, %c0_i32, %c0_i32_0 : i32, i32, i32, i32
  }
  func.func @transform_2(%arg0: i32, %arg1: i32) -> (i32, i32, i32, i32) {
    %c0_i32 = arith.constant 0 : i32
    %c0_i32_0 = arith.constant 0 : i32
    %c0_i32_1 = arith.constant 0 : i32
    return %arg0, %arg1, %c0_i32, %c0_i32_0 : i32, i32, i32, i32
  }
}

module attributes {stable_mosaic.version = 14 : i64} {
  func.func @_k1b_body(%arg0: i32, %arg1: i32, %arg2: memref<1x1x512x128xf32, #tpu.memory_space<vmem>>, %arg3: memref<1x1x512x128xf32, #tpu.memory_space<vmem>>, %arg4: memref<1x1x512x128xf32, #tpu.memory_space<vmem>>, %arg5: memref<1x512x1xf32, #tpu.memory_space<vmem>>, %arg6: memref<1x512x1xf32, #tpu.memory_space<vmem>>, %arg7: memref<1x512x1xf32, #tpu.memory_space<vmem>>, %arg8: memref<1x512x16xf32, #tpu.memory_space<vmem>>, %arg9: memref<64x16xf32, #tpu.memory_space<vmem>>, %arg10: memref<64x32xf32, #tpu.memory_space<vmem>>, %arg11: memref<1x64xf32, #tpu.memory_space<vmem>>, %arg12: memref<1x512x64xf32, #tpu.memory_space<vmem>>, %arg13: memref<1x1x8x64xf32, #tpu.memory_space<vmem>>) attributes {dimension_semantics = [#tpu.dimension_semantics<arbitrary>, #tpu.dimension_semantics<arbitrary>], iteration_bounds = array<i64: 4, 8>, scalar_prefetch = 0 : i64, scratch_operands = 0 : i64, tpu.core_type = #tpu.core_type<tc>, window_params = [{transform_indices = @transform_0, window_bounds = array<i64: 1, 1, 512, 128>}, {transform_indices = @transform_1, window_bounds = array<i64: 1, 1, 512, 128>}, {transform_indices = @transform_2, window_bounds = array<i64: 1, 1, 512, 128>}, {transform_indices = @transform_3, window_bounds = array<i64: 1, 512, 1>}, {transform_indices = @transform_4, window_bounds = array<i64: 1, 512, 1>}, {transform_indices = @transform_5, window_bounds = array<i64: 1, 512, 1>}, {transform_indices = @transform_6, window_bounds = array<i64: 1, 512, 16>}, {pipeline_mode = #tpu.pipeline_mode<synchronous>, transform_indices = @transform_7, window_bounds = array<i64: 64, 16>}, {pipeline_mode = #tpu.pipeline_mode<synchronous>, transform_indices = @transform_8, window_bounds = array<i64: 64, 32>}, {pipeline_mode = #tpu.pipeline_mode<synchronous>, transform_indices = @transform_9, window_bounds = array<i64: 1, 64>}, {transform_indices = @transform_10, window_bounds = array<i64: 1, 512, 64>}, {transform_indices = @transform_11, window_bounds = array<i64: 1, 1, 8, 64>}]} {
    %get3A = arith.constant 0 : index
    %get3A_0 = arith.constant 0 : index
    %get3A_1 = arith.constant 0 : index
    %get3A_2 = arith.constant 0 : index
    %get3A_3 = vector.load %arg2[%get3A, %get3A_0, %get3A_1, %get3A_2] : memref<1x1x512x128xf32, #tpu.memory_space<vmem>>, vector<1x1x512x128xf32>
    %get3A_4 = vector.shape_cast %get3A_3 : vector<1x1x512x128xf32> to vector<512x128xf32>
    %slice3A = vector.extract_strided_slice %get3A_4 {offsets = [0, 0], sizes = [512, 32], strides = [1, 1]} : vector<512x128xf32> to vector<512x32xf32>
    %get3A_5 = arith.constant 0 : index
    %get3A_6 = arith.constant 0 : index
    %get3A_7 = arith.constant 0 : index
    %get3A_8 = arith.constant 0 : index
    %get3A_9 = vector.load %arg3[%get3A_5, %get3A_6, %get3A_7, %get3A_8] : memref<1x1x512x128xf32, #tpu.memory_space<vmem>>, vector<1x1x512x128xf32>
    %get3A_10 = vector.shape_cast %get3A_9 : vector<1x1x512x128xf32> to vector<512x128xf32>
    %slice3A_11 = vector.extract_strided_slice %get3A_10 {offsets = [0, 0], sizes = [512, 32], strides = [1, 1]} : vector<512x128xf32> to vector<512x32xf32>
    %get3A_12 = arith.constant 0 : index
    %get3A_13 = arith.constant 0 : index
    %get3A_14 = arith.constant 0 : index
    %get3A_15 = arith.constant 0 : index
    %get3A_16 = vector.load %arg4[%get3A_12, %get3A_13, %get3A_14, %get3A_15] : memref<1x1x512x128xf32, #tpu.memory_space<vmem>>, vector<1x1x512x128xf32>
    %get3A_17 = vector.shape_cast %get3A_16 : vector<1x1x512x128xf32> to vector<512x128xf32>
    %slice3A_18 = vector.extract_strided_slice %get3A_17 {offsets = [0, 0], sizes = [512, 32], strides = [1, 1]} : vector<512x128xf32> to vector<512x32xf32>
    %get3A_19 = arith.constant 0 : index
    %get3A_20 = arith.constant 0 : index
    %get3A_21 = arith.constant 0 : index
    %get3A_22 = vector.load %arg5[%get3A_19, %get3A_20, %get3A_21] : memref<1x512x1xf32, #tpu.memory_space<vmem>>, vector<1x512x1xf32>
    %get3A_23 = vector.shape_cast %get3A_22 : vector<1x512x1xf32> to vector<512x1xf32>
    %mul3A = vector.broadcast %get3A_23 : vector<512x1xf32> to vector<512x32xf32>
    %mul3A_24 = arith.mulf %mul3A, %slice3A : vector<512x32xf32>
    %get3A_25 = arith.constant 0 : index
    %get3A_26 = arith.constant 0 : index
    %get3A_27 = arith.constant 0 : index
    %get3A_28 = vector.load %arg6[%get3A_25, %get3A_26, %get3A_27] : memref<1x512x1xf32, #tpu.memory_space<vmem>>, vector<1x512x1xf32>
    %get3A_29 = vector.shape_cast %get3A_28 : vector<1x512x1xf32> to vector<512x1xf32>
    %mul3A_30 = vector.broadcast %get3A_29 : vector<512x1xf32> to vector<512x32xf32>
    %mul3A_31 = arith.mulf %mul3A_30, %slice3A_11 : vector<512x32xf32>
    %add3A = arith.addf %mul3A_24, %mul3A_31 : vector<512x32xf32>
    %get3A_32 = arith.constant 0 : index
    %get3A_33 = arith.constant 0 : index
    %get3A_34 = arith.constant 0 : index
    %get3A_35 = vector.load %arg7[%get3A_32, %get3A_33, %get3A_34] : memref<1x512x1xf32, #tpu.memory_space<vmem>>, vector<1x512x1xf32>
    %get3A_36 = vector.shape_cast %get3A_35 : vector<1x512x1xf32> to vector<512x1xf32>
    %mul3A_37 = vector.broadcast %get3A_36 : vector<512x1xf32> to vector<512x32xf32>
    %mul3A_38 = arith.mulf %mul3A_37, %slice3A_18 : vector<512x32xf32>
    %add3A_39 = arith.addf %add3A, %mul3A_38 : vector<512x32xf32>
    %get3A_40 = arith.constant 0 : index
    %get3A_41 = arith.constant 0 : index
    %get3A_42 = arith.constant 0 : index
    %get3A_43 = vector.load %arg8[%get3A_40, %get3A_41, %get3A_42] : memref<1x512x16xf32, #tpu.memory_space<vmem>>, vector<1x512x16xf32>
    %get3A_44 = vector.shape_cast %get3A_43 : vector<1x512x16xf32> to vector<512x16xf32>
    %get3A_45 = arith.constant 0 : index
    %get3A_46 = arith.constant 0 : index
    %get3A_47 = vector.load %arg9[%get3A_45, %get3A_46] : memref<64x16xf32, #tpu.memory_space<vmem>>, vector<64x16xf32>
    %dot_general3A = arith.constant dense<0.000000e+00> : vector<512x64xf32>
    %dot_general3A_48 = tpu.matmul %get3A_44, %get3A_47, %dot_general3A {dimension_numbers = #tpu.dot_dimension_numbers<[1], [1], [0], [0], [0, 0, 1, 0], [], []>, transpose_lhs_hint = false} : vector<512x16xf32>, vector<64x16xf32>, vector<512x64xf32> -> vector<512x64xf32>
    %get3A_49 = arith.constant 0 : index
    %get3A_50 = arith.constant 0 : index
    %get3A_51 = vector.load %arg10[%get3A_49, %get3A_50] : memref<64x32xf32, #tpu.memory_space<vmem>>, vector<64x32xf32>
    %dot_general3A_52 = arith.constant dense<0.000000e+00> : vector<512x64xf32>
    %dot_general3A_53 = tpu.matmul %add3A_39, %get3A_51, %dot_general3A_52 {dimension_numbers = #tpu.dot_dimension_numbers<[1], [1], [0], [0], [0, 0, 1, 0], [], []>, transpose_lhs_hint = false} : vector<512x32xf32>, vector<64x32xf32>, vector<512x64xf32> -> vector<512x64xf32>
    %add3A_54 = arith.addf %dot_general3A_48, %dot_general3A_53 : vector<512x64xf32>
    %get3A_55 = arith.constant 0 : index
    %get3A_56 = arith.constant 0 : index
    %get3A_57 = vector.load %arg11[%get3A_55, %get3A_56] : memref<1x64xf32, #tpu.memory_space<vmem>>, vector<1x64xf32>
    %add3A_58 = vector.broadcast %get3A_57 : vector<1x64xf32> to vector<512x64xf32>
    %add3A_59 = arith.addf %add3A_54, %add3A_58 : vector<512x64xf32>
    %swap3A = arith.constant 0 : index
    %swap3A_60 = arith.constant 0 : index
    %swap3A_61 = arith.constant 0 : index
    %swap3A_62 = vector.load %arg12[%swap3A, %swap3A_60, %swap3A_61] : memref<1x512x64xf32, #tpu.memory_space<vmem>>, vector<1x512x64xf32>
    %swap3A_63 = vector.shape_cast %swap3A_62 : vector<1x512x64xf32> to vector<512x64xf32>
    %swap3A_64 = vector.shape_cast %add3A_59 : vector<512x64xf32> to vector<1x512x64xf32>
    tpu.vector_store %arg12[%swap3A, %swap3A_60, %swap3A_61], %swap3A_64 {strides = array<i32>} : memref<1x512x64xf32, #tpu.memory_space<vmem>>, vector<1x512x64xf32>,
    %reduce_sum3A = arith.constant dense<0.000000e+00> : vector<64xf32>
    %reduce_sum3A_65 = vector.multi_reduction <add>, %add3A_59, %reduce_sum3A [0] : vector<512x64xf32> to vector<64xf32>
    %broadcast_in_dim3A = vector.shape_cast %reduce_sum3A_65 : vector<64xf32> to vector<1x64xf32>
    %mul3A_66 = arith.mulf %add3A_59, %add3A_59 : vector<512x64xf32>
    %reduce_sum3A_67 = arith.constant dense<0.000000e+00> : vector<64xf32>
    %reduce_sum3A_68 = vector.multi_reduction <add>, %mul3A_66, %reduce_sum3A_67 [0] : vector<512x64xf32> to vector<64xf32>
    %broadcast_in_dim3A_69 = vector.shape_cast %reduce_sum3A_68 : vector<64xf32> to vector<1x64xf32>
    %broadcast_in_dim3A_70 = arith.constant 0.000000e+00 : f32
    %broadcast_in_dim3A_71 = vector.broadcast %broadcast_in_dim3A_70 : f32 to vector<6x64xf32>
    %concatenate3A = tpu.concatenate %broadcast_in_dim3A, %broadcast_in_dim3A_69, %broadcast_in_dim3A_71 in 0 : vector<1x64xf32>, vector<1x64xf32>, vector<6x64xf32> -> vector<8x64xf32>
    %swap3A_72 = arith.constant 0 : index
    %swap3A_73 = arith.constant 0 : index
    %swap3A_74 = arith.constant 0 : index
    %swap3A_75 = arith.constant 0 : index
    %swap3A_76 = vector.load %arg13[%swap3A_72, %swap3A_73, %swap3A_74, %swap3A_75] : memref<1x1x8x64xf32, #tpu.memory_space<vmem>>, vector<1x1x8x64xf32>
    %swap3A_77 = vector.shape_cast %swap3A_76 : vector<1x1x8x64xf32> to vector<8x64xf32>
    %swap3A_78 = vector.shape_cast %concatenate3A : vector<8x64xf32> to vector<1x1x8x64xf32>
    tpu.vector_store %arg13[%swap3A_72, %swap3A_73, %swap3A_74, %swap3A_75], %swap3A_78 {strides = array<i32>} : memref<1x1x8x64xf32, #tpu.memory_space<vmem>>, vector<1x1x8x64xf32>,
    return
  }
  func.func @transform_0(%arg0: i32, %arg1: i32) -> (i32, i32, i32, i32) {
    %c0_i32 = arith.constant 0 : i32
    %c0_i32_0 = arith.constant 0 : i32
    %c0_i32_1 = arith.constant 0 : i32
    return %c0_i32, %arg0, %arg1, %c0_i32_0 : i32, i32, i32, i32
  }
  func.func @transform_1(%arg0: i32, %arg1: i32) -> (i32, i32, i32, i32) {
    %c1_i32 = arith.constant 1 : i32
    %c0_i32 = arith.constant 0 : i32
    %c0_i32_0 = arith.constant 0 : i32
    return %c1_i32, %arg0, %arg1, %c0_i32 : i32, i32, i32, i32
  }
  func.func @transform_2(%arg0: i32, %arg1: i32) -> (i32, i32, i32, i32) {
    %c2_i32 = arith.constant 2 : i32
    %c0_i32 = arith.constant 0 : i32
    %c0_i32_0 = arith.constant 0 : i32
    return %c2_i32, %arg0, %arg1, %c0_i32 : i32, i32, i32, i32
  }
  func.func @transform_3(%arg0: i32, %arg1: i32) -> (i32, i32, i32) {
    %c0_i32 = arith.constant 0 : i32
    %c0_i32_0 = arith.constant 0 : i32
    return %arg0, %arg1, %c0_i32 : i32, i32, i32
  }
  func.func @transform_4(%arg0: i32, %arg1: i32) -> (i32, i32, i32) {
    %c0_i32 = arith.constant 0 : i32
    %c0_i32_0 = arith.constant 0 : i32
    return %arg0, %arg1, %c0_i32 : i32, i32, i32
  }
  func.func @transform_5(%arg0: i32, %arg1: i32) -> (i32, i32, i32) {
    %c0_i32 = arith.constant 0 : i32
    %c0_i32_0 = arith.constant 0 : i32
    return %arg0, %arg1, %c0_i32 : i32, i32, i32
  }
  func.func @transform_6(%arg0: i32, %arg1: i32) -> (i32, i32, i32) {
    %add3A = arith.constant 0 : i32
    %add3A_0 = arith.addi %arg1, %add3A : i32
    %c0_i32 = arith.constant 0 : i32
    %c0_i32_1 = arith.constant 0 : i32
    return %arg0, %add3A_0, %c0_i32 : i32, i32, i32
  }
  func.func @transform_7(%arg0: i32, %arg1: i32) -> (i32, i32) {
    %c0_i32 = arith.constant 0 : i32
    %c0_i32_0 = arith.constant 0 : i32
    %c0_i32_1 = arith.constant 0 : i32
    return %c0_i32, %c0_i32_0 : i32, i32
  }
  func.func @transform_8(%arg0: i32, %arg1: i32) -> (i32, i32) {
    %c0_i32 = arith.constant 0 : i32
    %c0_i32_0 = arith.constant 0 : i32
    %c0_i32_1 = arith.constant 0 : i32
    return %c0_i32, %c0_i32_0 : i32, i32
  }
  func.func @transform_9(%arg0: i32, %arg1: i32) -> (i32, i32) {
    %c0_i32 = arith.constant 0 : i32
    %c0_i32_0 = arith.constant 0 : i32
    %c0_i32_1 = arith.constant 0 : i32
    return %c0_i32, %c0_i32_0 : i32, i32
  }
  func.func @transform_10(%arg0: i32, %arg1: i32) -> (i32, i32, i32) {
    %c0_i32 = arith.constant 0 : i32
    %c0_i32_0 = arith.constant 0 : i32
    return %arg0, %arg1, %c0_i32 : i32, i32, i32
  }
  func.func @transform_11(%arg0: i32, %arg1: i32) -> (i32, i32, i32, i32) {
    %c0_i32 = arith.constant 0 : i32
    %c0_i32_0 = arith.constant 0 : i32
    %c0_i32_1 = arith.constant 0 : i32
    return %arg0, %arg1, %c0_i32, %c0_i32_0 : i32, i32, i32, i32
  }
}

module attributes {stable_mosaic.version = 14 : i64} {
  func.func @_k1b_body(%arg0: i32, %arg1: i32, %arg2: memref<1x1x512x128xf32, #tpu.memory_space<vmem>>, %arg3: memref<1x1x512x128xf32, #tpu.memory_space<vmem>>, %arg4: memref<1x1x512x128xf32, #tpu.memory_space<vmem>>, %arg5: memref<1x512x1xf32, #tpu.memory_space<vmem>>, %arg6: memref<1x512x1xf32, #tpu.memory_space<vmem>>, %arg7: memref<1x512x1xf32, #tpu.memory_space<vmem>>, %arg8: memref<1x512x16xf32, #tpu.memory_space<vmem>>, %arg9: memref<64x16xf32, #tpu.memory_space<vmem>>, %arg10: memref<64x32xf32, #tpu.memory_space<vmem>>, %arg11: memref<1x64xf32, #tpu.memory_space<vmem>>, %arg12: memref<1x512x64xf32, #tpu.memory_space<vmem>>, %arg13: memref<1x1x8x64xf32, #tpu.memory_space<vmem>>) attributes {dimension_semantics = [#tpu.dimension_semantics<arbitrary>, #tpu.dimension_semantics<arbitrary>], iteration_bounds = array<i64: 4, 8>, scalar_prefetch = 0 : i64, scratch_operands = 0 : i64, tpu.core_type = #tpu.core_type<tc>, window_params = [{transform_indices = @transform_0, window_bounds = array<i64: 1, 1, 512, 128>}, {transform_indices = @transform_1, window_bounds = array<i64: 1, 1, 512, 128>}, {transform_indices = @transform_2, window_bounds = array<i64: 1, 1, 512, 128>}, {transform_indices = @transform_3, window_bounds = array<i64: 1, 512, 1>}, {transform_indices = @transform_4, window_bounds = array<i64: 1, 512, 1>}, {transform_indices = @transform_5, window_bounds = array<i64: 1, 512, 1>}, {transform_indices = @transform_6, window_bounds = array<i64: 1, 512, 16>}, {pipeline_mode = #tpu.pipeline_mode<synchronous>, transform_indices = @transform_7, window_bounds = array<i64: 64, 16>}, {pipeline_mode = #tpu.pipeline_mode<synchronous>, transform_indices = @transform_8, window_bounds = array<i64: 64, 32>}, {pipeline_mode = #tpu.pipeline_mode<synchronous>, transform_indices = @transform_9, window_bounds = array<i64: 1, 64>}, {transform_indices = @transform_10, window_bounds = array<i64: 1, 512, 64>}, {transform_indices = @transform_11, window_bounds = array<i64: 1, 1, 8, 64>}]} {
    %get3A = arith.constant 0 : index
    %get3A_0 = arith.constant 0 : index
    %get3A_1 = arith.constant 0 : index
    %get3A_2 = arith.constant 0 : index
    %get3A_3 = vector.load %arg2[%get3A, %get3A_0, %get3A_1, %get3A_2] : memref<1x1x512x128xf32, #tpu.memory_space<vmem>>, vector<1x1x512x128xf32>
    %get3A_4 = vector.shape_cast %get3A_3 : vector<1x1x512x128xf32> to vector<512x128xf32>
    %slice3A = vector.extract_strided_slice %get3A_4 {offsets = [0, 0], sizes = [512, 32], strides = [1, 1]} : vector<512x128xf32> to vector<512x32xf32>
    %get3A_5 = arith.constant 0 : index
    %get3A_6 = arith.constant 0 : index
    %get3A_7 = arith.constant 0 : index
    %get3A_8 = arith.constant 0 : index
    %get3A_9 = vector.load %arg3[%get3A_5, %get3A_6, %get3A_7, %get3A_8] : memref<1x1x512x128xf32, #tpu.memory_space<vmem>>, vector<1x1x512x128xf32>
    %get3A_10 = vector.shape_cast %get3A_9 : vector<1x1x512x128xf32> to vector<512x128xf32>
    %slice3A_11 = vector.extract_strided_slice %get3A_10 {offsets = [0, 0], sizes = [512, 32], strides = [1, 1]} : vector<512x128xf32> to vector<512x32xf32>
    %get3A_12 = arith.constant 0 : index
    %get3A_13 = arith.constant 0 : index
    %get3A_14 = arith.constant 0 : index
    %get3A_15 = arith.constant 0 : index
    %get3A_16 = vector.load %arg4[%get3A_12, %get3A_13, %get3A_14, %get3A_15] : memref<1x1x512x128xf32, #tpu.memory_space<vmem>>, vector<1x1x512x128xf32>
    %get3A_17 = vector.shape_cast %get3A_16 : vector<1x1x512x128xf32> to vector<512x128xf32>
    %slice3A_18 = vector.extract_strided_slice %get3A_17 {offsets = [0, 0], sizes = [512, 32], strides = [1, 1]} : vector<512x128xf32> to vector<512x32xf32>
    %get3A_19 = arith.constant 0 : index
    %get3A_20 = arith.constant 0 : index
    %get3A_21 = arith.constant 0 : index
    %get3A_22 = vector.load %arg5[%get3A_19, %get3A_20, %get3A_21] : memref<1x512x1xf32, #tpu.memory_space<vmem>>, vector<1x512x1xf32>
    %get3A_23 = vector.shape_cast %get3A_22 : vector<1x512x1xf32> to vector<512x1xf32>
    %mul3A = vector.broadcast %get3A_23 : vector<512x1xf32> to vector<512x32xf32>
    %mul3A_24 = arith.mulf %mul3A, %slice3A : vector<512x32xf32>
    %get3A_25 = arith.constant 0 : index
    %get3A_26 = arith.constant 0 : index
    %get3A_27 = arith.constant 0 : index
    %get3A_28 = vector.load %arg6[%get3A_25, %get3A_26, %get3A_27] : memref<1x512x1xf32, #tpu.memory_space<vmem>>, vector<1x512x1xf32>
    %get3A_29 = vector.shape_cast %get3A_28 : vector<1x512x1xf32> to vector<512x1xf32>
    %mul3A_30 = vector.broadcast %get3A_29 : vector<512x1xf32> to vector<512x32xf32>
    %mul3A_31 = arith.mulf %mul3A_30, %slice3A_11 : vector<512x32xf32>
    %add3A = arith.addf %mul3A_24, %mul3A_31 : vector<512x32xf32>
    %get3A_32 = arith.constant 0 : index
    %get3A_33 = arith.constant 0 : index
    %get3A_34 = arith.constant 0 : index
    %get3A_35 = vector.load %arg7[%get3A_32, %get3A_33, %get3A_34] : memref<1x512x1xf32, #tpu.memory_space<vmem>>, vector<1x512x1xf32>
    %get3A_36 = vector.shape_cast %get3A_35 : vector<1x512x1xf32> to vector<512x1xf32>
    %mul3A_37 = vector.broadcast %get3A_36 : vector<512x1xf32> to vector<512x32xf32>
    %mul3A_38 = arith.mulf %mul3A_37, %slice3A_18 : vector<512x32xf32>
    %add3A_39 = arith.addf %add3A, %mul3A_38 : vector<512x32xf32>
    %get3A_40 = arith.constant 0 : index
    %get3A_41 = arith.constant 0 : index
    %get3A_42 = arith.constant 0 : index
    %get3A_43 = vector.load %arg8[%get3A_40, %get3A_41, %get3A_42] : memref<1x512x16xf32, #tpu.memory_space<vmem>>, vector<1x512x16xf32>
    %get3A_44 = vector.shape_cast %get3A_43 : vector<1x512x16xf32> to vector<512x16xf32>
    %get3A_45 = arith.constant 0 : index
    %get3A_46 = arith.constant 0 : index
    %get3A_47 = vector.load %arg9[%get3A_45, %get3A_46] : memref<64x16xf32, #tpu.memory_space<vmem>>, vector<64x16xf32>
    %dot_general3A = arith.constant dense<0.000000e+00> : vector<512x64xf32>
    %dot_general3A_48 = tpu.matmul %get3A_44, %get3A_47, %dot_general3A {dimension_numbers = #tpu.dot_dimension_numbers<[1], [1], [0], [0], [0, 0, 1, 0], [], []>, transpose_lhs_hint = false} : vector<512x16xf32>, vector<64x16xf32>, vector<512x64xf32> -> vector<512x64xf32>
    %get3A_49 = arith.constant 0 : index
    %get3A_50 = arith.constant 0 : index
    %get3A_51 = vector.load %arg10[%get3A_49, %get3A_50] : memref<64x32xf32, #tpu.memory_space<vmem>>, vector<64x32xf32>
    %dot_general3A_52 = arith.constant dense<0.000000e+00> : vector<512x64xf32>
    %dot_general3A_53 = tpu.matmul %add3A_39, %get3A_51, %dot_general3A_52 {dimension_numbers = #tpu.dot_dimension_numbers<[1], [1], [0], [0], [0, 0, 1, 0], [], []>, transpose_lhs_hint = false} : vector<512x32xf32>, vector<64x32xf32>, vector<512x64xf32> -> vector<512x64xf32>
    %add3A_54 = arith.addf %dot_general3A_48, %dot_general3A_53 : vector<512x64xf32>
    %get3A_55 = arith.constant 0 : index
    %get3A_56 = arith.constant 0 : index
    %get3A_57 = vector.load %arg11[%get3A_55, %get3A_56] : memref<1x64xf32, #tpu.memory_space<vmem>>, vector<1x64xf32>
    %add3A_58 = vector.broadcast %get3A_57 : vector<1x64xf32> to vector<512x64xf32>
    %add3A_59 = arith.addf %add3A_54, %add3A_58 : vector<512x64xf32>
    %swap3A = arith.constant 0 : index
    %swap3A_60 = arith.constant 0 : index
    %swap3A_61 = arith.constant 0 : index
    %swap3A_62 = vector.load %arg12[%swap3A, %swap3A_60, %swap3A_61] : memref<1x512x64xf32, #tpu.memory_space<vmem>>, vector<1x512x64xf32>
    %swap3A_63 = vector.shape_cast %swap3A_62 : vector<1x512x64xf32> to vector<512x64xf32>
    %swap3A_64 = vector.shape_cast %add3A_59 : vector<512x64xf32> to vector<1x512x64xf32>
    tpu.vector_store %arg12[%swap3A, %swap3A_60, %swap3A_61], %swap3A_64 {strides = array<i32>} : memref<1x512x64xf32, #tpu.memory_space<vmem>>, vector<1x512x64xf32>,
    %reduce_sum3A = arith.constant dense<0.000000e+00> : vector<64xf32>
    %reduce_sum3A_65 = vector.multi_reduction <add>, %add3A_59, %reduce_sum3A [0] : vector<512x64xf32> to vector<64xf32>
    %broadcast_in_dim3A = vector.shape_cast %reduce_sum3A_65 : vector<64xf32> to vector<1x64xf32>
    %mul3A_66 = arith.mulf %add3A_59, %add3A_59 : vector<512x64xf32>
    %reduce_sum3A_67 = arith.constant dense<0.000000e+00> : vector<64xf32>
    %reduce_sum3A_68 = vector.multi_reduction <add>, %mul3A_66, %reduce_sum3A_67 [0] : vector<512x64xf32> to vector<64xf32>
    %broadcast_in_dim3A_69 = vector.shape_cast %reduce_sum3A_68 : vector<64xf32> to vector<1x64xf32>
    %broadcast_in_dim3A_70 = arith.constant 0.000000e+00 : f32
    %broadcast_in_dim3A_71 = vector.broadcast %broadcast_in_dim3A_70 : f32 to vector<6x64xf32>
    %concatenate3A = tpu.concatenate %broadcast_in_dim3A, %broadcast_in_dim3A_69, %broadcast_in_dim3A_71 in 0 : vector<1x64xf32>, vector<1x64xf32>, vector<6x64xf32> -> vector<8x64xf32>
    %swap3A_72 = arith.constant 0 : index
    %swap3A_73 = arith.constant 0 : index
    %swap3A_74 = arith.constant 0 : index
    %swap3A_75 = arith.constant 0 : index
    %swap3A_76 = vector.load %arg13[%swap3A_72, %swap3A_73, %swap3A_74, %swap3A_75] : memref<1x1x8x64xf32, #tpu.memory_space<vmem>>, vector<1x1x8x64xf32>
    %swap3A_77 = vector.shape_cast %swap3A_76 : vector<1x1x8x64xf32> to vector<8x64xf32>
    %swap3A_78 = vector.shape_cast %concatenate3A : vector<8x64xf32> to vector<1x1x8x64xf32>
    tpu.vector_store %arg13[%swap3A_72, %swap3A_73, %swap3A_74, %swap3A_75], %swap3A_78 {strides = array<i32>} : memref<1x1x8x64xf32, #tpu.memory_space<vmem>>, vector<1x1x8x64xf32>,
    return
  }
  func.func @transform_0(%arg0: i32, %arg1: i32) -> (i32, i32, i32, i32) {
    %c0_i32 = arith.constant 0 : i32
    %c0_i32_0 = arith.constant 0 : i32
    %c0_i32_1 = arith.constant 0 : i32
    return %c0_i32, %arg0, %arg1, %c0_i32_0 : i32, i32, i32, i32
  }
  func.func @transform_1(%arg0: i32, %arg1: i32) -> (i32, i32, i32, i32) {
    %c1_i32 = arith.constant 1 : i32
    %c0_i32 = arith.constant 0 : i32
    %c0_i32_0 = arith.constant 0 : i32
    return %c1_i32, %arg0, %arg1, %c0_i32 : i32, i32, i32, i32
  }
  func.func @transform_2(%arg0: i32, %arg1: i32) -> (i32, i32, i32, i32) {
    %c2_i32 = arith.constant 2 : i32
    %c0_i32 = arith.constant 0 : i32
    %c0_i32_0 = arith.constant 0 : i32
    return %c2_i32, %arg0, %arg1, %c0_i32 : i32, i32, i32, i32
  }
  func.func @transform_3(%arg0: i32, %arg1: i32) -> (i32, i32, i32) {
    %c0_i32 = arith.constant 0 : i32
    %c0_i32_0 = arith.constant 0 : i32
    return %arg0, %arg1, %c0_i32 : i32, i32, i32
  }
  func.func @transform_4(%arg0: i32, %arg1: i32) -> (i32, i32, i32) {
    %c0_i32 = arith.constant 0 : i32
    %c0_i32_0 = arith.constant 0 : i32
    return %arg0, %arg1, %c0_i32 : i32, i32, i32
  }
  func.func @transform_5(%arg0: i32, %arg1: i32) -> (i32, i32, i32) {
    %c0_i32 = arith.constant 0 : i32
    %c0_i32_0 = arith.constant 0 : i32
    return %arg0, %arg1, %c0_i32 : i32, i32, i32
  }
  func.func @transform_6(%arg0: i32, %arg1: i32) -> (i32, i32, i32) {
    %add3A = arith.constant 8 : i32
    %add3A_0 = arith.addi %arg1, %add3A : i32
    %c0_i32 = arith.constant 0 : i32
    %c0_i32_1 = arith.constant 0 : i32
    return %arg0, %add3A_0, %c0_i32 : i32, i32, i32
  }
  func.func @transform_7(%arg0: i32, %arg1: i32) -> (i32, i32) {
    %c0_i32 = arith.constant 0 : i32
    %c0_i32_0 = arith.constant 0 : i32
    %c0_i32_1 = arith.constant 0 : i32
    return %c0_i32, %c0_i32_0 : i32, i32
  }
  func.func @transform_8(%arg0: i32, %arg1: i32) -> (i32, i32) {
    %c0_i32 = arith.constant 0 : i32
    %c0_i32_0 = arith.constant 0 : i32
    %c0_i32_1 = arith.constant 0 : i32
    return %c0_i32, %c0_i32_0 : i32, i32
  }
  func.func @transform_9(%arg0: i32, %arg1: i32) -> (i32, i32) {
    %c0_i32 = arith.constant 0 : i32
    %c0_i32_0 = arith.constant 0 : i32
    %c0_i32_1 = arith.constant 0 : i32
    return %c0_i32, %c0_i32_0 : i32, i32
  }
  func.func @transform_10(%arg0: i32, %arg1: i32) -> (i32, i32, i32) {
    %c0_i32 = arith.constant 0 : i32
    %c0_i32_0 = arith.constant 0 : i32
    return %arg0, %arg1, %c0_i32 : i32, i32, i32
  }
  func.func @transform_11(%arg0: i32, %arg1: i32) -> (i32, i32, i32, i32) {
    %c0_i32 = arith.constant 0 : i32
    %c0_i32_0 = arith.constant 0 : i32
    %c0_i32_1 = arith.constant 0 : i32
    return %arg0, %arg1, %c0_i32, %c0_i32_0 : i32, i32, i32, i32
  }
}

module attributes {stable_mosaic.version = 14 : i64} {
  func.func @_k2_body(%arg0: i32, %arg1: i32, %arg2: memref<1x2048x64xf32, #tpu.memory_space<vmem>>, %arg3: memref<1x64xf32, #tpu.memory_space<vmem>>, %arg4: memref<1x64xf32, #tpu.memory_space<vmem>>, %arg5: memref<64x64xf32, #tpu.memory_space<vmem>>, %arg6: memref<1x64xf32, #tpu.memory_space<vmem>>, %arg7: memref<1x2048x64xf32, #tpu.memory_space<vmem>>, %arg8: memref<1x1x8x64xf32, #tpu.memory_space<vmem>>) attributes {dimension_semantics = [#tpu.dimension_semantics<arbitrary>, #tpu.dimension_semantics<arbitrary>], iteration_bounds = array<i64: 4, 4>, scalar_prefetch = 0 : i64, scratch_operands = 0 : i64, tpu.core_type = #tpu.core_type<tc>, window_params = [{transform_indices = @transform_0, window_bounds = array<i64: 1, 2048, 64>}, {pipeline_mode = #tpu.pipeline_mode<synchronous>, transform_indices = @transform_1, window_bounds = array<i64: 1, 64>}, {pipeline_mode = #tpu.pipeline_mode<synchronous>, transform_indices = @transform_2, window_bounds = array<i64: 1, 64>}, {pipeline_mode = #tpu.pipeline_mode<synchronous>, transform_indices = @transform_3, window_bounds = array<i64: 64, 64>}, {pipeline_mode = #tpu.pipeline_mode<synchronous>, transform_indices = @transform_4, window_bounds = array<i64: 1, 64>}, {transform_indices = @transform_5, window_bounds = array<i64: 1, 2048, 64>}, {transform_indices = @transform_6, window_bounds = array<i64: 1, 1, 8, 64>}]} {
    %get3A = arith.constant 0 : index
    %get3A_0 = arith.constant 0 : index
    %get3A_1 = arith.constant 0 : index
    %get3A_2 = vector.load %arg2[%get3A, %get3A_0, %get3A_1] : memref<1x2048x64xf32, #tpu.memory_space<vmem>>, vector<1x2048x64xf32>
    %get3A_3 = vector.shape_cast %get3A_2 : vector<1x2048x64xf32> to vector<2048x64xf32>
    %get3A_4 = arith.constant 0 : index
    %get3A_5 = arith.constant 0 : index
    %get3A_6 = vector.load %arg3[%get3A_4, %get3A_5] : memref<1x64xf32, #tpu.memory_space<vmem>>, vector<1x64xf32>
    %mul3A = vector.broadcast %get3A_6 : vector<1x64xf32> to vector<2048x64xf32>
    %mul3A_7 = arith.mulf %get3A_3, %mul3A : vector<2048x64xf32>
    %get3A_8 = arith.constant 0 : index
    %get3A_9 = arith.constant 0 : index
    %get3A_10 = vector.load %arg4[%get3A_8, %get3A_9] : memref<1x64xf32, #tpu.memory_space<vmem>>, vector<1x64xf32>
    %add3A = vector.broadcast %get3A_10 : vector<1x64xf32> to vector<2048x64xf32>
    %add3A_11 = arith.addf %mul3A_7, %add3A : vector<2048x64xf32>
    %max3A = arith.constant 0.000000e+00 : f32
    %max3A_12 = vector.broadcast %max3A : f32 to vector<2048x64xf32>
    %max3A_13 = arith.maximumf %add3A_11, %max3A_12 : vector<2048x64xf32>
    %get3A_14 = arith.constant 0 : index
    %get3A_15 = arith.constant 0 : index
    %get3A_16 = vector.load %arg5[%get3A_14, %get3A_15] : memref<64x64xf32, #tpu.memory_space<vmem>>, vector<64x64xf32>
    %dot_general3A = arith.constant dense<0.000000e+00> : vector<2048x64xf32>
    %dot_general3A_17 = tpu.matmul %max3A_13, %get3A_16, %dot_general3A {dimension_numbers = #tpu.dot_dimension_numbers<[1], [1], [0], [0], [0, 0, 1, 0], [], []>, transpose_lhs_hint = false} : vector<2048x64xf32>, vector<64x64xf32>, vector<2048x64xf32> -> vector<2048x64xf32>
    %get3A_18 = arith.constant 0 : index
    %get3A_19 = arith.constant 0 : index
    %get3A_20 = vector.load %arg6[%get3A_18, %get3A_19] : memref<1x64xf32, #tpu.memory_space<vmem>>, vector<1x64xf32>
    %add3A_21 = vector.broadcast %get3A_20 : vector<1x64xf32> to vector<2048x64xf32>
    %add3A_22 = arith.addf %dot_general3A_17, %add3A_21 : vector<2048x64xf32>
    %swap3A = arith.constant 0 : index
    %swap3A_23 = arith.constant 0 : index
    %swap3A_24 = arith.constant 0 : index
    %swap3A_25 = vector.load %arg7[%swap3A, %swap3A_23, %swap3A_24] : memref<1x2048x64xf32, #tpu.memory_space<vmem>>, vector<1x2048x64xf32>
    %swap3A_26 = vector.shape_cast %swap3A_25 : vector<1x2048x64xf32> to vector<2048x64xf32>
    %swap3A_27 = vector.shape_cast %add3A_22 : vector<2048x64xf32> to vector<1x2048x64xf32>
    tpu.vector_store %arg7[%swap3A, %swap3A_23, %swap3A_24], %swap3A_27 {strides = array<i32>} : memref<1x2048x64xf32, #tpu.memory_space<vmem>>, vector<1x2048x64xf32>,
    %reduce_sum3A = arith.constant dense<0.000000e+00> : vector<64xf32>
    %reduce_sum3A_28 = vector.multi_reduction <add>, %add3A_22, %reduce_sum3A [0] : vector<2048x64xf32> to vector<64xf32>
    %broadcast_in_dim3A = vector.shape_cast %reduce_sum3A_28 : vector<64xf32> to vector<1x64xf32>
    %mul3A_29 = arith.mulf %add3A_22, %add3A_22 : vector<2048x64xf32>
    %reduce_sum3A_30 = arith.constant dense<0.000000e+00> : vector<64xf32>
    %reduce_sum3A_31 = vector.multi_reduction <add>, %mul3A_29, %reduce_sum3A_30 [0] : vector<2048x64xf32> to vector<64xf32>
    %broadcast_in_dim3A_32 = vector.shape_cast %reduce_sum3A_31 : vector<64xf32> to vector<1x64xf32>
    %broadcast_in_dim3A_33 = arith.constant 0.000000e+00 : f32
    %broadcast_in_dim3A_34 = vector.broadcast %broadcast_in_dim3A_33 : f32 to vector<6x64xf32>
    %concatenate3A = tpu.concatenate %broadcast_in_dim3A, %broadcast_in_dim3A_32, %broadcast_in_dim3A_34 in 0 : vector<1x64xf32>, vector<1x64xf32>, vector<6x64xf32> -> vector<8x64xf32>
    %swap3A_35 = arith.constant 0 : index
    %swap3A_36 = arith.constant 0 : index
    %swap3A_37 = arith.constant 0 : index
    %swap3A_38 = arith.constant 0 : index
    %swap3A_39 = vector.load %arg8[%swap3A_35, %swap3A_36, %swap3A_37, %swap3A_38] : memref<1x1x8x64xf32, #tpu.memory_space<vmem>>, vector<1x1x8x64xf32>
    %swap3A_40 = vector.shape_cast %swap3A_39 : vector<1x1x8x64xf32> to vector<8x64xf32>
    %swap3A_41 = vector.shape_cast %concatenate3A : vector<8x64xf32> to vector<1x1x8x64xf32>
    tpu.vector_store %arg8[%swap3A_35, %swap3A_36, %swap3A_37, %swap3A_38], %swap3A_41 {strides = array<i32>} : memref<1x1x8x64xf32, #tpu.memory_space<vmem>>, vector<1x1x8x64xf32>,
    return
  }
  func.func @transform_0(%arg0: i32, %arg1: i32) -> (i32, i32, i32) {
    %c0_i32 = arith.constant 0 : i32
    %c0_i32_0 = arith.constant 0 : i32
    return %arg0, %arg1, %c0_i32 : i32, i32, i32
  }
  func.func @transform_1(%arg0: i32, %arg1: i32) -> (i32, i32) {
    %c0_i32 = arith.constant 0 : i32
    %c0_i32_0 = arith.constant 0 : i32
    %c0_i32_1 = arith.constant 0 : i32
    return %c0_i32, %c0_i32_0 : i32, i32
  }
  func.func @transform_2(%arg0: i32, %arg1: i32) -> (i32, i32) {
    %c0_i32 = arith.constant 0 : i32
    %c0_i32_0 = arith.constant 0 : i32
    %c0_i32_1 = arith.constant 0 : i32
    return %c0_i32, %c0_i32_0 : i32, i32
  }
  func.func @transform_3(%arg0: i32, %arg1: i32) -> (i32, i32) {
    %c0_i32 = arith.constant 0 : i32
    %c0_i32_0 = arith.constant 0 : i32
    %c0_i32_1 = arith.constant 0 : i32
    return %c0_i32, %c0_i32_0 : i32, i32
  }
  func.func @transform_4(%arg0: i32, %arg1: i32) -> (i32, i32) {
    %c0_i32 = arith.constant 0 : i32
    %c0_i32_0 = arith.constant 0 : i32
    %c0_i32_1 = arith.constant 0 : i32
    return %c0_i32, %c0_i32_0 : i32, i32
  }
  func.func @transform_5(%arg0: i32, %arg1: i32) -> (i32, i32, i32) {
    %c0_i32 = arith.constant 0 : i32
    %c0_i32_0 = arith.constant 0 : i32
    return %arg0, %arg1, %c0_i32 : i32, i32, i32
  }
  func.func @transform_6(%arg0: i32, %arg1: i32) -> (i32, i32, i32, i32) {
    %c0_i32 = arith.constant 0 : i32
    %c0_i32_0 = arith.constant 0 : i32
    %c0_i32_1 = arith.constant 0 : i32
    return %arg0, %arg1, %c0_i32, %c0_i32_0 : i32, i32, i32, i32
  }
}

module attributes {stable_mosaic.version = 14 : i64} {
  func.func @_k3_body(%arg0: i32, %arg1: i32, %arg2: memref<1x2048x64xf32, #tpu.memory_space<vmem>>, %arg3: memref<1x64xf32, #tpu.memory_space<vmem>>, %arg4: memref<1x64xf32, #tpu.memory_space<vmem>>, %arg5: memref<1x2048x64xf32, #tpu.memory_space<vmem>>) attributes {dimension_semantics = [#tpu.dimension_semantics<arbitrary>, #tpu.dimension_semantics<arbitrary>], iteration_bounds = array<i64: 4, 4>, scalar_prefetch = 0 : i64, scratch_operands = 0 : i64, tpu.core_type = #tpu.core_type<tc>, window_params = [{transform_indices = @transform_0, window_bounds = array<i64: 1, 2048, 64>}, {pipeline_mode = #tpu.pipeline_mode<synchronous>, transform_indices = @transform_1, window_bounds = array<i64: 1, 64>}, {pipeline_mode = #tpu.pipeline_mode<synchronous>, transform_indices = @transform_2, window_bounds = array<i64: 1, 64>}, {transform_indices = @transform_3, window_bounds = array<i64: 1, 2048, 64>}]} {
    %get3A = arith.constant 0 : index
    %get3A_0 = arith.constant 0 : index
    %get3A_1 = arith.constant 0 : index
    %get3A_2 = vector.load %arg2[%get3A, %get3A_0, %get3A_1] : memref<1x2048x64xf32, #tpu.memory_space<vmem>>, vector<1x2048x64xf32>
    %get3A_3 = vector.shape_cast %get3A_2 : vector<1x2048x64xf32> to vector<2048x64xf32>
    %get3A_4 = arith.constant 0 : index
    %get3A_5 = arith.constant 0 : index
    %get3A_6 = vector.load %arg3[%get3A_4, %get3A_5] : memref<1x64xf32, #tpu.memory_space<vmem>>, vector<1x64xf32>
    %mul3A = vector.broadcast %get3A_6 : vector<1x64xf32> to vector<2048x64xf32>
    %mul3A_7 = arith.mulf %get3A_3, %mul3A : vector<2048x64xf32>
    %get3A_8 = arith.constant 0 : index
    %get3A_9 = arith.constant 0 : index
    %get3A_10 = vector.load %arg4[%get3A_8, %get3A_9] : memref<1x64xf32, #tpu.memory_space<vmem>>, vector<1x64xf32>
    %add3A = vector.broadcast %get3A_10 : vector<1x64xf32> to vector<2048x64xf32>
    %add3A_11 = arith.addf %mul3A_7, %add3A : vector<2048x64xf32>
    %max3A = arith.constant 0.000000e+00 : f32
    %max3A_12 = vector.broadcast %max3A : f32 to vector<2048x64xf32>
    %max3A_13 = arith.maximumf %add3A_11, %max3A_12 : vector<2048x64xf32>
    %swap3A = arith.constant 0 : index
    %swap3A_14 = arith.constant 0 : index
    %swap3A_15 = arith.constant 0 : index
    %swap3A_16 = vector.load %arg5[%swap3A, %swap3A_14, %swap3A_15] : memref<1x2048x64xf32, #tpu.memory_space<vmem>>, vector<1x2048x64xf32>
    %swap3A_17 = vector.shape_cast %swap3A_16 : vector<1x2048x64xf32> to vector<2048x64xf32>
    %swap3A_18 = vector.shape_cast %max3A_13 : vector<2048x64xf32> to vector<1x2048x64xf32>
    tpu.vector_store %arg5[%swap3A, %swap3A_14, %swap3A_15], %swap3A_18 {strides = array<i32>} : memref<1x2048x64xf32, #tpu.memory_space<vmem>>, vector<1x2048x64xf32>,
    return
  }
  func.func @transform_0(%arg0: i32, %arg1: i32) -> (i32, i32, i32) {
    %c0_i32 = arith.constant 0 : i32
    %c0_i32_0 = arith.constant 0 : i32
    return %arg0, %arg1, %c0_i32 : i32, i32, i32
  }
  func.func @transform_1(%arg0: i32, %arg1: i32) -> (i32, i32) {
    %c0_i32 = arith.constant 0 : i32
    %c0_i32_0 = arith.constant 0 : i32
    %c0_i32_1 = arith.constant 0 : i32
    return %c0_i32, %c0_i32_0 : i32, i32
  }
  func.func @transform_2(%arg0: i32, %arg1: i32) -> (i32, i32) {
    %c0_i32 = arith.constant 0 : i32
    %c0_i32_0 = arith.constant 0 : i32
    %c0_i32_1 = arith.constant 0 : i32
    return %c0_i32, %c0_i32_0 : i32, i32
  }
  func.func @transform_3(%arg0: i32, %arg1: i32) -> (i32, i32, i32) {
    %c0_i32 = arith.constant 0 : i32
    %c0_i32_0 = arith.constant 0 : i32
    return %arg0, %arg1, %c0_i32 : i32, i32, i32
  }
}

</mosaic_0001>

<sc_bundles>
// kernel: kernel.10.cloned.1.call-start
scs
__scs_entry_jumppad:
0x0: {  	(pc) =	sbr.rel $0x88, $3  }
0x1: {  	(tag) =	ssettag $0x0;
	lr =	simm.s32 $0x1  }
0x2: {  	[smem:$0x3F95] =	sst lr;
	_ =	strace $0xD0000000  }
0x3: {  	_ = 	snop  }
0x4: {  	_ = 	snop  }
0x5: {  	_ = 	snop  }
0x6: {  	_ = 	snop  }
0x7: {  	_ = 	snop  }
__scs_overlays_trampoline_lowered:
0x8: {  	[smem:$0x3FA4] =	sst s0  }
0x9: {  	[smem:$0x3FA5] =	sst s1  }
0xa: {  	[smem:$0x3FA6] =	sst s2  }
0xb: {  	[smem:$0x3FA7] =	sst s3  }
0xc: {  	[smem:$0x3FA8] =	sst s4  }
0xd: {  	[smem:$0x3FA9] =	sst s5  }
0xe: {  	[smem:$0x3FAA] =	sst s6  }
0xf: {  	[smem:$0x3FAB] =	sst s7  }
0x10: {  	[smem:$0x3FAC] =	sst s8  }
0x11: {  	[smem:$0x3FAD] =	sst s9;
	s0 =	simm.s32 @!p0 $0x0  }
0x12: {  	s1 =	sld [smem:$0x3F93];
	s0 =	simm.s32 @p0 $0x1  }
0x13: {  	[smem:$0x3FAE] =	sst s0;
	s0 =	simm.s32 @!p1 $0x0  }
0x14: {  	s2 =	sld [smem:$0x3F92];
	s0 =	simm.s32 @p1 $0x1  }
0x15: {  	[smem:$0x3FAF] =	sst s0;
	s0 =	simm.s32 @!p2 $0x0  }
0x16: {  	s3 =	sld [smem:$0x3FDB];
	s0 =	simm.s32 @p2 $0x1  }
0x17: {  	s4 =	simm.s32 $0x1BF5;
	[smem:$0x3FB1] =	sst s0  }
0x18: {  	s0 =	sld [smem:$0x3F94];
	_ =	swait.ge [sflag:s4], $0x0  }
0x19: {  	s7 =	sld [smem:$0x3F95]  }
0x1a: {  	s8 =	sadd.s32 $0xFFFFE003, lr  }
0x1b: {  	s9 =	sadd.s32 $0xFFFFFEF7, lr;
	s5 =	simm.s32 $0xFFFFFFFF;
	p2 =	slt.u32 s8, $0xFFFFF086  }
0x1c: {  	p1 =	slt.u32 s9, $0xF7A;
	s5 =	simm.s32 @!p2 $0x0  }
0x1d: {  	s5 =	simm.s32 @p1 $0x1;
	p0 =	seq.s32 s7, s2  }
0x1e: {  	s7 =	smul.u32 @!p0 $0xF7A, s2;
	p2 =	seq.s32 @!p0 s5, $0x0  }
0x1f: {  	s9 =	smul.u32 $0xF7A, s1;
	s8 =	simm.s32 @!p0 $0x1BF5;
	p2 =	por !p2, p0  }
0x20: {  	[sflag:s8] =	ssyncset.s32 @!p0 $0xFFFFF086;
	s6 =	sadd.s32 @!p0 s3, s7;
	s7 =	simm.s32 @!p0 $0x108  }
0x21: {  	s3 =	sadd.s32 s3, s9;
	s6 =	sadd.s32 @!p0 $0x88, s6;
	s7 =	simm.s32 @p2 $0x1082  }
0x22: {  	[simem:s7], [sflag:s8] =	dma.local @!p0 [hbm:s6], $0xF7A  }
0x23: {  	s9 =	sor.u32 $0xD0000000, s2;
	s6 =	simm.s32 $0x108;
	_ =	swait.ge @!p0 [sflag:s8], $0x0  }
0x24: {  	s3 =	sadd.s32 $0x88, s3;
	s6 =	simm.s32 @!p1 $0x1082;
	[sflag:s4] =	ssyncset.s32 $0xFFFFF086  }
0x25: {  	[simem:s6], [sflag:s4] =	dma.local [hbm:s3], $0xF7A  }
0x26: {  	[smem:$0x3F95] =	sst s1;
	(tag) =	ssettag s2;
	_ =	strace s9  }
0x27: {  	s1 =	sld [smem:$0x3FA5]  }
0x28: {  	s2 =	sld [smem:$0x3FA6]  }
0x29: {  	s4 =	sld [smem:$0x3FA8]  }
0x2a: {  	p0 =	seq.s32 s5, $0x0;
	s5 =	sld [smem:$0x3FA9]  }
0x2b: {  	s6 =	sld [smem:$0x3FAA]  }
0x2c: {  	s7 =	sld [smem:$0x3FAB]  }
0x2d: {  	s3 =	simm.s32 $0x108;
	s8 =	sld [smem:$0x3FAC]  }
0x2e: {  	s3 =	simm.s32 @!p0 $0x1082;
	s9 =	sld [smem:$0x3FAD]  }
0x2f: {  	lr =	sadd.s32 s0, s3;
	s0 =	sld [smem:$0x3FA4]  }
0x30: {  	s3 =	sld [smem:$0x3FA7]  }
0x31: {  	[smem:$0x3FB0] =	sst s10  }
0x32: {  	s10 =	sld [smem:$0x3FAE];
	_ =	sdelay $0x3  }
0x33: {  	p0 =	seq.s32 s10, $0x1;
	s10 =	sld [smem:$0x3FB0];
	_ =	sdelay $0x3  }
0x34: {  	[smem:$0x3FB0] =	sst s10  }
0x35: {  	s10 =	sld [smem:$0x3FAF];
	_ =	sdelay $0x3  }
0x36: {  	p1 =	seq.s32 s10, $0x1;
	s10 =	sld [smem:$0x3FB0];
	_ =	sdelay $0x3  }
0x37: {  	[smem:$0x3FB0] =	sst s10  }
0x38: {  	s10 =	sld [smem:$0x3FB1]  }
0x39: {  	_ = 	snop;
	(pc) =	sbr.ind lr, $3  }
0x3a: {  	_ = 	snop  }
0x3b: {  	_ = 	snop  }
0x3c: {  	p2 =	seq.s32 s10, $0x1;
	s10 =	sld [smem:$0x3FB0]  }
0x3d: {  	_ =	shalt  }
0x3e: {  	_ =	shalt  }
0x3f: {  	_ =	shalt  }
0x40: {  	_ =	shalt  }
0x41: {  	_ =	shalt  }
0x42: {  	_ =	shalt  }
0x43: {  	_ =	shalt  }
0x44: {  	_ =	shalt  }
0x45: {  	_ =	shalt  }
0x46: {  	_ =	shalt  }
0x47: {  	_ =	shalt  }
0x48: {  	_ =	shalt  }
0x49: {  	_ =	shalt  }
0x4a: {  	_ =	shalt  }
0x4b: {  	_ =	shalt  }
0x4c: {  	_ =	shalt  }
0x4d: {  	_ =	shalt  }
0x4e: {  	_ =	shalt  }
0x4f: {  	_ =	shalt  }
0x50: {  	_ =	shalt  }
0x51: {  	_ =	shalt  }
0x52: {  	_ =	shalt  }
0x53: {  	_ =	shalt  }
0x54: {  	_ =	shalt  }
0x55: {  	_ =	shalt  }
0x56: {  	_ =	shalt  }
0x57: {  	_ =	shalt  }
0x58: {  	_ =	shalt  }
0x59: {  	_ =	shalt  }
0x5a: {  	_ =	shalt  }
0x5b: {  	_ =	shalt  }
0x5c: {  	_ =	shalt  }
0x5d: {  	_ =	shalt  }
0x5e: {  	_ =	shalt  }
0x5f: {  	_ =	shalt  }
0x60: {  	_ =	shalt  }
0x61: {  	_ =	shalt  }
0x62: {  	_ =	shalt  }
0x63: {  	_ =	shalt  }
0x64: {  	_ =	shalt  }
0x65: {  	_ =	shalt  }
0x66: {  	_ =	shalt  }
0x67: {  	_ =	shalt  }
0x68: {  	_ =	shalt  }
0x69: {  	_ =	shalt  }
0x6a: {  	_ =	shalt  }
0x6b: {  	_ =	shalt  }
0x6c: {  	_ =	shalt  }
0x6d: {  	_ =	shalt  }
0x6e: {  	_ =	shalt  }
0x6f: {  	_ =	shalt  }
0x70: {  	_ =	shalt  }
0x71: {  	_ =	shalt  }
0x72: {  	_ =	shalt  }
0x73: {  	_ =	shalt  }
0x74: {  	_ =	shalt  }
0x75: {  	_ =	shalt  }
0x76: {  	_ =	shalt  }
0x77: {  	_ =	shalt  }
0x78: {  	_ =	shalt  }
0x79: {  	_ =	shalt  }
0x7a: {  	_ =	shalt  }
0x7b: {  	_ =	shalt  }
0x7c: {  	_ =	shalt  }
0x7d: {  	_ =	shalt  }
0x7e: {  	_ =	shalt  }
0x7f: {  	_ =	shalt  }
0x80: {  	_ =	shalt  }
0x81: {  	_ =	shalt  }
0x82: {  	_ =	shalt  }
0x83: {  	_ =	shalt  }
0x84: {  	_ =	shalt  }
0x85: {  	_ =	shalt  }
0x86: {  	_ =	shalt  }
0x87: {  	_ =	shalt  }
.Lfunc_end0:
.L_simem_size_0:
called_computation_lowered:
.L_overlay_start_0:
0x88: {  	s2 =	sld [smem:$0x3FD9]  }
0x89: {  	s3 =	sld [smem:$0x3FFE];
	_ =	sdelay $0x1  }
0x8a: {  	s1 =	srdreg.scid  }
0x8b: {  	s0 =	sand.u32 $0x1, s1  }
0x8c: {  	s16 =	sshll.u32 s0, $0xA;
	s2 =	sadd.s32 s3, s2  }
0x8d: {  	s2 =	sadd.s32 s2, s16  }
0x8e: {  	[smem:$0x3FBC] =	sst s2  }
0x8f: {  	_ = 	snop  }
0x90: {  	(tm) =	ssettm $0x1  }
0x91: {  	s17 =	sld [smem:$0x3FFB];
	_ =	sdelay $0x3  }
0x92: {  	_ =	strace s17  }
0x93: {  	s2 =	sld [smem:$0x3FFC];
	_ =	sdelay $0x3  }
0x94: {  	_ =	strace s2  }
0x95: {  	s2 =	sld [smem:$0x3FFD];
	_ =	sdelay $0x3  }
0x96: {  	_ =	strace s2  }
0x97: {  	_ =	strace $0x8FFFFFFF  }
0x98: {  	s18 =	sld [smem:$0x3FDB];
	_ =	sdelay $0x1  }
0x99: {  	s19 =	simm.s32 $_scs_section_size  }
0x9a: {  	s4 =	simm.s32 $_size__tile_overlayer_lowered;
	s5 =	simm.s32 $_tile_overlayer_lowered  }
0x9b: {  	s22 =	simm.s32 $0x1BFF;
	s21 =	sshll.u32 s5, $0x1;
	s2 =	sadd.s32 s19, s18  }
0x9c: {  	s6 =	simm.s32 $0x0;
	s20 =	sshll.u32 s4, $0x1;
	s4 =	sadd.s32 s21, s2  }
0x9d: {  	[timem:s6], [sflag:s22] =	dma.local [hbm:s4], s20  }
0x9e: {  	_ =	swait.ge [sflag:s22], s20  }
0x9f: {  	s3 =	ssub.s32 $0x0, s20;
	[sflag:s22] =	ssyncset.done $0x0  }
0xa0: {  	[sflag:s22] =	ssyncadd.s32 s3;
	_ =	sdelay $0x1  }
0xa1: {  	s23 =	simm.s32 $0x1B8B  }
0xa2: {  	_ =	swait.ge [sflag:s23], $0x1  }
0xa3: {  	[sflag:s23] =	ssyncset.done $0x0  }
0xa4: {  	s25 =	simm.s32 $0x1B8E;
	s24 =	sld [smem:$0x3FFE];
	[sflag:s23] =	ssyncadd.s32 $0xFFFFFFFF  }
0xa5: {  	s26 =	simm.s32 $execute0_lowered;
	[smem:$0x3FD2] =	sst s25  }
0xa6: {  	s4 =	sshll.u32 s26, $0x1;
	_ =	strace $0x80000046;
	[dreg:$0x1] =	wrdreg $0xFFFFFFFF  }
0xa7: {  	s28 =	simm.s32 $_size_execute0_lowered;
	s2 =	sadd.s32 s2, s4;
	[dreg:$0x0] =	wrdreg $0x0  }
0xa8: {  	s4 =	sshll.u32 s28, $0x1;
	[dreg:$0x2] =	wrdreg s2  }
0xa9: {  	[dreg:$0x3] =	wrdreg s4  }
0xaa: {  	[dreg:$0x4] =	wrdreg $0xC0  }
0xab: {  	_ =	task [dreg:s6], $0x5FFFF  }
0xac: {  	[dreg:$0x1] =	wrdreg $0xFFFFFFFF  }
0xad: {  	[dreg:$0x0] =	wrdreg $0x60  }
0xae: {  	[dreg:$0x2] =	wrdreg s24  }
0xaf: {  	[dreg:$0x3] =	wrdreg $0x9  }
0xb0: {  	_ =	task.clear_ibuf [dreg:s6], $0x4FFFF;
	_ =	strace $0x90000046  }
0xb1: {  	s29 =	simm.s32 $0x9;
	_ =	strace $0x80000048  }
0xb2: {  	_ =	swait.ge [sflag:s29], $0x1  }
0xb3: {  	[sflag:s29] =	ssyncadd.s32 $0xFFFFFFFF  }
0xb4: {  	_ =	strace $0x90000048  }
0xb5: {  	_ =	sfence  }
0xb6: {  	s30 =	sld [smem:$0x0];
	_ =	sdelay $0x2  }
0xb7: {  	s31 =	sshll.u32 s1, $0xD;
	s1 =	sshrl.u32 s1, $0x2  }
0xb8: {  	s3 =	sand.u32 $0x4000, s31;
	s1 =	sadd.s32 s1, s30  }
0xb9: {  	s0 =	sor.u32 s3, s0;
	s1 =	sshll.u32 s1, $0x11  }
0xba: {  	s0 =	sor.u32 s1, s0  }
0xbb: {  	s0 =	sadd.s32 $0x8F2B, s0  }
0xbc: {  	[sflag:s0] =	ssyncadd.remote.s32 $0x1  }
0xbd: {  	_ =	sfence.sel $0xFFFF  }
0xbe: {  	[dreg:$0x0] =	wrdreg $0xFFFFFFFF;
	(pc) =	sbr.abs _section_cstart, $3  }
0xbf: {  	[dreg:$0x1] =	wrdreg $0xFFFFFFFF  }
0xc0: {  	_ =	task.clear_ibuf [dreg:s6], $0x2FFFF;
	_ =	strace $0x9FFFFFFF  }
0xc1: {  	(tm) =	ssettm $0x7FFFFFFF  }
tec
execute0_lowered:
.L_overlay_start_1:
0x0: {  	(tag) =	ssettag $0x1  }
0x1: {  	s1 =	srdreg.scid;
	s0 =	stileid.u32  }
0x2: {  	s30 =	sand.u32 $0x1, s1;
	s25 =	sshll.u32 s0, $0x1  }
0x3: {  	s1 =	sor.u32 s30, s25  }
0x4: {  	s31 =	smul.u32 $0x600, s1  }
0x5: {  	s7 =	rddreg [dreg:$0x0]  }
0x6: {  	s2 =	simm.s32 $0x0;
	s29 =	sadd.s32 $0x821000, s7;
	s3 =	sshrl.u32 s31, $0x3  }
0x7: {  	[smem:$0x7FF] =	sst s2;
	s3 =	sadd.s32 s29, s3  }
0x8: {  	_ =	strace $0x80000047;
	[dreg:$0x2] =	wrdreg s3  }
0x9: {  	s3 =	simm.s32 $0x2;
	s4 =	rddreg [dreg:$0x2]  }
0xa: {  	[tilespmem:s2], [sflag:$0x2] =	stream.linear.gather [hbm4b:s4+s2], $0x80, $0x38;
	[tilespmem:$0x4080] =	vst v63  }
0xb: {  	_ =	swait.ge [sflag:s3], $0x80  }
0xc: {  	s5 =	simm.s32 $0x80;
	[sflag:s3] =	ssyncset.done $0x0  }
0xd: {  	s6 =	simm.s32 $0x1;
	s4 =	sadd.s32 $0x800000, s7;
	[sflag:s3] =	ssyncadd.s32 $0xFFFFFF80  }
0xe: {  	[tilespmem:s5], [sflag:$0x1] =	stream.indirect.gather [hbm4b:s4+s5], $0x80, s2, s5, $0xb8;
	[tilespmem:$0x4080] =	vst v63  }
0xf: {  	s8 =	smul.u32 $0x6000, s1;
	_ =	swait.ge [sflag:s6], $0x4000  }
0x10: {  	s1 =	sadd.s32 $0x822800, s7;
	[sflag:s6] =	ssyncset.done $0x0  }
0x11: {  	s7 =	sadd.s32 s1, s8;
	[sflag:s6] =	ssyncadd.s32 $0xFFFFC000  }
0x12: {  	[hbm4b:s7+s2] =	stream.linear.scatter [tilespmem:s5], [sflag:$0x2], $0x4000, $0x38;
	[tilespmem:$0x4080] =	vst v63  }
0x13: {  	s9 =	sor.u32 $0x80, s31;
	_ =	swait.ge [sflag:s3], $0x4000  }
0x14: {  	s26 =	sshrl.u32 s9, $0x3;
	[sflag:s3] =	ssyncset.done $0x0  }
0x15: {  	s8 =	sadd.s32 s29, s26;
	[sflag:s3] =	ssyncadd.s32 $0xFFFFC000  }
0x16: {  	[tilespmem:s2], [sflag:$0x2] =	stream.linear.gather [hbm4b:s8+s2], $0x80, $0x38;
	[tilespmem:$0x4080] =	vst v63  }
0x17: {  	_ =	swait.ge [sflag:s3], $0x80  }
0x18: {  	[sflag:s3] =	ssyncset.done $0x0  }
0x19: {  	[sflag:s3] =	ssyncadd.s32 $0xFFFFFF80  }
0x1a: {  	[tilespmem:s5], [sflag:$0x1] =	stream.indirect.gather [hbm4b:s4+s5], $0x80, s2, s5, $0xb8;
	[tilespmem:$0x4080] =	vst v63  }
0x1b: {  	_ =	swait.ge [sflag:s6], $0x4000  }
0x1c: {  	s9 =	sshll.u32 s9, $0x4;
	[sflag:s6] =	ssyncset.done $0x0  }
0x1d: {  	s9 =	sadd.s32 s1, s9;
	[sflag:s6] =	ssyncadd.s32 $0xFFFFC000  }
0x1e: {  	[hbm4b:s9+s2] =	stream.linear.scatter [tilespmem:s5], [sflag:$0x2], $0x4000, $0x38;
	[tilespmem:$0x4080] =	vst v63  }
0x1f: {  	s11 =	sor.u32 $0x100, s31;
	_ =	swait.ge [sflag:s3], $0x4000  }
0x20: {  	s10 =	sshrl.u32 s11, $0x3;
	[sflag:s3] =	ssyncset.done $0x0  }
0x21: {  	s10 =	sadd.s32 s29, s10;
	[sflag:s3] =	ssyncadd.s32 $0xFFFFC000  }
0x22: {  	[tilespmem:s2], [sflag:$0x2] =	stream.linear.gather [hbm4b:s10+s2], $0x80, $0x38;
	[tilespmem:$0x4080] =	vst v63  }
0x23: {  	_ =	swait.ge [sflag:s3], $0x80  }
0x24: {  	[sflag:s3] =	ssyncset.done $0x0  }
0x25: {  	[sflag:s3] =	ssyncadd.s32 $0xFFFFFF80  }
0x26: {  	[tilespmem:s5], [sflag:$0x1] =	stream.indirect.gather [hbm4b:s4+s5], $0x80, s2, s5, $0xb8;
	[tilespmem:$0x4080] =	vst v63  }
0x27: {  	_ =	swait.ge [sflag:s6], $0x4000  }
0x28: {  	s11 =	sshll.u32 s11, $0x4;
	[sflag:s6] =	ssyncset.done $0x0  }
0x29: {  	s11 =	sadd.s32 s1, s11;
	[sflag:s6] =	ssyncadd.s32 $0xFFFFC000  }
0x2a: {  	[hbm4b:s11+s2] =	stream.linear.scatter [tilespmem:s5], [sflag:$0x2], $0x4000, $0x38;
	[tilespmem:$0x4080] =	vst v63  }
0x2b: {  	s13 =	sor.u32 $0x180, s31;
	_ =	swait.ge [sflag:s3], $0x4000  }
0x2c: {  	s12 =	sshrl.u32 s13, $0x3;
	[sflag:s3] =	ssyncset.done $0x0  }
0x2d: {  	s12 =	sadd.s32 s29, s12;
	[sflag:s3] =	ssyncadd.s32 $0xFFFFC000  }
0x2e: {  	[tilespmem:s2], [sflag:$0x2] =	stream.linear.gather [hbm4b:s12+s2], $0x80, $0x38;
	[tilespmem:$0x4080] =	vst v63  }
0x2f: {  	_ =	swait.ge [sflag:s3], $0x80  }
0x30: {  	[sflag:s3] =	ssyncset.done $0x0  }
0x31: {  	[sflag:s3] =	ssyncadd.s32 $0xFFFFFF80  }
0x32: {  	[tilespmem:s5], [sflag:$0x1] =	stream.indirect.gather [hbm4b:s4+s5], $0x80, s2, s5, $0xb8;
	[tilespmem:$0x4080] =	vst v63  }
0x33: {  	_ =	swait.ge [sflag:s6], $0x4000  }
0x34: {  	s13 =	sshll.u32 s13, $0x4;
	[sflag:s6] =	ssyncset.done $0x0  }
0x35: {  	s13 =	sadd.s32 s1, s13;
	[sflag:s6] =	ssyncadd.s32 $0xFFFFC000  }
0x36: {  	[hbm4b:s13+s2] =	stream.linear.scatter [tilespmem:s5], [sflag:$0x2], $0x4000, $0x38;
	[tilespmem:$0x4080] =	vst v63  }
0x37: {  	s15 =	sadd.s32 $0x200, s31;
	_ =	swait.ge [sflag:s3], $0x4000  }
0x38: {  	s14 =	sshrl.u32 s15, $0x3;
	[sflag:s3] =	ssyncset.done $0x0  }
0x39: {  	s14 =	sadd.s32 s29, s14;
	[sflag:s3] =	ssyncadd.s32 $0xFFFFC000  }
0x3a: {  	[tilespmem:s2], [sflag:$0x2] =	stream.linear.gather [hbm4b:s14+s2], $0x80, $0x38;
	[tilespmem:$0x4080] =	vst v63  }
0x3b: {  	_ =	swait.ge [sflag:s3], $0x80  }
0x3c: {  	[sflag:s3] =	ssyncset.done $0x0  }
0x3d: {  	[sflag:s3] =	ssyncadd.s32 $0xFFFFFF80  }
0x3e: {  	[tilespmem:s5], [sflag:$0x1] =	stream.indirect.gather [hbm4b:s4+s5], $0x80, s2, s5, $0xb8;
	[tilespmem:$0x4080] =	vst v63  }
0x3f: {  	_ =	swait.ge [sflag:s6], $0x4000  }
0x40: {  	s15 =	sshll.u32 s15, $0x4;
	[sflag:s6] =	ssyncset.done $0x0  }
0x41: {  	s15 =	sadd.s32 s1, s15;
	[sflag:s6] =	ssyncadd.s32 $0xFFFFC000  }
0x42: {  	[hbm4b:s15+s2] =	stream.linear.scatter [tilespmem:s5], [sflag:$0x2], $0x4000, $0x38;
	[tilespmem:$0x4080] =	vst v63  }
0x43: {  	s17 =	sadd.s32 $0x280, s31;
	_ =	swait.ge [sflag:s3], $0x4000  }
0x44: {  	s16 =	sshrl.u32 s17, $0x3;
	[sflag:s3] =	ssyncset.done $0x0  }
0x45: {  	s16 =	sadd.s32 s29, s16;
	[sflag:s3] =	ssyncadd.s32 $0xFFFFC000  }
0x46: {  	[tilespmem:s2], [sflag:$0x2] =	stream.linear.gather [hbm4b:s16+s2], $0x80, $0x38;
	[tilespmem:$0x4080] =	vst v63  }
0x47: {  	_ =	swait.ge [sflag:s3], $0x80  }
0x48: {  	[sflag:s3] =	ssyncset.done $0x0  }
0x49: {  	[sflag:s3] =	ssyncadd.s32 $0xFFFFFF80  }
0x4a: {  	[tilespmem:s5], [sflag:$0x1] =	stream.indirect.gather [hbm4b:s4+s5], $0x80, s2, s5, $0xb8;
	[tilespmem:$0x4080] =	vst v63  }
0x4b: {  	_ =	swait.ge [sflag:s6], $0x4000  }
0x4c: {  	s17 =	sshll.u32 s17, $0x4;
	[sflag:s6] =	ssyncset.done $0x0  }
0x4d: {  	s17 =	sadd.s32 s1, s17;
	[sflag:s6] =	ssyncadd.s32 $0xFFFFC000  }
0x4e: {  	[hbm4b:s17+s2] =	stream.linear.scatter [tilespmem:s5], [sflag:$0x2], $0x4000, $0x38;
	[tilespmem:$0x4080] =	vst v63  }
0x4f: {  	s19 =	sadd.s32 $0x300, s31;
	_ =	swait.ge [sflag:s3], $0x4000  }
0x50: {  	s18 =	sshrl.u32 s19, $0x3;
	[sflag:s3] =	ssyncset.done $0x0  }
0x51: {  	s18 =	sadd.s32 s29, s18;
	[sflag:s3] =	ssyncadd.s32 $0xFFFFC000  }
0x52: {  	[tilespmem:s2], [sflag:$0x2] =	stream.linear.gather [hbm4b:s18+s2], $0x80, $0x38;
	[tilespmem:$0x4080] =	vst v63  }
0x53: {  	_ =	swait.ge [sflag:s3], $0x80  }
0x54: {  	[sflag:s3] =	ssyncset.done $0x0  }
0x55: {  	[sflag:s3] =	ssyncadd.s32 $0xFFFFFF80  }
0x56: {  	[tilespmem:s5], [sflag:$0x1] =	stream.indirect.gather [hbm4b:s4+s5], $0x80, s2, s5, $0xb8;
	[tilespmem:$0x4080] =	vst v63  }
0x57: {  	_ =	swait.ge [sflag:s6], $0x4000  }
0x58: {  	s19 =	sshll.u32 s19, $0x4;
	[sflag:s6] =	ssyncset.done $0x0  }
0x59: {  	s19 =	sadd.s32 s1, s19;
	[sflag:s6] =	ssyncadd.s32 $0xFFFFC000  }
0x5a: {  	[hbm4b:s19+s2] =	stream.linear.scatter [tilespmem:s5], [sflag:$0x2], $0x4000, $0x38;
	[tilespmem:$0x4080] =	vst v63  }
0x5b: {  	s21 =	sadd.s32 $0x380, s31;
	_ =	swait.ge [sflag:s3], $0x4000  }
0x5c: {  	s20 =	sshrl.u32 s21, $0x3;
	[sflag:s3] =	ssyncset.done $0x0  }
0x5d: {  	s20 =	sadd.s32 s29, s20;
	[sflag:s3] =	ssyncadd.s32 $0xFFFFC000  }
0x5e: {  	[tilespmem:s2], [sflag:$0x2] =	stream.linear.gather [hbm4b:s20+s2], $0x80, $0x38;
	[tilespmem:$0x4080] =	vst v63  }
0x5f: {  	_ =	swait.ge [sflag:s3], $0x80  }
0x60: {  	[sflag:s3] =	ssyncset.done $0x0  }
0x61: {  	[sflag:s3] =	ssyncadd.s32 $0xFFFFFF80  }
0x62: {  	[tilespmem:s5], [sflag:$0x1] =	stream.indirect.gather [hbm4b:s4+s5], $0x80, s2, s5, $0xb8;
	[tilespmem:$0x4080] =	vst v63  }
0x63: {  	_ =	swait.ge [sflag:s6], $0x4000  }
0x64: {  	s21 =	sshll.u32 s21, $0x4;
	[sflag:s6] =	ssyncset.done $0x0  }
0x65: {  	s21 =	sadd.s32 s1, s21;
	[sflag:s6] =	ssyncadd.s32 $0xFFFFC000  }
0x66: {  	[hbm4b:s21+s2] =	stream.linear.scatter [tilespmem:s5], [sflag:$0x2], $0x4000, $0x38;
	[tilespmem:$0x4080] =	vst v63  }
0x67: {  	s23 =	sadd.s32 $0x400, s31;
	_ =	swait.ge [sflag:s3], $0x4000  }
0x68: {  	s22 =	sshrl.u32 s23, $0x3;
	[sflag:s3] =	ssyncset.done $0x0  }
0x69: {  	s22 =	sadd.s32 s29, s22;
	[sflag:s3] =	ssyncadd.s32 $0xFFFFC000  }
0x6a: {  	[tilespmem:s2], [sflag:$0x2] =	stream.linear.gather [hbm4b:s22+s2], $0x80, $0x38;
	[tilespmem:$0x4080] =	vst v63  }
0x6b: {  	_ =	swait.ge [sflag:s3], $0x80  }
0x6c: {  	[sflag:s3] =	ssyncset.done $0x0  }
0x6d: {  	[sflag:s3] =	ssyncadd.s32 $0xFFFFFF80  }
0x6e: {  	[tilespmem:s5], [sflag:$0x1] =	stream.indirect.gather [hbm4b:s4+s5], $0x80, s2, s5, $0xb8;
	[tilespmem:$0x4080] =	vst v63  }
0x6f: {  	_ =	swait.ge [sflag:s6], $0x4000  }
0x70: {  	s23 =	sshll.u32 s23, $0x4;
	[sflag:s6] =	ssyncset.done $0x0  }
0x71: {  	s23 =	sadd.s32 s1, s23;
	[sflag:s6] =	ssyncadd.s32 $0xFFFFC000  }
0x72: {  	[hbm4b:s23+s2] =	stream.linear.scatter [tilespmem:s5], [sflag:$0x2], $0x4000, $0x38;
	[tilespmem:$0x4080] =	vst v63  }
0x73: {  	s25 =	sadd.s32 $0x480, s31;
	_ =	swait.ge [sflag:s3], $0x4000  }
0x74: {  	s24 =	sshrl.u32 s25, $0x3;
	[sflag:s3] =	ssyncset.done $0x0  }
0x75: {  	s24 =	sadd.s32 s29, s24;
	[sflag:s3] =	ssyncadd.s32 $0xFFFFC000  }
0x76: {  	[tilespmem:s2], [sflag:$0x2] =	stream.linear.gather [hbm4b:s24+s2], $0x80, $0x38;
	[tilespmem:$0x4080] =	vst v63  }
0x77: {  	_ =	swait.ge [sflag:s3], $0x80  }
0x78: {  	[sflag:s3] =	ssyncset.done $0x0  }
0x79: {  	[sflag:s3] =	ssyncadd.s32 $0xFFFFFF80  }
0x7a: {  	[tilespmem:s5], [sflag:$0x1] =	stream.indirect.gather [hbm4b:s4+s5], $0x80, s2, s5, $0xb8;
	[tilespmem:$0x4080] =	vst v63  }
0x7b: {  	_ =	swait.ge [sflag:s6], $0x4000  }
0x7c: {  	s25 =	sshll.u32 s25, $0x4;
	[sflag:s6] =	ssyncset.done $0x0  }
0x7d: {  	s25 =	sadd.s32 s1, s25;
	[sflag:s6] =	ssyncadd.s32 $0xFFFFC000  }
0x7e: {  	[hbm4b:s25+s2] =	stream.linear.scatter [tilespmem:s5], [sflag:$0x2], $0x4000, $0x38;
	[tilespmem:$0x4080] =	vst v63  }
0x7f: {  	s28 =	sadd.s32 $0x500, s31;
	_ =	swait.ge [sflag:s3], $0x4000  }
0x80: {  	s26 =	sshrl.u32 s28, $0x3;
	[sflag:s3] =	ssyncset.done $0x0  }
0x81: {  	s26 =	sadd.s32 s29, s26;
	[sflag:s3] =	ssyncadd.s32 $0xFFFFC000  }
0x82: {  	[tilespmem:s2], [sflag:$0x2] =	stream.linear.gather [hbm4b:s26+s2], $0x80, $0x38;
	[tilespmem:$0x4080] =	vst v63  }
0x83: {  	_ =	swait.ge [sflag:s3], $0x80  }
0x84: {  	[sflag:s3] =	ssyncset.done $0x0  }
0x85: {  	[sflag:s3] =	ssyncadd.s32 $0xFFFFFF80  }
0x86: {  	[tilespmem:s5], [sflag:$0x1] =	stream.indirect.gather [hbm4b:s4+s5], $0x80, s2, s5, $0xb8;
	[tilespmem:$0x4080] =	vst v63  }
0x87: {  	_ =	swait.ge [sflag:s6], $0x4000  }
0x88: {  	s28 =	sshll.u32 s28, $0x4;
	[sflag:s6] =	ssyncset.done $0x0  }
0x89: {  	s31 =	sadd.s32 $0x580, s31;
	s28 =	sadd.s32 s1, s28;
	[sflag:s6] =	ssyncadd.s32 $0xFFFFC000  }
0x8a: {  	[hbm4b:s28+s2] =	stream.linear.scatter [tilespmem:s5], [sflag:$0x2], $0x4000, $0x38;
	[tilespmem:$0x4080] =	vst v63  }
0x8b: {  	s0 =	sshrl.u32 s31, $0x3;
	_ =	swait.ge [sflag:s3], $0x4000  }
0x8c: {  	s29 =	sadd.s32 s29, s0;
	s0 =	ssub.s32 $0x2, s30;
	[sflag:s3] =	ssyncset.done $0x0  }
0x8d: {  	s30 =	sshrl.u32 s0, $0x1;
	[sflag:s3] =	ssyncadd.s32 $0xFFFFC000  }
0x8e: {  	[tilespmem:s2], [sflag:$0x2] =	stream.linear.gather [hbm4b:s29+s2], $0x80, $0x38;
	[tilespmem:$0x4080] =	vst v63  }
0x8f: {  	s0 =	ssub.s32 s0, s30;
	_ =	swait.ge [sflag:s3], $0x80  }
0x90: {  	s0 =	smax.u32 s0, $0x1;
	[sflag:s3] =	ssyncset.done $0x0  }
0x91: {  	p0 =	sne.s32 s0, $0x1;
	[sflag:s3] =	ssyncadd.s32 $0xFFFFFF80  }
0x92: {  	[tilespmem:s5], [sflag:$0x1] =	stream.indirect.gather [hbm4b:s4+s5], $0x80, s2, s5, $0xb8;
	[tilespmem:$0x4080] =	vst v63  }
.Ltmp0:
0x93: {  	_ =	swait.ge [sflag:s6], $0x4000;
	(pc) =	sbr.rel @!p0 .LBB2_2-.Ltmp0, $4  }
0x94: {  	s30 =	sshll.u32 s31, $0x4;
	[sflag:s6] =	ssyncset.done $0x0  }
0x95: {  	s30 =	sadd.s32 s1, s30;
	[sflag:s6] =	ssyncadd.s32 $0xFFFFC000  }
0x96: {  	[hbm4b:s30+s2] =	stream.linear.scatter [tilespmem:s5], [sflag:$0x2], $0x4000, $0x38;
	[tilespmem:$0x4080] =	vst v63  }
0x97: {  	s31 =	sadd.s32 $0xFFFFFFFF, s0;
	_ =	swait.ge [sflag:s3], $0x4000  }
.LBB2_1:
0x98: {  	[sflag:s3] =	ssyncset.done $0x0  }
0x99: {  	s0 =	rddreg [dreg:$0x2];
	[sflag:s3] =	ssyncadd.s32 $0xFFFFC000  }
0x9a: {  	[tilespmem:s2], [sflag:$0x2] =	stream.linear.gather [hbm4b:s0+s2], $0x80, $0x38;
	[tilespmem:$0x4080] =	vst v63  }
0x9b: {  	_ =	swait.ge [sflag:s3], $0x80  }
0x9c: {  	[sflag:s3] =	ssyncset.done $0x0  }
0x9d: {  	[sflag:s3] =	ssyncadd.s32 $0xFFFFFF80  }
0x9e: {  	[tilespmem:s5], [sflag:$0x1] =	stream.indirect.gather [hbm4b:s4+s5], $0x80, s2, s5, $0xb8;
	[tilespmem:$0x4080] =	vst v63  }
0x9f: {  	_ =	swait.ge [sflag:s6], $0x4000  }
0xa0: {  	[sflag:s6] =	ssyncset.done $0x0  }
0xa1: {  	[sflag:s6] =	ssyncadd.s32 $0xFFFFC000  }
0xa2: {  	[hbm4b:s7+s2] =	stream.linear.scatter [tilespmem:s5], [sflag:$0x2], $0x4000, $0x38;
	[tilespmem:$0x4080] =	vst v63  }
0xa3: {  	_ =	swait.ge [sflag:s3], $0x4000  }
0xa4: {  	[sflag:s3] =	ssyncset.done $0x0  }
0xa5: {  	[sflag:s3] =	ssyncadd.s32 $0xFFFFC000  }
0xa6: {  	[tilespmem:s2], [sflag:$0x2] =	stream.linear.gather [hbm4b:s8+s2], $0x80, $0x38;
	[tilespmem:$0x4080] =	vst v63  }
0xa7: {  	_ =	swait.ge [sflag:s3], $0x80  }
0xa8: {  	[sflag:s3] =	ssyncset.done $0x0  }
0xa9: {  	[sflag:s3] =	ssyncadd.s32 $0xFFFFFF80  }
0xaa: {  	[tilespmem:s5], [sflag:$0x1] =	stream.indirect.gather [hbm4b:s4+s5], $0x80, s2, s5, $0xb8;
	[tilespmem:$0x4080] =	vst v63  }
0xab: {  	_ =	swait.ge [sflag:s6], $0x4000  }
0xac: {  	[sflag:s6] =	ssyncset.done $0x0  }
0xad: {  	[sflag:s6] =	ssyncadd.s32 $0xFFFFC000  }
0xae: {  	[hbm4b:s9+s2] =	stream.linear.scatter [tilespmem:s5], [sflag:$0x2], $0x4000, $0x38;
	[tilespmem:$0x4080] =	vst v63  }
0xaf: {  	_ =	swait.ge [sflag:s3], $0x4000  }
0xb0: {  	[sflag:s3] =	ssyncset.done $0x0  }
0xb1: {  	[sflag:s3] =	ssyncadd.s32 $0xFFFFC000  }
0xb2: {  	[tilespmem:s2], [sflag:$0x2] =	stream.linear.gather [hbm4b:s10+s2], $0x80, $0x38;
	[tilespmem:$0x4080] =	vst v63  }
0xb3: {  	_ =	swait.ge [sflag:s3], $0x80  }
0xb4: {  	[sflag:s3] =	ssyncset.done $0x0  }
0xb5: {  	[sflag:s3] =	ssyncadd.s32 $0xFFFFFF80  }
0xb6: {  	[tilespmem:s5], [sflag:$0x1] =	stream.indirect.gather [hbm4b:s4+s5], $0x80, s2, s5, $0xb8;
	[tilespmem:$0x4080] =	vst v63  }
0xb7: {  	_ =	swait.ge [sflag:s6], $0x4000  }
0xb8: {  	[sflag:s6] =	ssyncset.done $0x0  }
0xb9: {  	[sflag:s6] =	ssyncadd.s32 $0xFFFFC000  }
0xba: {  	[hbm4b:s11+s2] =	stream.linear.scatter [tilespmem:s5], [sflag:$0x2], $0x4000, $0x38;
	[tilespmem:$0x4080] =	vst v63  }
0xbb: {  	_ =	swait.ge [sflag:s3], $0x4000  }
0xbc: {  	[sflag:s3] =	ssyncset.done $0x0  }
0xbd: {  	[sflag:s3] =	ssyncadd.s32 $0xFFFFC000  }
0xbe: {  	[tilespmem:s2], [sflag:$0x2] =	stream.linear.gather [hbm4b:s12+s2], $0x80, $0x38;
	[tilespmem:$0x4080] =	vst v63  }
0xbf: {  	_ =	swait.ge [sflag:s3], $0x80  }
0xc0: {  	[sflag:s3] =	ssyncset.done $0x0  }
0xc1: {  	[sflag:s3] =	ssyncadd.s32 $0xFFFFFF80  }
0xc2: {  	[tilespmem:s5], [sflag:$0x1] =	stream.indirect.gather [hbm4b:s4+s5], $0x80, s2, s5, $0xb8;
	[tilespmem:$0x4080] =	vst v63  }
0xc3: {  	_ =	swait.ge [sflag:s6], $0x4000  }
0xc4: {  	[sflag:s6] =	ssyncset.done $0x0  }
0xc5: {  	[sflag:s6] =	ssyncadd.s32 $0xFFFFC000  }
0xc6: {  	[hbm4b:s13+s2] =	stream.linear.scatter [tilespmem:s5], [sflag:$0x2], $0x4000, $0x38;
	[tilespmem:$0x4080] =	vst v63  }
0xc7: {  	_ =	swait.ge [sflag:s3], $0x4000  }
0xc8: {  	[sflag:s3] =	ssyncset.done $0x0  }
0xc9: {  	[sflag:s3] =	ssyncadd.s32 $0xFFFFC000  }
0xca: {  	[tilespmem:s2], [sflag:$0x2] =	stream.linear.gather [hbm4b:s14+s2], $0x80, $0x38;
	[tilespmem:$0x4080] =	vst v63  }
0xcb: {  	_ =	swait.ge [sflag:s3], $0x80  }
0xcc: {  	[sflag:s3] =	ssyncset.done $0x0  }
0xcd: {  	[sflag:s3] =	ssyncadd.s32 $0xFFFFFF80  }
0xce: {  	[tilespmem:s5], [sflag:$0x1] =	stream.indirect.gather [hbm4b:s4+s5], $0x80, s2, s5, $0xb8;
	[tilespmem:$0x4080] =	vst v63  }
0xcf: {  	_ =	swait.ge [sflag:s6], $0x4000  }
0xd0: {  	[sflag:s6] =	ssyncset.done $0x0  }
0xd1: {  	[sflag:s6] =	ssyncadd.s32 $0xFFFFC000  }
0xd2: {  	[hbm4b:s15+s2] =	stream.linear.scatter [tilespmem:s5], [sflag:$0x2], $0x4000, $0x38;
	[tilespmem:$0x4080] =	vst v63  }
0xd3: {  	_ =	swait.ge [sflag:s3], $0x4000  }
0xd4: {  	[sflag:s3] =	ssyncset.done $0x0  }
0xd5: {  	[sflag:s3] =	ssyncadd.s32 $0xFFFFC000  }
0xd6: {  	[tilespmem:s2], [sflag:$0x2] =	stream.linear.gather [hbm4b:s16+s2], $0x80, $0x38;
	[tilespmem:$0x4080] =	vst v63  }
0xd7: {  	_ =	swait.ge [sflag:s3], $0x80  }
0xd8: {  	[sflag:s3] =	ssyncset.done $0x0  }
0xd9: {  	[sflag:s3] =	ssyncadd.s32 $0xFFFFFF80  }
0xda: {  	[tilespmem:s5], [sflag:$0x1] =	stream.indirect.gather [hbm4b:s4+s5], $0x80, s2, s5, $0xb8;
	[tilespmem:$0x4080] =	vst v63  }
0xdb: {  	_ =	swait.ge [sflag:s6], $0x4000  }
0xdc: {  	[sflag:s6] =	ssyncset.done $0x0  }
0xdd: {  	[sflag:s6] =	ssyncadd.s32 $0xFFFFC000  }
0xde: {  	[hbm4b:s17+s2] =	stream.linear.scatter [tilespmem:s5], [sflag:$0x2], $0x4000, $0x38;
	[tilespmem:$0x4080] =	vst v63  }
0xdf: {  	_ =	swait.ge [sflag:s3], $0x4000  }
0xe0: {  	[sflag:s3] =	ssyncset.done $0x0  }
0xe1: {  	[sflag:s3] =	ssyncadd.s32 $0xFFFFC000  }
0xe2: {  	[tilespmem:s2], [sflag:$0x2] =	stream.linear.gather [hbm4b:s18+s2], $0x80, $0x38;
	[tilespmem:$0x4080] =	vst v63  }
0xe3: {  	_ =	swait.ge [sflag:s3], $0x80  }
0xe4: {  	[sflag:s3] =	ssyncset.done $0x0  }
0xe5: {  	[sflag:s3] =	ssyncadd.s32 $0xFFFFFF80  }
0xe6: {  	[tilespmem:s5], [sflag:$0x1] =	stream.indirect.gather [hbm4b:s4+s5], $0x80, s2, s5, $0xb8;
	[tilespmem:$0x4080] =	vst v63  }
0xe7: {  	_ =	swait.ge [sflag:s6], $0x4000  }
0xe8: {  	[sflag:s6] =	ssyncset.done $0x0  }
0xe9: {  	[sflag:s6] =	ssyncadd.s32 $0xFFFFC000  }
0xea: {  	[hbm4b:s19+s2] =	stream.linear.scatter [tilespmem:s5], [sflag:$0x2], $0x4000, $0x38;
	[tilespmem:$0x4080] =	vst v63  }
0xeb: {  	_ =	swait.ge [sflag:s3], $0x4000  }
0xec: {  	[sflag:s3] =	ssyncset.done $0x0  }
0xed: {  	[sflag:s3] =	ssyncadd.s32 $0xFFFFC000  }
0xee: {  	[tilespmem:s2], [sflag:$0x2] =	stream.linear.gather [hbm4b:s20+s2], $0x80, $0x38;
	[tilespmem:$0x4080] =	vst v63  }
0xef: {  	_ =	swait.ge [sflag:s3], $0x80  }
0xf0: {  	[sflag:s3] =	ssyncset.done $0x0  }
0xf1: {  	[sflag:s3] =	ssyncadd.s32 $0xFFFFFF80  }
0xf2: {  	[tilespmem:s5], [sflag:$0x1] =	stream.indirect.gather [hbm4b:s4+s5], $0x80, s2, s5, $0xb8;
	[tilespmem:$0x4080] =	vst v63  }
0xf3: {  	_ =	swait.ge [sflag:s6], $0x4000  }
0xf4: {  	[sflag:s6] =	ssyncset.done $0x0  }
0xf5: {  	[sflag:s6] =	ssyncadd.s32 $0xFFFFC000  }
0xf6: {  	[hbm4b:s21+s2] =	stream.linear.scatter [tilespmem:s5], [sflag:$0x2], $0x4000, $0x38;
	[tilespmem:$0x4080] =	vst v63  }
0xf7: {  	_ =	swait.ge [sflag:s3], $0x4000  }
0xf8: {  	[sflag:s3] =	ssyncset.done $0x0  }
0xf9: {  	[sflag:s3] =	ssyncadd.s32 $0xFFFFC000  }
0xfa: {  	[tilespmem:s2], [sflag:$0x2] =	stream.linear.gather [hbm4b:s22+s2], $0x80, $0x38;
	[tilespmem:$0x4080] =	vst v63  }
0xfb: {  	_ =	swait.ge [sflag:s3], $0x80  }
0xfc: {  	[sflag:s3] =	ssyncset.done $0x0  }
0xfd: {  	[sflag:s3] =	ssyncadd.s32 $0xFFFFFF80  }
0xfe: {  	[tilespmem:s5], [sflag:$0x1] =	stream.indirect.gather [hbm4b:s4+s5], $0x80, s2, s5, $0xb8;
	[tilespmem:$0x4080] =	vst v63  }
0xff: {  	_ =	swait.ge [sflag:s6], $0x4000  }
0x100: {  	[sflag:s6] =	ssyncset.done $0x0  }
0x101: {  	[sflag:s6] =	ssyncadd.s32 $0xFFFFC000  }
0x102: {  	[hbm4b:s23+s2] =	stream.linear.scatter [tilespmem:s5], [sflag:$0x2], $0x4000, $0x38;
	[tilespmem:$0x4080] =	vst v63  }
0x103: {  	_ =	swait.ge [sflag:s3], $0x4000  }
0x104: {  	[sflag:s3] =	ssyncset.done $0x0  }
0x105: {  	[sflag:s3] =	ssyncadd.s32 $0xFFFFC000  }
0x106: {  	[tilespmem:s2], [sflag:$0x2] =	stream.linear.gather [hbm4b:s24+s2], $0x80, $0x38;
	[tilespmem:$0x4080] =	vst v63  }
0x107: {  	_ =	swait.ge [sflag:s3], $0x80  }
0x108: {  	[sflag:s3] =	ssyncset.done $0x0  }
0x109: {  	[sflag:s3] =	ssyncadd.s32 $0xFFFFFF80  }
0x10a: {  	[tilespmem:s5], [sflag:$0x1] =	stream.indirect.gather [hbm4b:s4+s5], $0x80, s2, s5, $0xb8;
	[tilespmem:$0x4080] =	vst v63  }
0x10b: {  	_ =	swait.ge [sflag:s6], $0x4000  }
0x10c: {  	[sflag:s6] =	ssyncset.done $0x0  }
0x10d: {  	[sflag:s6] =	ssyncadd.s32 $0xFFFFC000  }
0x10e: {  	[hbm4b:s25+s2] =	stream.linear.scatter [tilespmem:s5], [sflag:$0x2], $0x4000, $0x38;
	[tilespmem:$0x4080] =	vst v63  }
0x10f: {  	_ =	swait.ge [sflag:s3], $0x4000  }
0x110: {  	[sflag:s3] =	ssyncset.done $0x0  }
0x111: {  	[sflag:s3] =	ssyncadd.s32 $0xFFFFC000  }
0x112: {  	[tilespmem:s2], [sflag:$0x2] =	stream.linear.gather [hbm4b:s26+s2], $0x80, $0x38;
	[tilespmem:$0x4080] =	vst v63  }
0x113: {  	_ =	swait.ge [sflag:s3], $0x80  }
0x114: {  	[sflag:s3] =	ssyncset.done $0x0  }
0x115: {  	[sflag:s3] =	ssyncadd.s32 $0xFFFFFF80  }
0x116: {  	[tilespmem:s5], [sflag:$0x1] =	stream.indirect.gather [hbm4b:s4+s5], $0x80, s2, s5, $0xb8;
	[tilespmem:$0x4080] =	vst v63  }
0x117: {  	_ =	swait.ge [sflag:s6], $0x4000  }
0x118: {  	[sflag:s6] =	ssyncset.done $0x0  }
0x119: {  	[sflag:s6] =	ssyncadd.s32 $0xFFFFC000  }
0x11a: {  	[hbm4b:s28+s2] =	stream.linear.scatter [tilespmem:s5], [sflag:$0x2], $0x4000, $0x38;
	[tilespmem:$0x4080] =	vst v63  }
0x11b: {  	_ =	swait.ge [sflag:s3], $0x4000  }
0x11c: {  	[sflag:s3] =	ssyncset.done $0x0  }
0x11d: {  	[sflag:s3] =	ssyncadd.s32 $0xFFFFC000  }
0x11e: {  	[tilespmem:s2], [sflag:$0x2] =	stream.linear.gather [hbm4b:s29+s2], $0x80, $0x38;
	[tilespmem:$0x4080] =	vst v63  }
0x11f: {  	_ =	swait.ge [sflag:s3], $0x80  }
0x120: {  	[sflag:s3] =	ssyncset.done $0x0  }
0x121: {  	p0 =	sne.s32 s31, $0x1;
	[sflag:s3] =	ssyncadd.s32 $0xFFFFFF80  }
0x122: {  	[tilespmem:s5], [sflag:$0x1] =	stream.indirect.gather [hbm4b:s4+s5], $0x80, s2, s5, $0xb8;
	[tilespmem:$0x4080] =	vst v63  }
.Ltmp1:
0x123: {  	_ =	swait.ge [sflag:s6], $0x4000;
	(pc) =	sbr.rel @p0 .LBB2_1-.Ltmp1, $4  }
0x124: {  	[sflag:s6] =	ssyncset.done $0x0  }
0x125: {  	[sflag:s6] =	ssyncadd.s32 $0xFFFFC000  }
0x126: {  	[hbm4b:s30+s2] =	stream.linear.scatter [tilespmem:s5], [sflag:$0x2], $0x4000, $0x38;
	[tilespmem:$0x4080] =	vst v63  }
0x127: {  	s31 =	sadd.s32 $0xFFFFFFFF, s31;
	_ =	swait.ge [sflag:s3], $0x4000  }
.LBB2_2:
0x128: {  	[sflag:s3] =	ssyncset.done $0x0  }
0x129: {  	[sflag:s3] =	ssyncadd.s32 $0xFFFFC000  }
0x12a: {  	_ =	sfence.sel $0x180000  }
0x12b: {  	[bflag:$0x0] =	sbarrier.arrive $0xFFFF  }
0x12c: {  	_ =	strace $0x90000047  }
0x12d: {  	s0 =	stileid.u32;
	[bflag:$0x2] =	sbarrier.arrive $0xFFFF  }
0x12e: {  	p0 =	sne.s32 s0, $0x0;
	s0 =	rddreg [dreg:$0x1]  }
0x12f: {  	s0 =	sadd.s32 @!p0 $0x100000, s0  }
0x130: {  	[sflag:s0] =	ssyncadd.tile.s32 @!p0 $0x1;
	_ =	shalt  }
.Lfunc_end2:
_tile_overlayer_lowered:
.L_overlay_start_2:
0x131: {  	(tag) =	ssettag $0x2  }
0x132: {  	s0 =	rddreg [dreg:$0x0];
	s2 =	stileid.u32  }
0x133: {  	s1 =	rddreg [dreg:$0x1];
	p0 =	sne.s32 s2, $0x0  }
0x134: {  	s3 =	rddreg [dreg:$0x2];
	[bflag:$0x3] =	sbarrier.arrive $0xFFFF;
	s2 =	simm.s32 @!p0 $0x1C02  }
0x135: {  	[timem:s3], [sflag:s2] =	dma.local @!p0 [hbm:s0], s1  }
0x136: {  	s0 =	simm.s32 @!p0 $0x2  }
0x137: {  	_ =	swait.ge @!p0 [sflag:s0], s1  }
0x138: {  	s1 =	ssub.s32 @!p0 $0x0, s1;
	[sflag:s0] =	ssyncset.done @!p0 $0x0  }
0x139: {  	[sflag:s0] =	ssyncadd.s32 @!p0 s1  }
0x13a: {  	[bflag:$0x3] =	sbarrier.arrive $0xFFFF  }
0x13b: {  	_ =	shalt  }

// kernel: kernel.13.cloned.1.call-start
scs
__scs_entry_jumppad:
0x0: {  	(pc) =	sbr.rel $0x88, $3  }
0x1: {  	(tag) =	ssettag $0x0;
	lr =	simm.s32 $0x1  }
0x2: {  	[smem:$0x3F95] =	sst lr;
	_ =	strace $0xD0000000  }
0x3: {  	_ = 	snop  }
0x4: {  	_ = 	snop  }
0x5: {  	_ = 	snop  }
0x6: {  	_ = 	snop  }
0x7: {  	_ = 	snop  }
__scs_overlays_trampoline_lowered:
0x8: {  	[smem:$0x3FA4] =	sst s0  }
0x9: {  	[smem:$0x3FA5] =	sst s1  }
0xa: {  	[smem:$0x3FA6] =	sst s2  }
0xb: {  	[smem:$0x3FA7] =	sst s3  }
0xc: {  	[smem:$0x3FA8] =	sst s4  }
0xd: {  	[smem:$0x3FA9] =	sst s5  }
0xe: {  	[smem:$0x3FAA] =	sst s6  }
0xf: {  	[smem:$0x3FAB] =	sst s7  }
0x10: {  	[smem:$0x3FAC] =	sst s8  }
0x11: {  	[smem:$0x3FAD] =	sst s9;
	s0 =	simm.s32 @!p0 $0x0  }
0x12: {  	s1 =	sld [smem:$0x3F93];
	s0 =	simm.s32 @p0 $0x1  }
0x13: {  	[smem:$0x3FAE] =	sst s0;
	s0 =	simm.s32 @!p1 $0x0  }
0x14: {  	s2 =	sld [smem:$0x3F92];
	s0 =	simm.s32 @p1 $0x1  }
0x15: {  	[smem:$0x3FAF] =	sst s0;
	s0 =	simm.s32 @!p2 $0x0  }
0x16: {  	s3 =	sld [smem:$0x3FDB];
	s0 =	simm.s32 @p2 $0x1  }
0x17: {  	s4 =	simm.s32 $0x1BF5;
	[smem:$0x3FB1] =	sst s0  }
0x18: {  	s0 =	sld [smem:$0x3F94];
	_ =	swait.ge [sflag:s4], $0x0  }
0x19: {  	s7 =	sld [smem:$0x3F95]  }
0x1a: {  	s8 =	sadd.s32 $0xFFFFE003, lr  }
0x1b: {  	s9 =	sadd.s32 $0xFFFFFEF7, lr;
	s5 =	simm.s32 $0xFFFFFFFF;
	p2 =	slt.u32 s8, $0xFFFFF086  }
0x1c: {  	p1 =	slt.u32 s9, $0xF7A;
	s5 =	simm.s32 @!p2 $0x0  }
0x1d: {  	s5 =	simm.s32 @p1 $0x1;
	p0 =	seq.s32 s7, s2  }
0x1e: {  	s7 =	smul.u32 @!p0 $0xF7A, s2;
	p2 =	seq.s32 @!p0 s5, $0x0  }
0x1f: {  	s9 =	smul.u32 $0xF7A, s1;
	s8 =	simm.s32 @!p0 $0x1BF5;
	p2 =	por !p2, p0  }
0x20: {  	[sflag:s8] =	ssyncset.s32 @!p0 $0xFFFFF086;
	s6 =	sadd.s32 @!p0 s3, s7;
	s7 =	simm.s32 @!p0 $0x108  }
0x21: {  	s3 =	sadd.s32 s3, s9;
	s6 =	sadd.s32 @!p0 $0x88, s6;
	s7 =	simm.s32 @p2 $0x1082  }
0x22: {  	[simem:s7], [sflag:s8] =	dma.local @!p0 [hbm:s6], $0xF7A  }
0x23: {  	s9 =	sor.u32 $0xD0000000, s2;
	s6 =	simm.s32 $0x108;
	_ =	swait.ge @!p0 [sflag:s8], $0x0  }
0x24: {  	s3 =	sadd.s32 $0x88, s3;
	s6 =	simm.s32 @!p1 $0x1082;
	[sflag:s4] =	ssyncset.s32 $0xFFFFF086  }
0x25: {  	[simem:s6], [sflag:s4] =	dma.local [hbm:s3], $0xF7A  }
0x26: {  	[smem:$0x3F95] =	sst s1;
	(tag) =	ssettag s2;
	_ =	strace s9  }
0x27: {  	s1 =	sld [smem:$0x3FA5]  }
0x28: {  	s2 =	sld [smem:$0x3FA6]  }
0x29: {  	s4 =	sld [smem:$0x3FA8]  }
0x2a: {  	p0 =	seq.s32 s5, $0x0;
	s5 =	sld [smem:$0x3FA9]  }
0x2b: {  	s6 =	sld [smem:$0x3FAA]  }
0x2c: {  	s7 =	sld [smem:$0x3FAB]  }
0x2d: {  	s3 =	simm.s32 $0x108;
	s8 =	sld [smem:$0x3FAC]  }
0x2e: {  	s3 =	simm.s32 @!p0 $0x1082;
	s9 =	sld [smem:$0x3FAD]  }
0x2f: {  	lr =	sadd.s32 s0, s3;
	s0 =	sld [smem:$0x3FA4]  }
0x30: {  	s3 =	sld [smem:$0x3FA7]  }
0x31: {  	[smem:$0x3FB0] =	sst s10  }
0x32: {  	s10 =	sld [smem:$0x3FAE];
	_ =	sdelay $0x3  }
0x33: {  	p0 =	seq.s32 s10, $0x1;
	s10 =	sld [smem:$0x3FB0];
	_ =	sdelay $0x3  }
0x34: {  	[smem:$0x3FB0] =	sst s10  }
0x35: {  	s10 =	sld [smem:$0x3FAF];
	_ =	sdelay $0x3  }
0x36: {  	p1 =	seq.s32 s10, $0x1;
	s10 =	sld [smem:$0x3FB0];
	_ =	sdelay $0x3  }
0x37: {  	[smem:$0x3FB0] =	sst s10  }
0x38: {  	s10 =	sld [smem:$0x3FB1]  }
0x39: {  	_ = 	snop;
	(pc) =	sbr.ind lr, $3  }
0x3a: {  	_ = 	snop  }
0x3b: {  	_ = 	snop  }
0x3c: {  	p2 =	seq.s32 s10, $0x1;
	s10 =	sld [smem:$0x3FB0]  }
0x3d: {  	_ =	shalt  }
0x3e: {  	_ =	shalt  }
0x3f: {  	_ =	shalt  }
0x40: {  	_ =	shalt  }
0x41: {  	_ =	shalt  }
0x42: {  	_ =	shalt  }
0x43: {  	_ =	shalt  }
0x44: {  	_ =	shalt  }
0x45: {  	_ =	shalt  }
0x46: {  	_ =	shalt  }
0x47: {  	_ =	shalt  }
0x48: {  	_ =	shalt  }
0x49: {  	_ =	shalt  }
0x4a: {  	_ =	shalt  }
0x4b: {  	_ =	shalt  }
0x4c: {  	_ =	shalt  }
0x4d: {  	_ =	shalt  }
0x4e: {  	_ =	shalt  }
0x4f: {  	_ =	shalt  }
0x50: {  	_ =	shalt  }
0x51: {  	_ =	shalt  }
0x52: {  	_ =	shalt  }
0x53: {  	_ =	shalt  }
0x54: {  	_ =	shalt  }
0x55: {  	_ =	shalt  }
0x56: {  	_ =	shalt  }
0x57: {  	_ =	shalt  }
0x58: {  	_ =	shalt  }
0x59: {  	_ =	shalt  }
0x5a: {  	_ =	shalt  }
0x5b: {  	_ =	shalt  }
0x5c: {  	_ =	shalt  }
0x5d: {  	_ =	shalt  }
0x5e: {  	_ =	shalt  }
0x5f: {  	_ =	shalt  }
0x60: {  	_ =	shalt  }
0x61: {  	_ =	shalt  }
0x62: {  	_ =	shalt  }
0x63: {  	_ =	shalt  }
0x64: {  	_ =	shalt  }
0x65: {  	_ =	shalt  }
0x66: {  	_ =	shalt  }
0x67: {  	_ =	shalt  }
0x68: {  	_ =	shalt  }
0x69: {  	_ =	shalt  }
0x6a: {  	_ =	shalt  }
0x6b: {  	_ =	shalt  }
0x6c: {  	_ =	shalt  }
0x6d: {  	_ =	shalt  }
0x6e: {  	_ =	shalt  }
0x6f: {  	_ =	shalt  }
0x70: {  	_ =	shalt  }
0x71: {  	_ =	shalt  }
0x72: {  	_ =	shalt  }
0x73: {  	_ =	shalt  }
0x74: {  	_ =	shalt  }
0x75: {  	_ =	shalt  }
0x76: {  	_ =	shalt  }
0x77: {  	_ =	shalt  }
0x78: {  	_ =	shalt  }
0x79: {  	_ =	shalt  }
0x7a: {  	_ =	shalt  }
0x7b: {  	_ =	shalt  }
0x7c: {  	_ =	shalt  }
0x7d: {  	_ =	shalt  }
0x7e: {  	_ =	shalt  }
0x7f: {  	_ =	shalt  }
0x80: {  	_ =	shalt  }
0x81: {  	_ =	shalt  }
0x82: {  	_ =	shalt  }
0x83: {  	_ =	shalt  }
0x84: {  	_ =	shalt  }
0x85: {  	_ =	shalt  }
0x86: {  	_ =	shalt  }
0x87: {  	_ =	shalt  }
.Lfunc_end0:
.L_simem_size_0:
called_computation.1_lowered:
.L_overlay_start_0:
0x88: {  	s2 =	sld [smem:$0x3FD9]  }
0x89: {  	s3 =	sld [smem:$0x3FFE];
	_ =	sdelay $0x1  }
0x8a: {  	s1 =	srdreg.scid  }
0x8b: {  	s0 =	sand.u32 $0x1, s1  }
0x8c: {  	s17 =	sshll.u32 s0, $0xA;
	s2 =	sadd.s32 s3, s2  }
0x8d: {  	s2 =	sadd.s32 s2, s17  }
0x8e: {  	[smem:$0x3FBC] =	sst s2  }
0x8f: {  	_ = 	snop  }
0x90: {  	(tm) =	ssettm $0x1  }
0x91: {  	s18 =	sld [smem:$0x3FFB];
	_ =	sdelay $0x3  }
0x92: {  	_ =	strace s18  }
0x93: {  	s2 =	sld [smem:$0x3FFC];
	_ =	sdelay $0x3  }
0x94: {  	_ =	strace s2  }
0x95: {  	s2 =	sld [smem:$0x3FFD];
	_ =	sdelay $0x3  }
0x96: {  	_ =	strace s2  }
0x97: {  	_ =	strace $0x8FFFFFFF  }
0x98: {  	s19 =	sld [smem:$0x3FDB];
	_ =	sdelay $0x1  }
0x99: {  	s20 =	simm.s32 $_scs_section_size  }
0x9a: {  	s4 =	simm.s32 $_size__tile_overlayer_lowered;
	s5 =	simm.s32 $_tile_overlayer_lowered  }
0x9b: {  	s6 =	simm.s32 $0x1BFF;
	s21 =	sshll.u32 s5, $0x1;
	s3 =	sadd.s32 s20, s19  }
0x9c: {  	s22 =	simm.s32 $0x0;
	s4 =	sshll.u32 s4, $0x1;
	s5 =	sadd.s32 s21, s3  }
0x9d: {  	[timem:s22], [sflag:s6] =	dma.local [hbm:s5], s4  }
0x9e: {  	_ =	swait.ge [sflag:s6], s4  }
0x9f: {  	s4 =	ssub.s32 $0x0, s4;
	[sflag:s6] =	ssyncset.done $0x0  }
0xa0: {  	[sflag:s6] =	ssyncadd.s32 s4;
	_ =	sdelay $0x1  }
0xa1: {  	s23 =	simm.s32 $0x1B8B  }
0xa2: {  	_ =	swait.ge [sflag:s23], $0x1  }
0xa3: {  	[sflag:s23] =	ssyncset.done $0x0  }
0xa4: {  	[sflag:s23] =	ssyncadd.s32 $0xFFFFFFFF  }
0xa5: {  	s4 =	sld [smem:$0x0]  }
0xa6: {  	s5 =	sand.u32 $0xFFFFFFFE, s1  }
0xa7: {  	p0 =	sne.s32 s1, s5  }
0xa8: {  	s5 =	sshll.u32 @p0 s5, $0xE  }
0xa9: {  	s5 =	sadd.s32 @p0 $0x11B8D, s5;
	s6 =	sshll.u32 @p0 s4, $0x11  }
0xaa: {  	s5 =	sor.u32 @p0 s6, s5  }
0xab: {  	[sflag:s5] =	ssyncadd.remote.s32 @p0 $0x1;
	_ =	sdelay $0x1  }
0xac: {  	s5 =	simm.s32 @p0 $0x1B8D  }
0xad: {  	_ =	swait.eq @p0 [sflag:s5], $0x1  }
0xae: {  	[sflag:s5] =	ssyncadd.s32 @p0 $0xFFFFFFFF  }
0xaf: {  	s6 =	sshll.u32 @!p0 s1, $0xE  }
0xb0: {  	s6 =	sor.u32 @!p0 $0x4000, s6;
	s5 =	simm.s32 @!p0 $0x1B8D  }
0xb1: {  	s4 =	sshll.u32 @!p0 s4, $0x11;
	s6 =	sadd.s32 @!p0 $0x11B8D, s6;
	_ =	swait.eq @!p0 [sflag:s5], $0x1  }
0xb2: {  	s4 =	sor.u32 @!p0 s4, s6;
	[sflag:s5] =	ssyncadd.s32 @!p0 $0xFFFFFFFF  }
0xb3: {  	s25 =	simm.s32 $0x1B8E;
	s24 =	sld [smem:$0x3FFE];
	[sflag:s4] =	ssyncadd.remote.s32 @!p0 $0x1  }
0xb4: {  	s26 =	simm.s32 $execute0_lowered;
	[smem:$0x3FD2] =	sst s25  }
0xb5: {  	s5 =	sshll.u32 s26, $0x1;
	_ =	strace $0x80000049;
	[dreg:$0x1] =	wrdreg $0xFFFFFFFF  }
0xb6: {  	s28 =	simm.s32 $_size_execute0_lowered;
	s3 =	sadd.s32 s3, s5;
	[dreg:$0x0] =	wrdreg $0x0  }
0xb7: {  	s5 =	sshll.u32 s28, $0x1;
	[dreg:$0x2] =	wrdreg s3  }
0xb8: {  	[dreg:$0x3] =	wrdreg s5  }
0xb9: {  	[dreg:$0x4] =	wrdreg $0xC0  }
0xba: {  	_ =	task [dreg:s22], $0x5FFFF  }
0xbb: {  	[dreg:$0x1] =	wrdreg $0xFFFFFFFF  }
0xbc: {  	[dreg:$0x0] =	wrdreg $0x60  }
0xbd: {  	[dreg:$0x2] =	wrdreg s24  }
0xbe: {  	[dreg:$0x3] =	wrdreg $0xA  }
0xbf: {  	_ =	task.clear_ibuf [dreg:s22], $0x4FFFF;
	_ =	strace $0x90000049  }
0xc0: {  	s29 =	simm.s32 $0xA;
	_ =	strace $0x8000004B  }
0xc1: {  	_ =	swait.ge [sflag:s29], $0x1  }
0xc2: {  	[sflag:s29] =	ssyncadd.s32 $0xFFFFFFFF  }
0xc3: {  	_ =	strace $0x9000004B  }
0xc4: {  	_ =	sfence  }
0xc5: {  	s30 =	sld [smem:$0x0];
	_ =	sdelay $0x2  }
0xc6: {  	s31 =	sshll.u32 s1, $0xD;
	s1 =	sshrl.u32 s1, $0x2  }
0xc7: {  	s4 =	sand.u32 $0x4000, s31;
	s1 =	sadd.s32 s1, s30  }
0xc8: {  	s0 =	sor.u32 s4, s0;
	s1 =	sshll.u32 s1, $0x11  }
0xc9: {  	s0 =	sor.u32 s1, s0  }
0xca: {  	s0 =	sadd.s32 $0x8F2B, s0  }
0xcb: {  	[sflag:s0] =	ssyncadd.remote.s32 $0x1  }
0xcc: {  	_ =	sfence.sel $0xFFFF  }
0xcd: {  	[dreg:$0x0] =	wrdreg $0xFFFFFFFF;
	(pc) =	sbr.abs _section_cstart, $3  }
0xce: {  	[dreg:$0x1] =	wrdreg $0xFFFFFFFF  }
0xcf: {  	_ =	task.clear_ibuf [dreg:s22], $0x2FFFF;
	_ =	strace $0x9FFFFFFF  }
0xd0: {  	(tm) =	ssettm $0x7FFFFFFF  }
0xd1: {  	_ =	shalt  }
tec
execute0_lowered:
.L_overlay_start_1:
0x0: {  	(tag) =	ssettag $0x1  }
0x1: {  	s1 =	srdreg.scid;
	s0 =	stileid.u32  }
0x2: {  	s30 =	sand.u32 $0x1, s1;
	s26 =	sshll.u32 s0, $0x1  }
0x3: {  	s1 =	sor.u32 s30, s26  }
0x4: {  	s31 =	smul.u32 $0x600, s1;
	_ =	sdelay $0x1  }
0x5: {  	s29 =	rddreg [dreg:$0x0];
	s2 =	simm.s32 $0x0;
	s3 =	sshrl.u32 s31, $0x3  }
0x6: {  	[smem:$0x7FF] =	sst s2;
	s3 =	sadd.s32 s29, s3  }
0x7: {  	_ =	strace $0x8000004A;
	[dreg:$0x2] =	wrdreg s3  }
0x8: {  	s3 =	simm.s32 $0x2;
	s4 =	rddreg [dreg:$0x2]  }
0x9: {  	[tilespmem:s2], [sflag:$0x2] =	stream.linear.gather [hbm4b:s4+s2], $0x80, $0x38;
	[tilespmem:$0x4080] =	vst v63  }
0xa: {  	_ =	swait.ge [sflag:s3], $0x80  }
0xb: {  	s5 =	simm.s32 $0x80;
	[sflag:s3] =	ssyncset.done $0x0  }
0xc: {  	s6 =	simm.s32 $0x1;
	s4 =	sadd.s32 $0x800000, s29;
	[sflag:s3] =	ssyncadd.s32 $0xFFFFFF80  }
0xd: {  	[tilespmem:s5], [sflag:$0x1] =	stream.indirect.gather [hbm4b:s4+s5], $0x80, s2, s5, $0xb8;
	[tilespmem:$0x4080] =	vst v63  }
0xe: {  	s7 =	smul.u32 $0x6000, s1;
	_ =	swait.ge [sflag:s6], $0x4000  }
0xf: {  	s1 =	sadd.s32 $0x1800, s29;
	[sflag:s6] =	ssyncset.done $0x0  }
0x10: {  	s7 =	sadd.s32 s1, s7;
	[sflag:s6] =	ssyncadd.s32 $0xFFFFC000  }
0x11: {  	[hbm4b:s7+s2] =	stream.linear.scatter [tilespmem:s5], [sflag:$0x2], $0x4000, $0x38;
	[tilespmem:$0x4080] =	vst v63  }
0x12: {  	s9 =	sor.u32 $0x80, s31;
	_ =	swait.ge [sflag:s3], $0x4000  }
0x13: {  	s8 =	sshrl.u32 s9, $0x3;
	[sflag:s3] =	ssyncset.done $0x0  }
0x14: {  	s8 =	sadd.s32 s29, s8;
	[sflag:s3] =	ssyncadd.s32 $0xFFFFC000  }
0x15: {  	[tilespmem:s2], [sflag:$0x2] =	stream.linear.gather [hbm4b:s8+s2], $0x80, $0x38;
	[tilespmem:$0x4080] =	vst v63  }
0x16: {  	_ =	swait.ge [sflag:s3], $0x80  }
0x17: {  	[sflag:s3] =	ssyncset.done $0x0  }
0x18: {  	[sflag:s3] =	ssyncadd.s32 $0xFFFFFF80  }
0x19: {  	[tilespmem:s5], [sflag:$0x1] =	stream.indirect.gather [hbm4b:s4+s5], $0x80, s2, s5, $0xb8;
	[tilespmem:$0x4080] =	vst v63  }
0x1a: {  	_ =	swait.ge [sflag:s6], $0x4000  }
0x1b: {  	s9 =	sshll.u32 s9, $0x4;
	[sflag:s6] =	ssyncset.done $0x0  }
0x1c: {  	s9 =	sadd.s32 s1, s9;
	[sflag:s6] =	ssyncadd.s32 $0xFFFFC000  }
0x1d: {  	[hbm4b:s9+s2] =	stream.linear.scatter [tilespmem:s5], [sflag:$0x2], $0x4000, $0x38;
	[tilespmem:$0x4080] =	vst v63  }
0x1e: {  	s11 =	sor.u32 $0x100, s31;
	_ =	swait.ge [sflag:s3], $0x4000  }
0x1f: {  	s10 =	sshrl.u32 s11, $0x3;
	[sflag:s3] =	ssyncset.done $0x0  }
0x20: {  	s10 =	sadd.s32 s29, s10;
	[sflag:s3] =	ssyncadd.s32 $0xFFFFC000  }
0x21: {  	[tilespmem:s2], [sflag:$0x2] =	stream.linear.gather [hbm4b:s10+s2], $0x80, $0x38;
	[tilespmem:$0x4080] =	vst v63  }
0x22: {  	_ =	swait.ge [sflag:s3], $0x80  }
0x23: {  	[sflag:s3] =	ssyncset.done $0x0  }
0x24: {  	[sflag:s3] =	ssyncadd.s32 $0xFFFFFF80  }
0x25: {  	[tilespmem:s5], [sflag:$0x1] =	stream.indirect.gather [hbm4b:s4+s5], $0x80, s2, s5, $0xb8;
	[tilespmem:$0x4080] =	vst v63  }
0x26: {  	_ =	swait.ge [sflag:s6], $0x4000  }
0x27: {  	s11 =	sshll.u32 s11, $0x4;
	[sflag:s6] =	ssyncset.done $0x0  }
0x28: {  	s11 =	sadd.s32 s1, s11;
	[sflag:s6] =	ssyncadd.s32 $0xFFFFC000  }
0x29: {  	[hbm4b:s11+s2] =	stream.linear.scatter [tilespmem:s5], [sflag:$0x2], $0x4000, $0x38;
	[tilespmem:$0x4080] =	vst v63  }
0x2a: {  	s13 =	sor.u32 $0x180, s31;
	_ =	swait.ge [sflag:s3], $0x4000  }
0x2b: {  	s12 =	sshrl.u32 s13, $0x3;
	[sflag:s3] =	ssyncset.done $0x0  }
0x2c: {  	s12 =	sadd.s32 s29, s12;
	[sflag:s3] =	ssyncadd.s32 $0xFFFFC000  }
0x2d: {  	[tilespmem:s2], [sflag:$0x2] =	stream.linear.gather [hbm4b:s12+s2], $0x80, $0x38;
	[tilespmem:$0x4080] =	vst v63  }
0x2e: {  	_ =	swait.ge [sflag:s3], $0x80  }
0x2f: {  	[sflag:s3] =	ssyncset.done $0x0  }
0x30: {  	[sflag:s3] =	ssyncadd.s32 $0xFFFFFF80  }
0x31: {  	[tilespmem:s5], [sflag:$0x1] =	stream.indirect.gather [hbm4b:s4+s5], $0x80, s2, s5, $0xb8;
	[tilespmem:$0x4080] =	vst v63  }
0x32: {  	_ =	swait.ge [sflag:s6], $0x4000  }
0x33: {  	s13 =	sshll.u32 s13, $0x4;
	[sflag:s6] =	ssyncset.done $0x0  }
0x34: {  	s13 =	sadd.s32 s1, s13;
	[sflag:s6] =	ssyncadd.s32 $0xFFFFC000  }
0x35: {  	[hbm4b:s13+s2] =	stream.linear.scatter [tilespmem:s5], [sflag:$0x2], $0x4000, $0x38;
	[tilespmem:$0x4080] =	vst v63  }
0x36: {  	s15 =	sadd.s32 $0x200, s31;
	_ =	swait.ge [sflag:s3], $0x4000  }
0x37: {  	s14 =	sshrl.u32 s15, $0x3;
	[sflag:s3] =	ssyncset.done $0x0  }
0x38: {  	s14 =	sadd.s32 s29, s14;
	[sflag:s3] =	ssyncadd.s32 $0xFFFFC000  }
0x39: {  	[tilespmem:s2], [sflag:$0x2] =	stream.linear.gather [hbm4b:s14+s2], $0x80, $0x38;
	[tilespmem:$0x4080] =	vst v63  }
0x3a: {  	_ =	swait.ge [sflag:s3], $0x80  }
0x3b: {  	[sflag:s3] =	ssyncset.done $0x0  }
0x3c: {  	[sflag:s3] =	ssyncadd.s32 $0xFFFFFF80  }
0x3d: {  	[tilespmem:s5], [sflag:$0x1] =	stream.indirect.gather [hbm4b:s4+s5], $0x80, s2, s5, $0xb8;
	[tilespmem:$0x4080] =	vst v63  }
0x3e: {  	_ =	swait.ge [sflag:s6], $0x4000  }
0x3f: {  	s15 =	sshll.u32 s15, $0x4;
	[sflag:s6] =	ssyncset.done $0x0  }
0x40: {  	s15 =	sadd.s32 s1, s15;
	[sflag:s6] =	ssyncadd.s32 $0xFFFFC000  }
0x41: {  	[hbm4b:s15+s2] =	stream.linear.scatter [tilespmem:s5], [sflag:$0x2], $0x4000, $0x38;
	[tilespmem:$0x4080] =	vst v63  }
0x42: {  	s17 =	sadd.s32 $0x280, s31;
	_ =	swait.ge [sflag:s3], $0x4000  }
0x43: {  	s16 =	sshrl.u32 s17, $0x3;
	[sflag:s3] =	ssyncset.done $0x0  }
0x44: {  	s16 =	sadd.s32 s29, s16;
	[sflag:s3] =	ssyncadd.s32 $0xFFFFC000  }
0x45: {  	[tilespmem:s2], [sflag:$0x2] =	stream.linear.gather [hbm4b:s16+s2], $0x80, $0x38;
	[tilespmem:$0x4080] =	vst v63  }
0x46: {  	_ =	swait.ge [sflag:s3], $0x80  }
0x47: {  	[sflag:s3] =	ssyncset.done $0x0  }
0x48: {  	[sflag:s3] =	ssyncadd.s32 $0xFFFFFF80  }
0x49: {  	[tilespmem:s5], [sflag:$0x1] =	stream.indirect.gather [hbm4b:s4+s5], $0x80, s2, s5, $0xb8;
	[tilespmem:$0x4080] =	vst v63  }
0x4a: {  	_ =	swait.ge [sflag:s6], $0x4000  }
0x4b: {  	s17 =	sshll.u32 s17, $0x4;
	[sflag:s6] =	ssyncset.done $0x0  }
0x4c: {  	s17 =	sadd.s32 s1, s17;
	[sflag:s6] =	ssyncadd.s32 $0xFFFFC000  }
0x4d: {  	[hbm4b:s17+s2] =	stream.linear.scatter [tilespmem:s5], [sflag:$0x2], $0x4000, $0x38;
	[tilespmem:$0x4080] =	vst v63  }
0x4e: {  	s19 =	sadd.s32 $0x300, s31;
	_ =	swait.ge [sflag:s3], $0x4000  }
0x4f: {  	s18 =	sshrl.u32 s19, $0x3;
	[sflag:s3] =	ssyncset.done $0x0  }
0x50: {  	s18 =	sadd.s32 s29, s18;
	[sflag:s3] =	ssyncadd.s32 $0xFFFFC000  }
0x51: {  	[tilespmem:s2], [sflag:$0x2] =	stream.linear.gather [hbm4b:s18+s2], $0x80, $0x38;
	[tilespmem:$0x4080] =	vst v63  }
0x52: {  	_ =	swait.ge [sflag:s3], $0x80  }
0x53: {  	[sflag:s3] =	ssyncset.done $0x0  }
0x54: {  	[sflag:s3] =	ssyncadd.s32 $0xFFFFFF80  }
0x55: {  	[tilespmem:s5], [sflag:$0x1] =	stream.indirect.gather [hbm4b:s4+s5], $0x80, s2, s5, $0xb8;
	[tilespmem:$0x4080] =	vst v63  }
0x56: {  	_ =	swait.ge [sflag:s6], $0x4000  }
0x57: {  	s19 =	sshll.u32 s19, $0x4;
	[sflag:s6] =	ssyncset.done $0x0  }
0x58: {  	s19 =	sadd.s32 s1, s19;
	[sflag:s6] =	ssyncadd.s32 $0xFFFFC000  }
0x59: {  	[hbm4b:s19+s2] =	stream.linear.scatter [tilespmem:s5], [sflag:$0x2], $0x4000, $0x38;
	[tilespmem:$0x4080] =	vst v63  }
0x5a: {  	s21 =	sadd.s32 $0x380, s31;
	_ =	swait.ge [sflag:s3], $0x4000  }
0x5b: {  	s20 =	sshrl.u32 s21, $0x3;
	[sflag:s3] =	ssyncset.done $0x0  }
0x5c: {  	s20 =	sadd.s32 s29, s20;
	[sflag:s3] =	ssyncadd.s32 $0xFFFFC000  }
0x5d: {  	[tilespmem:s2], [sflag:$0x2] =	stream.linear.gather [hbm4b:s20+s2], $0x80, $0x38;
	[tilespmem:$0x4080] =	vst v63  }
0x5e: {  	_ =	swait.ge [sflag:s3], $0x80  }
0x5f: {  	[sflag:s3] =	ssyncset.done $0x0  }
0x60: {  	[sflag:s3] =	ssyncadd.s32 $0xFFFFFF80  }
0x61: {  	[tilespmem:s5], [sflag:$0x1] =	stream.indirect.gather [hbm4b:s4+s5], $0x80, s2, s5, $0xb8;
	[tilespmem:$0x4080] =	vst v63  }
0x62: {  	_ =	swait.ge [sflag:s6], $0x4000  }
0x63: {  	s21 =	sshll.u32 s21, $0x4;
	[sflag:s6] =	ssyncset.done $0x0  }
0x64: {  	s21 =	sadd.s32 s1, s21;
	[sflag:s6] =	ssyncadd.s32 $0xFFFFC000  }
0x65: {  	[hbm4b:s21+s2] =	stream.linear.scatter [tilespmem:s5], [sflag:$0x2], $0x4000, $0x38;
	[tilespmem:$0x4080] =	vst v63  }
0x66: {  	s23 =	sadd.s32 $0x400, s31;
	_ =	swait.ge [sflag:s3], $0x4000  }
0x67: {  	s22 =	sshrl.u32 s23, $0x3;
	[sflag:s3] =	ssyncset.done $0x0  }
0x68: {  	s22 =	sadd.s32 s29, s22;
	[sflag:s3] =	ssyncadd.s32 $0xFFFFC000  }
0x69: {  	[tilespmem:s2], [sflag:$0x2] =	stream.linear.gather [hbm4b:s22+s2], $0x80, $0x38;
	[tilespmem:$0x4080] =	vst v63  }
0x6a: {  	_ =	swait.ge [sflag:s3], $0x80  }
0x6b: {  	[sflag:s3] =	ssyncset.done $0x0  }
0x6c: {  	[sflag:s3] =	ssyncadd.s32 $0xFFFFFF80  }
0x6d: {  	[tilespmem:s5], [sflag:$0x1] =	stream.indirect.gather [hbm4b:s4+s5], $0x80, s2, s5, $0xb8;
	[tilespmem:$0x4080] =	vst v63  }
0x6e: {  	_ =	swait.ge [sflag:s6], $0x4000  }
0x6f: {  	s23 =	sshll.u32 s23, $0x4;
	[sflag:s6] =	ssyncset.done $0x0  }
0x70: {  	s23 =	sadd.s32 s1, s23;
	[sflag:s6] =	ssyncadd.s32 $0xFFFFC000  }
0x71: {  	[hbm4b:s23+s2] =	stream.linear.scatter [tilespmem:s5], [sflag:$0x2], $0x4000, $0x38;
	[tilespmem:$0x4080] =	vst v63  }
0x72: {  	s25 =	sadd.s32 $0x480, s31;
	_ =	swait.ge [sflag:s3], $0x4000  }
0x73: {  	s24 =	sshrl.u32 s25, $0x3;
	[sflag:s3] =	ssyncset.done $0x0  }
0x74: {  	s24 =	sadd.s32 s29, s24;
	[sflag:s3] =	ssyncadd.s32 $0xFFFFC000  }
0x75: {  	[tilespmem:s2], [sflag:$0x2] =	stream.linear.gather [hbm4b:s24+s2], $0x80, $0x38;
	[tilespmem:$0x4080] =	vst v63  }
0x76: {  	_ =	swait.ge [sflag:s3], $0x80  }
0x77: {  	[sflag:s3] =	ssyncset.done $0x0  }
0x78: {  	[sflag:s3] =	ssyncadd.s32 $0xFFFFFF80  }
0x79: {  	[tilespmem:s5], [sflag:$0x1] =	stream.indirect.gather [hbm4b:s4+s5], $0x80, s2, s5, $0xb8;
	[tilespmem:$0x4080] =	vst v63  }
0x7a: {  	_ =	swait.ge [sflag:s6], $0x4000  }
0x7b: {  	s25 =	sshll.u32 s25, $0x4;
	[sflag:s6] =	ssyncset.done $0x0  }
0x7c: {  	s25 =	sadd.s32 s1, s25;
	[sflag:s6] =	ssyncadd.s32 $0xFFFFC000  }
0x7d: {  	[hbm4b:s25+s2] =	stream.linear.scatter [tilespmem:s5], [sflag:$0x2], $0x4000, $0x38;
	[tilespmem:$0x4080] =	vst v63  }
0x7e: {  	s28 =	sadd.s32 $0x500, s31;
	_ =	swait.ge [sflag:s3], $0x4000  }
0x7f: {  	s26 =	sshrl.u32 s28, $0x3;
	[sflag:s3] =	ssyncset.done $0x0  }
0x80: {  	s26 =	sadd.s32 s29, s26;
	[sflag:s3] =	ssyncadd.s32 $0xFFFFC000  }
0x81: {  	[tilespmem:s2], [sflag:$0x2] =	stream.linear.gather [hbm4b:s26+s2], $0x80, $0x38;
	[tilespmem:$0x4080] =	vst v63  }
0x82: {  	_ =	swait.ge [sflag:s3], $0x80  }
0x83: {  	[sflag:s3] =	ssyncset.done $0x0  }
0x84: {  	[sflag:s3] =	ssyncadd.s32 $0xFFFFFF80  }
0x85: {  	[tilespmem:s5], [sflag:$0x1] =	stream.indirect.gather [hbm4b:s4+s5], $0x80, s2, s5, $0xb8;
	[tilespmem:$0x4080] =	vst v63  }
0x86: {  	_ =	swait.ge [sflag:s6], $0x4000  }
0x87: {  	s28 =	sshll.u32 s28, $0x4;
	[sflag:s6] =	ssyncset.done $0x0  }
0x88: {  	s31 =	sadd.s32 $0x580, s31;
	s28 =	sadd.s32 s1, s28;
	[sflag:s6] =	ssyncadd.s32 $0xFFFFC000  }
0x89: {  	[hbm4b:s28+s2] =	stream.linear.scatter [tilespmem:s5], [sflag:$0x2], $0x4000, $0x38;
	[tilespmem:$0x4080] =	vst v63  }
0x8a: {  	s0 =	sshrl.u32 s31, $0x3;
	_ =	swait.ge [sflag:s3], $0x4000  }
0x8b: {  	s29 =	sadd.s32 s29, s0;
	s0 =	ssub.s32 $0x2, s30;
	[sflag:s3] =	ssyncset.done $0x0  }
0x8c: {  	s30 =	sshrl.u32 s0, $0x1;
	[sflag:s3] =	ssyncadd.s32 $0xFFFFC000  }
0x8d: {  	[tilespmem:s2], [sflag:$0x2] =	stream.linear.gather [hbm4b:s29+s2], $0x80, $0x38;
	[tilespmem:$0x4080] =	vst v63  }
0x8e: {  	s0 =	ssub.s32 s0, s30;
	_ =	swait.ge [sflag:s3], $0x80  }
0x8f: {  	s0 =	smax.u32 s0, $0x1;
	[sflag:s3] =	ssyncset.done $0x0  }
0x90: {  	p0 =	sne.s32 s0, $0x1;
	[sflag:s3] =	ssyncadd.s32 $0xFFFFFF80  }
0x91: {  	[tilespmem:s5], [sflag:$0x1] =	stream.indirect.gather [hbm4b:s4+s5], $0x80, s2, s5, $0xb8;
	[tilespmem:$0x4080] =	vst v63  }
.Ltmp0:
0x92: {  	_ =	swait.ge [sflag:s6], $0x4000;
	(pc) =	sbr.rel @!p0 .LBB2_2-.Ltmp0, $4  }
0x93: {  	s30 =	sshll.u32 s31, $0x4;
	[sflag:s6] =	ssyncset.done $0x0  }
0x94: {  	s30 =	sadd.s32 s1, s30;
	[sflag:s6] =	ssyncadd.s32 $0xFFFFC000  }
0x95: {  	[hbm4b:s30+s2] =	stream.linear.scatter [tilespmem:s5], [sflag:$0x2], $0x4000, $0x38;
	[tilespmem:$0x4080] =	vst v63  }
0x96: {  	s31 =	sadd.s32 $0xFFFFFFFF, s0;
	_ =	swait.ge [sflag:s3], $0x4000  }
.LBB2_1:
0x97: {  	[sflag:s3] =	ssyncset.done $0x0  }
0x98: {  	s0 =	rddreg [dreg:$0x2];
	[sflag:s3] =	ssyncadd.s32 $0xFFFFC000  }
0x99: {  	[tilespmem:s2], [sflag:$0x2] =	stream.linear.gather [hbm4b:s0+s2], $0x80, $0x38;
	[tilespmem:$0x4080] =	vst v63  }
0x9a: {  	_ =	swait.ge [sflag:s3], $0x80  }
0x9b: {  	[sflag:s3] =	ssyncset.done $0x0  }
0x9c: {  	[sflag:s3] =	ssyncadd.s32 $0xFFFFFF80  }
0x9d: {  	[tilespmem:s5], [sflag:$0x1] =	stream.indirect.gather [hbm4b:s4+s5], $0x80, s2, s5, $0xb8;
	[tilespmem:$0x4080] =	vst v63  }
0x9e: {  	_ =	swait.ge [sflag:s6], $0x4000  }
0x9f: {  	[sflag:s6] =	ssyncset.done $0x0  }
0xa0: {  	[sflag:s6] =	ssyncadd.s32 $0xFFFFC000  }
0xa1: {  	[hbm4b:s7+s2] =	stream.linear.scatter [tilespmem:s5], [sflag:$0x2], $0x4000, $0x38;
	[tilespmem:$0x4080] =	vst v63  }
0xa2: {  	_ =	swait.ge [sflag:s3], $0x4000  }
0xa3: {  	[sflag:s3] =	ssyncset.done $0x0  }
0xa4: {  	[sflag:s3] =	ssyncadd.s32 $0xFFFFC000  }
0xa5: {  	[tilespmem:s2], [sflag:$0x2] =	stream.linear.gather [hbm4b:s8+s2], $0x80, $0x38;
	[tilespmem:$0x4080] =	vst v63  }
0xa6: {  	_ =	swait.ge [sflag:s3], $0x80  }
0xa7: {  	[sflag:s3] =	ssyncset.done $0x0  }
0xa8: {  	[sflag:s3] =	ssyncadd.s32 $0xFFFFFF80  }
0xa9: {  	[tilespmem:s5], [sflag:$0x1] =	stream.indirect.gather [hbm4b:s4+s5], $0x80, s2, s5, $0xb8;
	[tilespmem:$0x4080] =	vst v63  }
0xaa: {  	_ =	swait.ge [sflag:s6], $0x4000  }
0xab: {  	[sflag:s6] =	ssyncset.done $0x0  }
0xac: {  	[sflag:s6] =	ssyncadd.s32 $0xFFFFC000  }
0xad: {  	[hbm4b:s9+s2] =	stream.linear.scatter [tilespmem:s5], [sflag:$0x2], $0x4000, $0x38;
	[tilespmem:$0x4080] =	vst v63  }
0xae: {  	_ =	swait.ge [sflag:s3], $0x4000  }
0xaf: {  	[sflag:s3] =	ssyncset.done $0x0  }
0xb0: {  	[sflag:s3] =	ssyncadd.s32 $0xFFFFC000  }
0xb1: {  	[tilespmem:s2], [sflag:$0x2] =	stream.linear.gather [hbm4b:s10+s2], $0x80, $0x38;
	[tilespmem:$0x4080] =	vst v63  }
0xb2: {  	_ =	swait.ge [sflag:s3], $0x80  }
0xb3: {  	[sflag:s3] =	ssyncset.done $0x0  }
0xb4: {  	[sflag:s3] =	ssyncadd.s32 $0xFFFFFF80  }
0xb5: {  	[tilespmem:s5], [sflag:$0x1] =	stream.indirect.gather [hbm4b:s4+s5], $0x80, s2, s5, $0xb8;
	[tilespmem:$0x4080] =	vst v63  }
0xb6: {  	_ =	swait.ge [sflag:s6], $0x4000  }
0xb7: {  	[sflag:s6] =	ssyncset.done $0x0  }
0xb8: {  	[sflag:s6] =	ssyncadd.s32 $0xFFFFC000  }
0xb9: {  	[hbm4b:s11+s2] =	stream.linear.scatter [tilespmem:s5], [sflag:$0x2], $0x4000, $0x38;
	[tilespmem:$0x4080] =	vst v63  }
0xba: {  	_ =	swait.ge [sflag:s3], $0x4000  }
0xbb: {  	[sflag:s3] =	ssyncset.done $0x0  }
0xbc: {  	[sflag:s3] =	ssyncadd.s32 $0xFFFFC000  }
0xbd: {  	[tilespmem:s2], [sflag:$0x2] =	stream.linear.gather [hbm4b:s12+s2], $0x80, $0x38;
	[tilespmem:$0x4080] =	vst v63  }
0xbe: {  	_ =	swait.ge [sflag:s3], $0x80  }
0xbf: {  	[sflag:s3] =	ssyncset.done $0x0  }
0xc0: {  	[sflag:s3] =	ssyncadd.s32 $0xFFFFFF80  }
0xc1: {  	[tilespmem:s5], [sflag:$0x1] =	stream.indirect.gather [hbm4b:s4+s5], $0x80, s2, s5, $0xb8;
	[tilespmem:$0x4080] =	vst v63  }
0xc2: {  	_ =	swait.ge [sflag:s6], $0x4000  }
0xc3: {  	[sflag:s6] =	ssyncset.done $0x0  }
0xc4: {  	[sflag:s6] =	ssyncadd.s32 $0xFFFFC000  }
0xc5: {  	[hbm4b:s13+s2] =	stream.linear.scatter [tilespmem:s5], [sflag:$0x2], $0x4000, $0x38;
	[tilespmem:$0x4080] =	vst v63  }
0xc6: {  	_ =	swait.ge [sflag:s3], $0x4000  }
0xc7: {  	[sflag:s3] =	ssyncset.done $0x0  }
0xc8: {  	[sflag:s3] =	ssyncadd.s32 $0xFFFFC000  }
0xc9: {  	[tilespmem:s2], [sflag:$0x2] =	stream.linear.gather [hbm4b:s14+s2], $0x80, $0x38;
	[tilespmem:$0x4080] =	vst v63  }
0xca: {  	_ =	swait.ge [sflag:s3], $0x80  }
0xcb: {  	[sflag:s3] =	ssyncset.done $0x0  }
0xcc: {  	[sflag:s3] =	ssyncadd.s32 $0xFFFFFF80  }
0xcd: {  	[tilespmem:s5], [sflag:$0x1] =	stream.indirect.gather [hbm4b:s4+s5], $0x80, s2, s5, $0xb8;
	[tilespmem:$0x4080] =	vst v63  }
0xce: {  	_ =	swait.ge [sflag:s6], $0x4000  }
0xcf: {  	[sflag:s6] =	ssyncset.done $0x0  }
0xd0: {  	[sflag:s6] =	ssyncadd.s32 $0xFFFFC000  }
0xd1: {  	[hbm4b:s15+s2] =	stream.linear.scatter [tilespmem:s5], [sflag:$0x2], $0x4000, $0x38;
	[tilespmem:$0x4080] =	vst v63  }
0xd2: {  	_ =	swait.ge [sflag:s3], $0x4000  }
0xd3: {  	[sflag:s3] =	ssyncset.done $0x0  }
0xd4: {  	[sflag:s3] =	ssyncadd.s32 $0xFFFFC000  }
0xd5: {  	[tilespmem:s2], [sflag:$0x2] =	stream.linear.gather [hbm4b:s16+s2], $0x80, $0x38;
	[tilespmem:$0x4080] =	vst v63  }
0xd6: {  	_ =	swait.ge [sflag:s3], $0x80  }
0xd7: {  	[sflag:s3] =	ssyncset.done $0x0  }
0xd8: {  	[sflag:s3] =	ssyncadd.s32 $0xFFFFFF80  }
0xd9: {  	[tilespmem:s5], [sflag:$0x1] =	stream.indirect.gather [hbm4b:s4+s5], $0x80, s2, s5, $0xb8;
	[tilespmem:$0x4080] =	vst v63  }
0xda: {  	_ =	swait.ge [sflag:s6], $0x4000  }
0xdb: {  	[sflag:s6] =	ssyncset.done $0x0  }
0xdc: {  	[sflag:s6] =	ssyncadd.s32 $0xFFFFC000  }
0xdd: {  	[hbm4b:s17+s2] =	stream.linear.scatter [tilespmem:s5], [sflag:$0x2], $0x4000, $0x38;
	[tilespmem:$0x4080] =	vst v63  }
0xde: {  	_ =	swait.ge [sflag:s3], $0x4000  }
0xdf: {  	[sflag:s3] =	ssyncset.done $0x0  }
0xe0: {  	[sflag:s3] =	ssyncadd.s32 $0xFFFFC000  }
0xe1: {  	[tilespmem:s2], [sflag:$0x2] =	stream.linear.gather [hbm4b:s18+s2], $0x80, $0x38;
	[tilespmem:$0x4080] =	vst v63  }
0xe2: {  	_ =	swait.ge [sflag:s3], $0x80  }
0xe3: {  	[sflag:s3] =	ssyncset.done $0x0  }
0xe4: {  	[sflag:s3] =	ssyncadd.s32 $0xFFFFFF80  }
0xe5: {  	[tilespmem:s5], [sflag:$0x1] =	stream.indirect.gather [hbm4b:s4+s5], $0x80, s2, s5, $0xb8;
	[tilespmem:$0x4080] =	vst v63  }
0xe6: {  	_ =	swait.ge [sflag:s6], $0x4000  }
0xe7: {  	[sflag:s6] =	ssyncset.done $0x0  }
0xe8: {  	[sflag:s6] =	ssyncadd.s32 $0xFFFFC000  }
0xe9: {  	[hbm4b:s19+s2] =	stream.linear.scatter [tilespmem:s5], [sflag:$0x2], $0x4000, $0x38;
	[tilespmem:$0x4080] =	vst v63  }
0xea: {  	_ =	swait.ge [sflag:s3], $0x4000  }
0xeb: {  	[sflag:s3] =	ssyncset.done $0x0  }
0xec: {  	[sflag:s3] =	ssyncadd.s32 $0xFFFFC000  }
0xed: {  	[tilespmem:s2], [sflag:$0x2] =	stream.linear.gather [hbm4b:s20+s2], $0x80, $0x38;
	[tilespmem:$0x4080] =	vst v63  }
0xee: {  	_ =	swait.ge [sflag:s3], $0x80  }
0xef: {  	[sflag:s3] =	ssyncset.done $0x0  }
0xf0: {  	[sflag:s3] =	ssyncadd.s32 $0xFFFFFF80  }
0xf1: {  	[tilespmem:s5], [sflag:$0x1] =	stream.indirect.gather [hbm4b:s4+s5], $0x80, s2, s5, $0xb8;
	[tilespmem:$0x4080] =	vst v63  }
0xf2: {  	_ =	swait.ge [sflag:s6], $0x4000  }
0xf3: {  	[sflag:s6] =	ssyncset.done $0x0  }
0xf4: {  	[sflag:s6] =	ssyncadd.s32 $0xFFFFC000  }
0xf5: {  	[hbm4b:s21+s2] =	stream.linear.scatter [tilespmem:s5], [sflag:$0x2], $0x4000, $0x38;
	[tilespmem:$0x4080] =	vst v63  }
0xf6: {  	_ =	swait.ge [sflag:s3], $0x4000  }
0xf7: {  	[sflag:s3] =	ssyncset.done $0x0  }
0xf8: {  	[sflag:s3] =	ssyncadd.s32 $0xFFFFC000  }
0xf9: {  	[tilespmem:s2], [sflag:$0x2] =	stream.linear.gather [hbm4b:s22+s2], $0x80, $0x38;
	[tilespmem:$0x4080] =	vst v63  }
0xfa: {  	_ =	swait.ge [sflag:s3], $0x80  }
0xfb: {  	[sflag:s3] =	ssyncset.done $0x0  }
0xfc: {  	[sflag:s3] =	ssyncadd.s32 $0xFFFFFF80  }
0xfd: {  	[tilespmem:s5], [sflag:$0x1] =	stream.indirect.gather [hbm4b:s4+s5], $0x80, s2, s5, $0xb8;
	[tilespmem:$0x4080] =	vst v63  }
0xfe: {  	_ =	swait.ge [sflag:s6], $0x4000  }
0xff: {  	[sflag:s6] =	ssyncset.done $0x0  }
0x100: {  	[sflag:s6] =	ssyncadd.s32 $0xFFFFC000  }
0x101: {  	[hbm4b:s23+s2] =	stream.linear.scatter [tilespmem:s5], [sflag:$0x2], $0x4000, $0x38;
	[tilespmem:$0x4080] =	vst v63  }
0x102: {  	_ =	swait.ge [sflag:s3], $0x4000  }
0x103: {  	[sflag:s3] =	ssyncset.done $0x0  }
0x104: {  	[sflag:s3] =	ssyncadd.s32 $0xFFFFC000  }
0x105: {  	[tilespmem:s2], [sflag:$0x2] =	stream.linear.gather [hbm4b:s24+s2], $0x80, $0x38;
	[tilespmem:$0x4080] =	vst v63  }
0x106: {  	_ =	swait.ge [sflag:s3], $0x80  }
0x107: {  	[sflag:s3] =	ssyncset.done $0x0  }
0x108: {  	[sflag:s3] =	ssyncadd.s32 $0xFFFFFF80  }
0x109: {  	[tilespmem:s5], [sflag:$0x1] =	stream.indirect.gather [hbm4b:s4+s5], $0x80, s2, s5, $0xb8;
	[tilespmem:$0x4080] =	vst v63  }
0x10a: {  	_ =	swait.ge [sflag:s6], $0x4000  }
0x10b: {  	[sflag:s6] =	ssyncset.done $0x0  }
0x10c: {  	[sflag:s6] =	ssyncadd.s32 $0xFFFFC000  }
0x10d: {  	[hbm4b:s25+s2] =	stream.linear.scatter [tilespmem:s5], [sflag:$0x2], $0x4000, $0x38;
	[tilespmem:$0x4080] =	vst v63  }
0x10e: {  	_ =	swait.ge [sflag:s3], $0x4000  }
0x10f: {  	[sflag:s3] =	ssyncset.done $0x0  }
0x110: {  	[sflag:s3] =	ssyncadd.s32 $0xFFFFC000  }
0x111: {  	[tilespmem:s2], [sflag:$0x2] =	stream.linear.gather [hbm4b:s26+s2], $0x80, $0x38;
	[tilespmem:$0x4080] =	vst v63  }
0x112: {  	_ =	swait.ge [sflag:s3], $0x80  }
0x113: {  	[sflag:s3] =	ssyncset.done $0x0  }
0x114: {  	[sflag:s3] =	ssyncadd.s32 $0xFFFFFF80  }
0x115: {  	[tilespmem:s5], [sflag:$0x1] =	stream.indirect.gather [hbm4b:s4+s5], $0x80, s2, s5, $0xb8;
	[tilespmem:$0x4080] =	vst v63  }
0x116: {  	_ =	swait.ge [sflag:s6], $0x4000  }
0x117: {  	[sflag:s6] =	ssyncset.done $0x0  }
0x118: {  	[sflag:s6] =	ssyncadd.s32 $0xFFFFC000  }
0x119: {  	[hbm4b:s28+s2] =	stream.linear.scatter [tilespmem:s5], [sflag:$0x2], $0x4000, $0x38;
	[tilespmem:$0x4080] =	vst v63  }
0x11a: {  	_ =	swait.ge [sflag:s3], $0x4000  }
0x11b: {  	[sflag:s3] =	ssyncset.done $0x0  }
0x11c: {  	[sflag:s3] =	ssyncadd.s32 $0xFFFFC000  }
0x11d: {  	[tilespmem:s2], [sflag:$0x2] =	stream.linear.gather [hbm4b:s29+s2], $0x80, $0x38;
	[tilespmem:$0x4080] =	vst v63  }
0x11e: {  	_ =	swait.ge [sflag:s3], $0x80  }
0x11f: {  	[sflag:s3] =	ssyncset.done $0x0  }
0x120: {  	p0 =	sne.s32 s31, $0x1;
	[sflag:s3] =	ssyncadd.s32 $0xFFFFFF80  }
0x121: {  	[tilespmem:s5], [sflag:$0x1] =	stream.indirect.gather [hbm4b:s4+s5], $0x80, s2, s5, $0xb8;
	[tilespmem:$0x4080] =	vst v63  }
.Ltmp1:
0x122: {  	_ =	swait.ge [sflag:s6], $0x4000;
	(pc) =	sbr.rel @p0 .LBB2_1-.Ltmp1, $4  }
0x123: {  	[sflag:s6] =	ssyncset.done $0x0  }
0x124: {  	[sflag:s6] =	ssyncadd.s32 $0xFFFFC000  }
0x125: {  	[hbm4b:s30+s2] =	stream.linear.scatter [tilespmem:s5], [sflag:$0x2], $0x4000, $0x38;
	[tilespmem:$0x4080] =	vst v63  }
0x126: {  	s31 =	sadd.s32 $0xFFFFFFFF, s31;
	_ =	swait.ge [sflag:s3], $0x4000  }
.LBB2_2:
0x127: {  	[sflag:s3] =	ssyncset.done $0x0  }
0x128: {  	[sflag:s3] =	ssyncadd.s32 $0xFFFFC000  }
0x129: {  	_ =	sfence.sel $0x180000  }
0x12a: {  	[bflag:$0x0] =	sbarrier.arrive $0xFFFF  }
0x12b: {  	_ =	strace $0x9000004A  }
0x12c: {  	s0 =	stileid.u32;
	[bflag:$0x2] =	sbarrier.arrive $0xFFFF  }
0x12d: {  	p0 =	sne.s32 s0, $0x0;
	s0 =	rddreg [dreg:$0x1]  }
0x12e: {  	s0 =	sadd.s32 @!p0 $0x100000, s0  }
0x12f: {  	[sflag:s0] =	ssyncadd.tile.s32 @!p0 $0x1;
	_ =	shalt  }
.Lfunc_end2:
_tile_overlayer_lowered:
.L_overlay_start_2:
0x130: {  	(tag) =	ssettag $0x2  }
0x131: {  	s0 =	rddreg [dreg:$0x0];
	s2 =	stileid.u32  }
0x132: {  	s1 =	rddreg [dreg:$0x1];
	p0 =	sne.s32 s2, $0x0  }
0x133: {  	s3 =	rddreg [dreg:$0x2];
	[bflag:$0x3] =	sbarrier.arrive $0xFFFF;
	s2 =	simm.s32 @!p0 $0x1C02  }
0x134: {  	[timem:s3], [sflag:s2] =	dma.local @!p0 [hbm:s0], s1  }
0x135: {  	s0 =	simm.s32 @!p0 $0x2  }
0x136: {  	_ =	swait.ge @!p0 [sflag:s0], s1  }
0x137: {  	s1 =	ssub.s32 @!p0 $0x0, s1;
	[sflag:s0] =	ssyncset.done @!p0 $0x0  }
0x138: {  	[sflag:s0] =	ssyncadd.s32 @!p0 s1  }
0x139: {  	[bflag:$0x3] =	sbarrier.arrive $0xFFFF  }
0x13a: {  	_ =	shalt  }

</sc_bundles>
